<compile_context>
chip_gen: v7x
topology: tpu7x:2x2x1
jax: 0.10.2.dev20260603
libtpu: 0.0.44.dev20260713+nightly
codegen_flags: <defaults>
</compile_context>

<pallas_src>
import jax
import jax.numpy as jnp
from jax import lax
from jax.experimental import pallas as pl
from jax.experimental.pallas import tpu as pltpu
from jax.experimental.pallas import tpu_sc as plsc

B = 4096
L = 200
DIM = 64
DPAD = 128
N = B * L
VOCAB = 1000000
SPLIT = 524288
LANES = 16

NUM_CORES = 2
NUM_SUBCORES = 16
NW = NUM_CORES * NUM_SUBCORES
PER_W = N // NW
CHUNK = 512
NCHUNK = PER_W // CHUNK
assert NCHUNK % 2 == 0

RB = 16384
TGRID = SPLIT // RB


def _tpose_body(ta_ref, tb_ref, out_ref):
    m = jnp.concatenate([ta_ref[...], tb_ref[...]], axis=0)
    out_ref[...] = m.T


def _repack_table(tt):
    return pl.pallas_call(
        _tpose_body,
        grid=(TGRID,),
        in_specs=[
            pl.BlockSpec((DIM, RB), lambda i: (0, i)),
            pl.BlockSpec((DIM, RB),
                         lambda i: (0, jnp.minimum(i + TGRID,
                                                   pl.cdiv(VOCAB, RB) - 1))),
        ],
        out_specs=pl.BlockSpec((RB, DPAD), lambda i: (i, 0)),
        out_shape=jax.ShapeDtypeStruct((SPLIT, DPAD), jnp.float32),
    )(tt, tt)


def _emb_body(idx_hbm, table_hbm, out_hbm,
              idx_v0, idx_v1, rows_v0, rows_v1,
              gsem0, gsem1, osem0, osem1):
    wid = lax.axis_index("s") * NUM_CORES + lax.axis_index("c")
    base = wid * PER_W

    idx_v = (idx_v0, idx_v1)
    rows_v = (rows_v0, rows_v1)
    gsem = (gsem0, gsem1)
    osem = (osem0, osem1)

    def start_gather(g, b):
        pltpu.sync_copy(idx_hbm.at[pl.ds(base + g * CHUNK, CHUNK)], idx_v[b])
        for k in range(CHUNK // LANES):
            sl = pl.ds(k * LANES, LANES)
            r = idx_v[b][sl]
            idx_v[b][sl] = jnp.where(r < SPLIT, 2 * r,
                                     2 * r - (2 * SPLIT - 1))
        pltpu.make_async_copy(table_hbm.at[idx_v[b]], rows_v[b],
                              gsem[b]).start()

    def wait_gather(b):
        pltpu.make_async_copy(table_hbm.at[idx_v[b]], rows_v[b],
                              gsem[b]).wait()

    def start_write(g, b):
        pltpu.make_async_copy(rows_v[b],
                              out_hbm.at[pl.ds(base + g * CHUNK, CHUNK),
                                         pl.ds(0, DIM)],
                              osem[b]).start()

    def wait_write(g, b):
        pltpu.make_async_copy(rows_v[b],
                              out_hbm.at[pl.ds(base + g * CHUNK, CHUNK),
                                         pl.ds(0, DIM)],
                              osem[b]).wait()

    start_gather(0, 0)

    def body(gg, _):
        for b in range(2):
            g = gg * 2 + b
            nb = 1 - b

            @pl.when(g + 1 < NCHUNK)
            def _():
                @pl.when(g >= 1)
                def _():
                    wait_write(g - 1, nb)
                start_gather(g + 1, nb)

            wait_gather(b)
            start_write(g, b)
        return 0

    lax.fori_loop(0, NCHUNK // 2, body, 0)
    wait_write(NCHUNK - 2, 0)
    wait_write(NCHUNK - 1, 1)


def kernel(x, table):
    xf = x.reshape(N)
    tbl = _repack_table(table.T).reshape(2 * SPLIT, DIM)
    mesh = plsc.VectorSubcoreMesh(core_axis_name="c", subcore_axis_name="s",
                                  num_cores=NUM_CORES,
                                  num_subcores=NUM_SUBCORES)
    out_pad = pl.kernel(
        _emb_body,
        out_type=jax.ShapeDtypeStruct((N, DPAD), jnp.float32),
        mesh=mesh,
        scratch_types=[
            pltpu.VMEM((CHUNK,), jnp.int32),
            pltpu.VMEM((CHUNK,), jnp.int32),
            pltpu.VMEM((CHUNK, DIM), jnp.float32),
            pltpu.VMEM((CHUNK, DIM), jnp.float32),
            pltpu.SemaphoreType.DMA,
            pltpu.SemaphoreType.DMA,
            pltpu.SemaphoreType.DMA,
            pltpu.SemaphoreType.DMA,
        ],
        compiler_params=pltpu.CompilerParams(use_tc_tiling_on_sc=False),
    )(xf, tbl)
    return out_pad[:, :DIM].reshape(B, L, DIM)

# --- scband reference (transcript-rebuilt; emitter-appended) ---
"""Pipeline reference for scband-custom-embedding-36266703847750 (READ-ONLY COPY).

The authoritative reference and input builder live on the scoring server;
editing this copy changes nothing except your own understanding.
"""

import jax, jax.numpy as jnp
import numpy as np

VOCAB = 1000000
DIM = 64
B = 4096
L = 200


def setup_inputs(seed: int = 0) -> dict:
    key = jax.random.key(seed)
    k1, k2 = jax.random.split(key)
    x = jax.random.randint(k1, (B, L), 0, VOCAB, dtype=jnp.int32)
    # pretrained word-vector table (stand-in for KeyedVectors.vectors)
    table = jax.random.normal(k2, (VOCAB, DIM), dtype=jnp.float32)
    # padding_idx=0 row conventionally zero
    table = table.at[0].set(0.0)
    return {"x": x, "table": table}


def reference(x, table):
    # nn.Embedding forward is a pure row-gather
    return jnp.take(table, x, axis=0)

if __name__ == "__main__":
    import jax
    _d = setup_inputs()
    print(jax.jit(kernel)(*tuple(_d.values())))

</pallas_src>

<mosaic_0001>
#map = affine_map<(d0, d1) -> (0)>
#map1 = affine_map<(d0, d1) -> (0, 0)>
module attributes {stable_mosaic.version = 14 : i64} {
  func.func @_emb_body(%arg0: i32, %arg1: i32, %arg2: memref<819200xi32, #tpu.memory_space<hbm>>, %arg3: memref<1048576x64xf32, #tpu.memory_space<hbm>>, %arg4: memref<819200x128xf32, #tpu.memory_space<hbm>>, %arg5: memref<512xi32, #tpu.memory_space<vmem>>, %arg6: memref<512xi32, #tpu.memory_space<vmem>>, %arg7: memref<512x64xf32, #tpu.memory_space<vmem>>, %arg8: memref<512x64xf32, #tpu.memory_space<vmem>>, %arg9: memref<!tpu.dma_semaphore, #tpu.memory_space<semaphore_mem>>, %arg10: memref<!tpu.dma_semaphore, #tpu.memory_space<semaphore_mem>>, %arg11: memref<!tpu.dma_semaphore, #tpu.memory_space<semaphore_mem>>, %arg12: memref<!tpu.dma_semaphore, #tpu.memory_space<semaphore_mem>>) attributes {dimension_semantics = [#tpu.dimension_semantics<core_parallel>, #tpu.dimension_semantics<subcore_parallel>], iteration_bounds = array<i64: 2, 16>, scalar_prefetch = 0 : i64, scratch_operands = 8 : i64, tpu.core_type = #tpu.core_type<sc_vector_subcore>, window_params = [{transform_indices = #map}, {transform_indices = #map1}, {transform_indices = #map1}]} {
    %mul3A = arith.constant 2 : i32
    %mul3A_0 = arith.muli %arg1, %mul3A : i32
    %add3A = arith.addi %mul3A_0, %arg0 : i32
    %mul3A_1 = arith.constant 25600 : i32
    %mul3A_2 = arith.muli %add3A, %mul3A_1 : i32
    %add3A_3 = arith.constant 0 : i32
    %add3A_4 = arith.addi %mul3A_2, %add3A_3 : i32
    "tpu.region"() ({
      %run_scoped3A = tpu.sem_alloc : memref<!tpu.dma_semaphore, #tpu.memory_space<semaphore_mem>>
      %dma_start3A_659 = tpu.memref_slice %arg2[%add3A_4] : memref<819200xi32, #tpu.memory_space<hbm>> -> memref<512xi32, #tpu.memory_space<hbm>>
      %dma_start3A_660 = tpu.memref_slice %arg2[%add3A_4] : memref<819200xi32, #tpu.memory_space<hbm>> -> memref<512xi32, #tpu.memory_space<hbm>>
      tpu.enqueue_dma source(%dma_start3A_660 : memref<512xi32, #tpu.memory_space<hbm>>) target(%arg5 : memref<512xi32, #tpu.memory_space<vmem>>) target_semaphore(%run_scoped3A : memref<!tpu.dma_semaphore, #tpu.memory_space<semaphore_mem>>)
      %dma_wait3A_661 = tpu.memref_slice %arg2[%add3A_4] : memref<819200xi32, #tpu.memory_space<hbm>> -> memref<512xi32, #tpu.memory_space<hbm>>
      %dma_wait3A_662 = tpu.memref_slice %arg2[%add3A_4] : memref<819200xi32, #tpu.memory_space<hbm>> -> memref<512xi32, #tpu.memory_space<hbm>>
      tpu.wait_dma2 semaphore(%run_scoped3A : memref<!tpu.dma_semaphore, #tpu.memory_space<semaphore_mem>>) src(%dma_wait3A_662 : memref<512xi32, #tpu.memory_space<hbm>>) dst(%arg5 : memref<512xi32, #tpu.memory_space<vmem>>)
      tpu.yield
    }) : () -> ()
    %get3A = arith.constant 0 : index
    %get3A_5 = tpu.vector_load %arg5[%get3A] {strides = array<i32>} : memref<512xi32, #tpu.memory_space<vmem>>, vector<16xi32>,
    %get3A_6 = vector.shape_cast %get3A_5 : vector<16xi32> to vector<16xi32>
    %lt3A = arith.constant 524288 : i32
    %lt3A_7 = vector.broadcast %lt3A : i32 to vector<16xi32>
    %lt3A_8 = arith.cmpi slt, %get3A_6, %lt3A_7 : vector<16xi32>
    %mul3A_9 = arith.constant 2 : i32
    %mul3A_10 = vector.broadcast %mul3A_9 : i32 to vector<16xi32>
    %mul3A_11 = arith.muli %mul3A_10, %get3A_6 : vector<16xi32>
    %mul3A_12 = arith.constant 2 : i32
    %mul3A_13 = vector.broadcast %mul3A_12 : i32 to vector<16xi32>
    %mul3A_14 = arith.muli %mul3A_13, %get3A_6 : vector<16xi32>
    %sub3A = arith.constant 1048575 : i32
    %sub3A_15 = vector.broadcast %sub3A : i32 to vector<16xi32>
    %sub3A_16 = arith.subi %mul3A_14, %sub3A_15 : vector<16xi32>
    %select_n3A = arith.select %lt3A_8, %mul3A_11, %sub3A_16 : vector<16xi1>, vector<16xi32>
    %swap3A = arith.constant 0 : index
    %swap3A_17 = tpu.vector_load %arg5[%swap3A] {strides = array<i32>} : memref<512xi32, #tpu.memory_space<vmem>>, vector<16xi32>,
    %swap3A_18 = vector.shape_cast %swap3A_17 : vector<16xi32> to vector<16xi32>
    %swap3A_19 = vector.shape_cast %select_n3A : vector<16xi32> to vector<16xi32>
    tpu.vector_store %arg5[%swap3A], %swap3A_19 {strides = array<i32>} : memref<512xi32, #tpu.memory_space<vmem>>, vector<16xi32>,
    %get3A_20 = arith.constant 16 : index
    %get3A_21 = tpu.vector_load %arg5[%get3A_20] {strides = array<i32>} : memref<512xi32, #tpu.memory_space<vmem>>, vector<16xi32>,
    %get3A_22 = vector.shape_cast %get3A_21 : vector<16xi32> to vector<16xi32>
    %lt3A_23 = arith.constant 524288 : i32
    %lt3A_24 = vector.broadcast %lt3A_23 : i32 to vector<16xi32>
    %lt3A_25 = arith.cmpi slt, %get3A_22, %lt3A_24 : vector<16xi32>
    %mul3A_26 = arith.constant 2 : i32
    %mul3A_27 = vector.broadcast %mul3A_26 : i32 to vector<16xi32>
    %mul3A_28 = arith.muli %mul3A_27, %get3A_22 : vector<16xi32>
    %mul3A_29 = arith.constant 2 : i32
    %mul3A_30 = vector.broadcast %mul3A_29 : i32 to vector<16xi32>
    %mul3A_31 = arith.muli %mul3A_30, %get3A_22 : vector<16xi32>
    %sub3A_32 = arith.constant 1048575 : i32
    %sub3A_33 = vector.broadcast %sub3A_32 : i32 to vector<16xi32>
    %sub3A_34 = arith.subi %mul3A_31, %sub3A_33 : vector<16xi32>
    %select_n3A_35 = arith.select %lt3A_25, %mul3A_28, %sub3A_34 : vector<16xi1>, vector<16xi32>
    %swap3A_36 = arith.constant 16 : index
    %swap3A_37 = tpu.vector_load %arg5[%swap3A_36] {strides = array<i32>} : memref<512xi32, #tpu.memory_space<vmem>>, vector<16xi32>,
    %swap3A_38 = vector.shape_cast %swap3A_37 : vector<16xi32> to vector<16xi32>
    %swap3A_39 = vector.shape_cast %select_n3A_35 : vector<16xi32> to vector<16xi32>
    tpu.vector_store %arg5[%swap3A_36], %swap3A_39 {strides = array<i32>} : memref<512xi32, #tpu.memory_space<vmem>>, vector<16xi32>,
    %get3A_40 = arith.constant 32 : index
    %get3A_41 = tpu.vector_load %arg5[%get3A_40] {strides = array<i32>} : memref<512xi32, #tpu.memory_space<vmem>>, vector<16xi32>,
    %get3A_42 = vector.shape_cast %get3A_41 : vector<16xi32> to vector<16xi32>
    %lt3A_43 = arith.constant 524288 : i32
    %lt3A_44 = vector.broadcast %lt3A_43 : i32 to vector<16xi32>
    %lt3A_45 = arith.cmpi slt, %get3A_42, %lt3A_44 : vector<16xi32>
    %mul3A_46 = arith.constant 2 : i32
    %mul3A_47 = vector.broadcast %mul3A_46 : i32 to vector<16xi32>
    %mul3A_48 = arith.muli %mul3A_47, %get3A_42 : vector<16xi32>
    %mul3A_49 = arith.constant 2 : i32
    %mul3A_50 = vector.broadcast %mul3A_49 : i32 to vector<16xi32>
    %mul3A_51 = arith.muli %mul3A_50, %get3A_42 : vector<16xi32>
    %sub3A_52 = arith.constant 1048575 : i32
    %sub3A_53 = vector.broadcast %sub3A_52 : i32 to vector<16xi32>
    %sub3A_54 = arith.subi %mul3A_51, %sub3A_53 : vector<16xi32>
    %select_n3A_55 = arith.select %lt3A_45, %mul3A_48, %sub3A_54 : vector<16xi1>, vector<16xi32>
    %swap3A_56 = arith.constant 32 : index
    %swap3A_57 = tpu.vector_load %arg5[%swap3A_56] {strides = array<i32>} : memref<512xi32, #tpu.memory_space<vmem>>, vector<16xi32>,
    %swap3A_58 = vector.shape_cast %swap3A_57 : vector<16xi32> to vector<16xi32>
    %swap3A_59 = vector.shape_cast %select_n3A_55 : vector<16xi32> to vector<16xi32>
    tpu.vector_store %arg5[%swap3A_56], %swap3A_59 {strides = array<i32>} : memref<512xi32, #tpu.memory_space<vmem>>, vector<16xi32>,
    %get3A_60 = arith.constant 48 : index
    %get3A_61 = tpu.vector_load %arg5[%get3A_60] {strides = array<i32>} : memref<512xi32, #tpu.memory_space<vmem>>, vector<16xi32>,
    %get3A_62 = vector.shape_cast %get3A_61 : vector<16xi32> to vector<16xi32>
    %lt3A_63 = arith.constant 524288 : i32
    %lt3A_64 = vector.broadcast %lt3A_63 : i32 to vector<16xi32>
    %lt3A_65 = arith.cmpi slt, %get3A_62, %lt3A_64 : vector<16xi32>
    %mul3A_66 = arith.constant 2 : i32
    %mul3A_67 = vector.broadcast %mul3A_66 : i32 to vector<16xi32>
    %mul3A_68 = arith.muli %mul3A_67, %get3A_62 : vector<16xi32>
    %mul3A_69 = arith.constant 2 : i32
    %mul3A_70 = vector.broadcast %mul3A_69 : i32 to vector<16xi32>
    %mul3A_71 = arith.muli %mul3A_70, %get3A_62 : vector<16xi32>
    %sub3A_72 = arith.constant 1048575 : i32
    %sub3A_73 = vector.broadcast %sub3A_72 : i32 to vector<16xi32>
    %sub3A_74 = arith.subi %mul3A_71, %sub3A_73 : vector<16xi32>
    %select_n3A_75 = arith.select %lt3A_65, %mul3A_68, %sub3A_74 : vector<16xi1>, vector<16xi32>
    %swap3A_76 = arith.constant 48 : index
    %swap3A_77 = tpu.vector_load %arg5[%swap3A_76] {strides = array<i32>} : memref<512xi32, #tpu.memory_space<vmem>>, vector<16xi32>,
    %swap3A_78 = vector.shape_cast %swap3A_77 : vector<16xi32> to vector<16xi32>
    %swap3A_79 = vector.shape_cast %select_n3A_75 : vector<16xi32> to vector<16xi32>
    tpu.vector_store %arg5[%swap3A_76], %swap3A_79 {strides = array<i32>} : memref<512xi32, #tpu.memory_space<vmem>>, vector<16xi32>,
    %get3A_80 = arith.constant 64 : index
    %get3A_81 = tpu.vector_load %arg5[%get3A_80] {strides = array<i32>} : memref<512xi32, #tpu.memory_space<vmem>>, vector<16xi32>,
    %get3A_82 = vector.shape_cast %get3A_81 : vector<16xi32> to vector<16xi32>
    %lt3A_83 = arith.constant 524288 : i32
    %lt3A_84 = vector.broadcast %lt3A_83 : i32 to vector<16xi32>
    %lt3A_85 = arith.cmpi slt, %get3A_82, %lt3A_84 : vector<16xi32>
    %mul3A_86 = arith.constant 2 : i32
    %mul3A_87 = vector.broadcast %mul3A_86 : i32 to vector<16xi32>
    %mul3A_88 = arith.muli %mul3A_87, %get3A_82 : vector<16xi32>
    %mul3A_89 = arith.constant 2 : i32
    %mul3A_90 = vector.broadcast %mul3A_89 : i32 to vector<16xi32>
    %mul3A_91 = arith.muli %mul3A_90, %get3A_82 : vector<16xi32>
    %sub3A_92 = arith.constant 1048575 : i32
    %sub3A_93 = vector.broadcast %sub3A_92 : i32 to vector<16xi32>
    %sub3A_94 = arith.subi %mul3A_91, %sub3A_93 : vector<16xi32>
    %select_n3A_95 = arith.select %lt3A_85, %mul3A_88, %sub3A_94 : vector<16xi1>, vector<16xi32>
    %swap3A_96 = arith.constant 64 : index
    %swap3A_97 = tpu.vector_load %arg5[%swap3A_96] {strides = array<i32>} : memref<512xi32, #tpu.memory_space<vmem>>, vector<16xi32>,
    %swap3A_98 = vector.shape_cast %swap3A_97 : vector<16xi32> to vector<16xi32>
    %swap3A_99 = vector.shape_cast %select_n3A_95 : vector<16xi32> to vector<16xi32>
    tpu.vector_store %arg5[%swap3A_96], %swap3A_99 {strides = array<i32>} : memref<512xi32, #tpu.memory_space<vmem>>, vector<16xi32>,
    %get3A_100 = arith.constant 80 : index
    %get3A_101 = tpu.vector_load %arg5[%get3A_100] {strides = array<i32>} : memref<512xi32, #tpu.memory_space<vmem>>, vector<16xi32>,
    %get3A_102 = vector.shape_cast %get3A_101 : vector<16xi32> to vector<16xi32>
    %lt3A_103 = arith.constant 524288 : i32
    %lt3A_104 = vector.broadcast %lt3A_103 : i32 to vector<16xi32>
    %lt3A_105 = arith.cmpi slt, %get3A_102, %lt3A_104 : vector<16xi32>
    %mul3A_106 = arith.constant 2 : i32
    %mul3A_107 = vector.broadcast %mul3A_106 : i32 to vector<16xi32>
    %mul3A_108 = arith.muli %mul3A_107, %get3A_102 : vector<16xi32>
    %mul3A_109 = arith.constant 2 : i32
    %mul3A_110 = vector.broadcast %mul3A_109 : i32 to vector<16xi32>
    %mul3A_111 = arith.muli %mul3A_110, %get3A_102 : vector<16xi32>
    %sub3A_112 = arith.constant 1048575 : i32
    %sub3A_113 = vector.broadcast %sub3A_112 : i32 to vector<16xi32>
    %sub3A_114 = arith.subi %mul3A_111, %sub3A_113 : vector<16xi32>
    %select_n3A_115 = arith.select %lt3A_105, %mul3A_108, %sub3A_114 : vector<16xi1>, vector<16xi32>
    %swap3A_116 = arith.constant 80 : index
    %swap3A_117 = tpu.vector_load %arg5[%swap3A_116] {strides = array<i32>} : memref<512xi32, #tpu.memory_space<vmem>>, vector<16xi32>,
    %swap3A_118 = vector.shape_cast %swap3A_117 : vector<16xi32> to vector<16xi32>
    %swap3A_119 = vector.shape_cast %select_n3A_115 : vector<16xi32> to vector<16xi32>
    tpu.vector_store %arg5[%swap3A_116], %swap3A_119 {strides = array<i32>} : memref<512xi32, #tpu.memory_space<vmem>>, vector<16xi32>,
    %get3A_120 = arith.constant 96 : index
    %get3A_121 = tpu.vector_load %arg5[%get3A_120] {strides = array<i32>} : memref<512xi32, #tpu.memory_space<vmem>>, vector<16xi32>,
    %get3A_122 = vector.shape_cast %get3A_121 : vector<16xi32> to vector<16xi32>
    %lt3A_123 = arith.constant 524288 : i32
    %lt3A_124 = vector.broadcast %lt3A_123 : i32 to vector<16xi32>
    %lt3A_125 = arith.cmpi slt, %get3A_122, %lt3A_124 : vector<16xi32>
    %mul3A_126 = arith.constant 2 : i32
    %mul3A_127 = vector.broadcast %mul3A_126 : i32 to vector<16xi32>
    %mul3A_128 = arith.muli %mul3A_127, %get3A_122 : vector<16xi32>
    %mul3A_129 = arith.constant 2 : i32
    %mul3A_130 = vector.broadcast %mul3A_129 : i32 to vector<16xi32>
    %mul3A_131 = arith.muli %mul3A_130, %get3A_122 : vector<16xi32>
    %sub3A_132 = arith.constant 1048575 : i32
    %sub3A_133 = vector.broadcast %sub3A_132 : i32 to vector<16xi32>
    %sub3A_134 = arith.subi %mul3A_131, %sub3A_133 : vector<16xi32>
    %select_n3A_135 = arith.select %lt3A_125, %mul3A_128, %sub3A_134 : vector<16xi1>, vector<16xi32>
    %swap3A_136 = arith.constant 96 : index
    %swap3A_137 = tpu.vector_load %arg5[%swap3A_136] {strides = array<i32>} : memref<512xi32, #tpu.memory_space<vmem>>, vector<16xi32>,
    %swap3A_138 = vector.shape_cast %swap3A_137 : vector<16xi32> to vector<16xi32>
    %swap3A_139 = vector.shape_cast %select_n3A_135 : vector<16xi32> to vector<16xi32>
    tpu.vector_store %arg5[%swap3A_136], %swap3A_139 {strides = array<i32>} : memref<512xi32, #tpu.memory_space<vmem>>, vector<16xi32>,
    %get3A_140 = arith.constant 112 : index
    %get3A_141 = tpu.vector_load %arg5[%get3A_140] {strides = array<i32>} : memref<512xi32, #tpu.memory_space<vmem>>, vector<16xi32>,
    %get3A_142 = vector.shape_cast %get3A_141 : vector<16xi32> to vector<16xi32>
    %lt3A_143 = arith.constant 524288 : i32
    %lt3A_144 = vector.broadcast %lt3A_143 : i32 to vector<16xi32>
    %lt3A_145 = arith.cmpi slt, %get3A_142, %lt3A_144 : vector<16xi32>
    %mul3A_146 = arith.constant 2 : i32
    %mul3A_147 = vector.broadcast %mul3A_146 : i32 to vector<16xi32>
    %mul3A_148 = arith.muli %mul3A_147, %get3A_142 : vector<16xi32>
    %mul3A_149 = arith.constant 2 : i32
    %mul3A_150 = vector.broadcast %mul3A_149 : i32 to vector<16xi32>
    %mul3A_151 = arith.muli %mul3A_150, %get3A_142 : vector<16xi32>
    %sub3A_152 = arith.constant 1048575 : i32
    %sub3A_153 = vector.broadcast %sub3A_152 : i32 to vector<16xi32>
    %sub3A_154 = arith.subi %mul3A_151, %sub3A_153 : vector<16xi32>
    %select_n3A_155 = arith.select %lt3A_145, %mul3A_148, %sub3A_154 : vector<16xi1>, vector<16xi32>
    %swap3A_156 = arith.constant 112 : index
    %swap3A_157 = tpu.vector_load %arg5[%swap3A_156] {strides = array<i32>} : memref<512xi32, #tpu.memory_space<vmem>>, vector<16xi32>,
    %swap3A_158 = vector.shape_cast %swap3A_157 : vector<16xi32> to vector<16xi32>
    %swap3A_159 = vector.shape_cast %select_n3A_155 : vector<16xi32> to vector<16xi32>
    tpu.vector_store %arg5[%swap3A_156], %swap3A_159 {strides = array<i32>} : memref<512xi32, #tpu.memory_space<vmem>>, vector<16xi32>,
    %get3A_160 = arith.constant 128 : index
    %get3A_161 = tpu.vector_load %arg5[%get3A_160] {strides = array<i32>} : memref<512xi32, #tpu.memory_space<vmem>>, vector<16xi32>,
    %get3A_162 = vector.shape_cast %get3A_161 : vector<16xi32> to vector<16xi32>
    %lt3A_163 = arith.constant 524288 : i32
    %lt3A_164 = vector.broadcast %lt3A_163 : i32 to vector<16xi32>
    %lt3A_165 = arith.cmpi slt, %get3A_162, %lt3A_164 : vector<16xi32>
    %mul3A_166 = arith.constant 2 : i32
    %mul3A_167 = vector.broadcast %mul3A_166 : i32 to vector<16xi32>
    %mul3A_168 = arith.muli %mul3A_167, %get3A_162 : vector<16xi32>
    %mul3A_169 = arith.constant 2 : i32
    %mul3A_170 = vector.broadcast %mul3A_169 : i32 to vector<16xi32>
    %mul3A_171 = arith.muli %mul3A_170, %get3A_162 : vector<16xi32>
    %sub3A_172 = arith.constant 1048575 : i32
    %sub3A_173 = vector.broadcast %sub3A_172 : i32 to vector<16xi32>
    %sub3A_174 = arith.subi %mul3A_171, %sub3A_173 : vector<16xi32>
    %select_n3A_175 = arith.select %lt3A_165, %mul3A_168, %sub3A_174 : vector<16xi1>, vector<16xi32>
    %swap3A_176 = arith.constant 128 : index
    %swap3A_177 = tpu.vector_load %arg5[%swap3A_176] {strides = array<i32>} : memref<512xi32, #tpu.memory_space<vmem>>, vector<16xi32>,
    %swap3A_178 = vector.shape_cast %swap3A_177 : vector<16xi32> to vector<16xi32>
    %swap3A_179 = vector.shape_cast %select_n3A_175 : vector<16xi32> to vector<16xi32>
    tpu.vector_store %arg5[%swap3A_176], %swap3A_179 {strides = array<i32>} : memref<512xi32, #tpu.memory_space<vmem>>, vector<16xi32>,
    %get3A_180 = arith.constant 144 : index
    %get3A_181 = tpu.vector_load %arg5[%get3A_180] {strides = array<i32>} : memref<512xi32, #tpu.memory_space<vmem>>, vector<16xi32>,
    %get3A_182 = vector.shape_cast %get3A_181 : vector<16xi32> to vector<16xi32>
    %lt3A_183 = arith.constant 524288 : i32
    %lt3A_184 = vector.broadcast %lt3A_183 : i32 to vector<16xi32>
    %lt3A_185 = arith.cmpi slt, %get3A_182, %lt3A_184 : vector<16xi32>
    %mul3A_186 = arith.constant 2 : i32
    %mul3A_187 = vector.broadcast %mul3A_186 : i32 to vector<16xi32>
    %mul3A_188 = arith.muli %mul3A_187, %get3A_182 : vector<16xi32>
    %mul3A_189 = arith.constant 2 : i32
    %mul3A_190 = vector.broadcast %mul3A_189 : i32 to vector<16xi32>
    %mul3A_191 = arith.muli %mul3A_190, %get3A_182 : vector<16xi32>
    %sub3A_192 = arith.constant 1048575 : i32
    %sub3A_193 = vector.broadcast %sub3A_192 : i32 to vector<16xi32>
    %sub3A_194 = arith.subi %mul3A_191, %sub3A_193 : vector<16xi32>
    %select_n3A_195 = arith.select %lt3A_185, %mul3A_188, %sub3A_194 : vector<16xi1>, vector<16xi32>
    %swap3A_196 = arith.constant 144 : index
    %swap3A_197 = tpu.vector_load %arg5[%swap3A_196] {strides = array<i32>} : memref<512xi32, #tpu.memory_space<vmem>>, vector<16xi32>,
    %swap3A_198 = vector.shape_cast %swap3A_197 : vector<16xi32> to vector<16xi32>
    %swap3A_199 = vector.shape_cast %select_n3A_195 : vector<16xi32> to vector<16xi32>
    tpu.vector_store %arg5[%swap3A_196], %swap3A_199 {strides = array<i32>} : memref<512xi32, #tpu.memory_space<vmem>>, vector<16xi32>,
    %get3A_200 = arith.constant 160 : index
    %get3A_201 = tpu.vector_load %arg5[%get3A_200] {strides = array<i32>} : memref<512xi32, #tpu.memory_space<vmem>>, vector<16xi32>,
    %get3A_202 = vector.shape_cast %get3A_201 : vector<16xi32> to vector<16xi32>
    %lt3A_203 = arith.constant 524288 : i32
    %lt3A_204 = vector.broadcast %lt3A_203 : i32 to vector<16xi32>
    %lt3A_205 = arith.cmpi slt, %get3A_202, %lt3A_204 : vector<16xi32>
    %mul3A_206 = arith.constant 2 : i32
    %mul3A_207 = vector.broadcast %mul3A_206 : i32 to vector<16xi32>
    %mul3A_208 = arith.muli %mul3A_207, %get3A_202 : vector<16xi32>
    %mul3A_209 = arith.constant 2 : i32
    %mul3A_210 = vector.broadcast %mul3A_209 : i32 to vector<16xi32>
    %mul3A_211 = arith.muli %mul3A_210, %get3A_202 : vector<16xi32>
    %sub3A_212 = arith.constant 1048575 : i32
    %sub3A_213 = vector.broadcast %sub3A_212 : i32 to vector<16xi32>
    %sub3A_214 = arith.subi %mul3A_211, %sub3A_213 : vector<16xi32>
    %select_n3A_215 = arith.select %lt3A_205, %mul3A_208, %sub3A_214 : vector<16xi1>, vector<16xi32>
    %swap3A_216 = arith.constant 160 : index
    %swap3A_217 = tpu.vector_load %arg5[%swap3A_216] {strides = array<i32>} : memref<512xi32, #tpu.memory_space<vmem>>, vector<16xi32>,
    %swap3A_218 = vector.shape_cast %swap3A_217 : vector<16xi32> to vector<16xi32>
    %swap3A_219 = vector.shape_cast %select_n3A_215 : vector<16xi32> to vector<16xi32>
    tpu.vector_store %arg5[%swap3A_216], %swap3A_219 {strides = array<i32>} : memref<512xi32, #tpu.memory_space<vmem>>, vector<16xi32>,
    %get3A_220 = arith.constant 176 : index
    %get3A_221 = tpu.vector_load %arg5[%get3A_220] {strides = array<i32>} : memref<512xi32, #tpu.memory_space<vmem>>, vector<16xi32>,
    %get3A_222 = vector.shape_cast %get3A_221 : vector<16xi32> to vector<16xi32>
    %lt3A_223 = arith.constant 524288 : i32
    %lt3A_224 = vector.broadcast %lt3A_223 : i32 to vector<16xi32>
    %lt3A_225 = arith.cmpi slt, %get3A_222, %lt3A_224 : vector<16xi32>
    %mul3A_226 = arith.constant 2 : i32
    %mul3A_227 = vector.broadcast %mul3A_226 : i32 to vector<16xi32>
    %mul3A_228 = arith.muli %mul3A_227, %get3A_222 : vector<16xi32>
    %mul3A_229 = arith.constant 2 : i32
    %mul3A_230 = vector.broadcast %mul3A_229 : i32 to vector<16xi32>
    %mul3A_231 = arith.muli %mul3A_230, %get3A_222 : vector<16xi32>
    %sub3A_232 = arith.constant 1048575 : i32
    %sub3A_233 = vector.broadcast %sub3A_232 : i32 to vector<16xi32>
    %sub3A_234 = arith.subi %mul3A_231, %sub3A_233 : vector<16xi32>
    %select_n3A_235 = arith.select %lt3A_225, %mul3A_228, %sub3A_234 : vector<16xi1>, vector<16xi32>
    %swap3A_236 = arith.constant 176 : index
    %swap3A_237 = tpu.vector_load %arg5[%swap3A_236] {strides = array<i32>} : memref<512xi32, #tpu.memory_space<vmem>>, vector<16xi32>,
    %swap3A_238 = vector.shape_cast %swap3A_237 : vector<16xi32> to vector<16xi32>
    %swap3A_239 = vector.shape_cast %select_n3A_235 : vector<16xi32> to vector<16xi32>
    tpu.vector_store %arg5[%swap3A_236], %swap3A_239 {strides = array<i32>} : memref<512xi32, #tpu.memory_space<vmem>>, vector<16xi32>,
    %get3A_240 = arith.constant 192 : index
    %get3A_241 = tpu.vector_load %arg5[%get3A_240] {strides = array<i32>} : memref<512xi32, #tpu.memory_space<vmem>>, vector<16xi32>,
    %get3A_242 = vector.shape_cast %get3A_241 : vector<16xi32> to vector<16xi32>
    %lt3A_243 = arith.constant 524288 : i32
    %lt3A_244 = vector.broadcast %lt3A_243 : i32 to vector<16xi32>
    %lt3A_245 = arith.cmpi slt, %get3A_242, %lt3A_244 : vector<16xi32>
    %mul3A_246 = arith.constant 2 : i32
    %mul3A_247 = vector.broadcast %mul3A_246 : i32 to vector<16xi32>
    %mul3A_248 = arith.muli %mul3A_247, %get3A_242 : vector<16xi32>
    %mul3A_249 = arith.constant 2 : i32
    %mul3A_250 = vector.broadcast %mul3A_249 : i32 to vector<16xi32>
    %mul3A_251 = arith.muli %mul3A_250, %get3A_242 : vector<16xi32>
    %sub3A_252 = arith.constant 1048575 : i32
    %sub3A_253 = vector.broadcast %sub3A_252 : i32 to vector<16xi32>
    %sub3A_254 = arith.subi %mul3A_251, %sub3A_253 : vector<16xi32>
    %select_n3A_255 = arith.select %lt3A_245, %mul3A_248, %sub3A_254 : vector<16xi1>, vector<16xi32>
    %swap3A_256 = arith.constant 192 : index
    %swap3A_257 = tpu.vector_load %arg5[%swap3A_256] {strides = array<i32>} : memref<512xi32, #tpu.memory_space<vmem>>, vector<16xi32>,
    %swap3A_258 = vector.shape_cast %swap3A_257 : vector<16xi32> to vector<16xi32>
    %swap3A_259 = vector.shape_cast %select_n3A_255 : vector<16xi32> to vector<16xi32>
    tpu.vector_store %arg5[%swap3A_256], %swap3A_259 {strides = array<i32>} : memref<512xi32, #tpu.memory_space<vmem>>, vector<16xi32>,
    %get3A_260 = arith.constant 208 : index
    %get3A_261 = tpu.vector_load %arg5[%get3A_260] {strides = array<i32>} : memref<512xi32, #tpu.memory_space<vmem>>, vector<16xi32>,
    %get3A_262 = vector.shape_cast %get3A_261 : vector<16xi32> to vector<16xi32>
    %lt3A_263 = arith.constant 524288 : i32
    %lt3A_264 = vector.broadcast %lt3A_263 : i32 to vector<16xi32>
    %lt3A_265 = arith.cmpi slt, %get3A_262, %lt3A_264 : vector<16xi32>
    %mul3A_266 = arith.constant 2 : i32
    %mul3A_267 = vector.broadcast %mul3A_266 : i32 to vector<16xi32>
    %mul3A_268 = arith.muli %mul3A_267, %get3A_262 : vector<16xi32>
    %mul3A_269 = arith.constant 2 : i32
    %mul3A_270 = vector.broadcast %mul3A_269 : i32 to vector<16xi32>
    %mul3A_271 = arith.muli %mul3A_270, %get3A_262 : vector<16xi32>
    %sub3A_272 = arith.constant 1048575 : i32
    %sub3A_273 = vector.broadcast %sub3A_272 : i32 to vector<16xi32>
    %sub3A_274 = arith.subi %mul3A_271, %sub3A_273 : vector<16xi32>
    %select_n3A_275 = arith.select %lt3A_265, %mul3A_268, %sub3A_274 : vector<16xi1>, vector<16xi32>
    %swap3A_276 = arith.constant 208 : index
    %swap3A_277 = tpu.vector_load %arg5[%swap3A_276] {strides = array<i32>} : memref<512xi32, #tpu.memory_space<vmem>>, vector<16xi32>,
    %swap3A_278 = vector.shape_cast %swap3A_277 : vector<16xi32> to vector<16xi32>
    %swap3A_279 = vector.shape_cast %select_n3A_275 : vector<16xi32> to vector<16xi32>
    tpu.vector_store %arg5[%swap3A_276], %swap3A_279 {strides = array<i32>} : memref<512xi32, #tpu.memory_space<vmem>>, vector<16xi32>,
    %get3A_280 = arith.constant 224 : index
    %get3A_281 = tpu.vector_load %arg5[%get3A_280] {strides = array<i32>} : memref<512xi32, #tpu.memory_space<vmem>>, vector<16xi32>,
    %get3A_282 = vector.shape_cast %get3A_281 : vector<16xi32> to vector<16xi32>
    %lt3A_283 = arith.constant 524288 : i32
    %lt3A_284 = vector.broadcast %lt3A_283 : i32 to vector<16xi32>
    %lt3A_285 = arith.cmpi slt, %get3A_282, %lt3A_284 : vector<16xi32>
    %mul3A_286 = arith.constant 2 : i32
    %mul3A_287 = vector.broadcast %mul3A_286 : i32 to vector<16xi32>
    %mul3A_288 = arith.muli %mul3A_287, %get3A_282 : vector<16xi32>
    %mul3A_289 = arith.constant 2 : i32
    %mul3A_290 = vector.broadcast %mul3A_289 : i32 to vector<16xi32>
    %mul3A_291 = arith.muli %mul3A_290, %get3A_282 : vector<16xi32>
    %sub3A_292 = arith.constant 1048575 : i32
    %sub3A_293 = vector.broadcast %sub3A_292 : i32 to vector<16xi32>
    %sub3A_294 = arith.subi %mul3A_291, %sub3A_293 : vector<16xi32>
    %select_n3A_295 = arith.select %lt3A_285, %mul3A_288, %sub3A_294 : vector<16xi1>, vector<16xi32>
    %swap3A_296 = arith.constant 224 : index
    %swap3A_297 = tpu.vector_load %arg5[%swap3A_296] {strides = array<i32>} : memref<512xi32, #tpu.memory_space<vmem>>, vector<16xi32>,
    %swap3A_298 = vector.shape_cast %swap3A_297 : vector<16xi32> to vector<16xi32>
    %swap3A_299 = vector.shape_cast %select_n3A_295 : vector<16xi32> to vector<16xi32>
    tpu.vector_store %arg5[%swap3A_296], %swap3A_299 {strides = array<i32>} : memref<512xi32, #tpu.memory_space<vmem>>, vector<16xi32>,
    %get3A_300 = arith.constant 240 : index
    %get3A_301 = tpu.vector_load %arg5[%get3A_300] {strides = array<i32>} : memref<512xi32, #tpu.memory_space<vmem>>, vector<16xi32>,
    %get3A_302 = vector.shape_cast %get3A_301 : vector<16xi32> to vector<16xi32>
    %lt3A_303 = arith.constant 524288 : i32
    %lt3A_304 = vector.broadcast %lt3A_303 : i32 to vector<16xi32>
    %lt3A_305 = arith.cmpi slt, %get3A_302, %lt3A_304 : vector<16xi32>
    %mul3A_306 = arith.constant 2 : i32
    %mul3A_307 = vector.broadcast %mul3A_306 : i32 to vector<16xi32>
    %mul3A_308 = arith.muli %mul3A_307, %get3A_302 : vector<16xi32>
    %mul3A_309 = arith.constant 2 : i32
    %mul3A_310 = vector.broadcast %mul3A_309 : i32 to vector<16xi32>
    %mul3A_311 = arith.muli %mul3A_310, %get3A_302 : vector<16xi32>
    %sub3A_312 = arith.constant 1048575 : i32
    %sub3A_313 = vector.broadcast %sub3A_312 : i32 to vector<16xi32>
    %sub3A_314 = arith.subi %mul3A_311, %sub3A_313 : vector<16xi32>
    %select_n3A_315 = arith.select %lt3A_305, %mul3A_308, %sub3A_314 : vector<16xi1>, vector<16xi32>
    %swap3A_316 = arith.constant 240 : index
    %swap3A_317 = tpu.vector_load %arg5[%swap3A_316] {strides = array<i32>} : memref<512xi32, #tpu.memory_space<vmem>>, vector<16xi32>,
    %swap3A_318 = vector.shape_cast %swap3A_317 : vector<16xi32> to vector<16xi32>
    %swap3A_319 = vector.shape_cast %select_n3A_315 : vector<16xi32> to vector<16xi32>
    tpu.vector_store %arg5[%swap3A_316], %swap3A_319 {strides = array<i32>} : memref<512xi32, #tpu.memory_space<vmem>>, vector<16xi32>,
    %get3A_320 = arith.constant 256 : index
    %get3A_321 = tpu.vector_load %arg5[%get3A_320] {strides = array<i32>} : memref<512xi32, #tpu.memory_space<vmem>>, vector<16xi32>,
    %get3A_322 = vector.shape_cast %get3A_321 : vector<16xi32> to vector<16xi32>
    %lt3A_323 = arith.constant 524288 : i32
    %lt3A_324 = vector.broadcast %lt3A_323 : i32 to vector<16xi32>
    %lt3A_325 = arith.cmpi slt, %get3A_322, %lt3A_324 : vector<16xi32>
    %mul3A_326 = arith.constant 2 : i32
    %mul3A_327 = vector.broadcast %mul3A_326 : i32 to vector<16xi32>
    %mul3A_328 = arith.muli %mul3A_327, %get3A_322 : vector<16xi32>
    %mul3A_329 = arith.constant 2 : i32
    %mul3A_330 = vector.broadcast %mul3A_329 : i32 to vector<16xi32>
    %mul3A_331 = arith.muli %mul3A_330, %get3A_322 : vector<16xi32>
    %sub3A_332 = arith.constant 1048575 : i32
    %sub3A_333 = vector.broadcast %sub3A_332 : i32 to vector<16xi32>
    %sub3A_334 = arith.subi %mul3A_331, %sub3A_333 : vector<16xi32>
    %select_n3A_335 = arith.select %lt3A_325, %mul3A_328, %sub3A_334 : vector<16xi1>, vector<16xi32>
    %swap3A_336 = arith.constant 256 : index
    %swap3A_337 = tpu.vector_load %arg5[%swap3A_336] {strides = array<i32>} : memref<512xi32, #tpu.memory_space<vmem>>, vector<16xi32>,
    %swap3A_338 = vector.shape_cast %swap3A_337 : vector<16xi32> to vector<16xi32>
    %swap3A_339 = vector.shape_cast %select_n3A_335 : vector<16xi32> to vector<16xi32>
    tpu.vector_store %arg5[%swap3A_336], %swap3A_339 {strides = array<i32>} : memref<512xi32, #tpu.memory_space<vmem>>, vector<16xi32>,
    %get3A_340 = arith.constant 272 : index
    %get3A_341 = tpu.vector_load %arg5[%get3A_340] {strides = array<i32>} : memref<512xi32, #tpu.memory_space<vmem>>, vector<16xi32>,
    %get3A_342 = vector.shape_cast %get3A_341 : vector<16xi32> to vector<16xi32>
    %lt3A_343 = arith.constant 524288 : i32
    %lt3A_344 = vector.broadcast %lt3A_343 : i32 to vector<16xi32>
    %lt3A_345 = arith.cmpi slt, %get3A_342, %lt3A_344 : vector<16xi32>
    %mul3A_346 = arith.constant 2 : i32
    %mul3A_347 = vector.broadcast %mul3A_346 : i32 to vector<16xi32>
    %mul3A_348 = arith.muli %mul3A_347, %get3A_342 : vector<16xi32>
    %mul3A_349 = arith.constant 2 : i32
    %mul3A_350 = vector.broadcast %mul3A_349 : i32 to vector<16xi32>
    %mul3A_351 = arith.muli %mul3A_350, %get3A_342 : vector<16xi32>
    %sub3A_352 = arith.constant 1048575 : i32
    %sub3A_353 = vector.broadcast %sub3A_352 : i32 to vector<16xi32>
    %sub3A_354 = arith.subi %mul3A_351, %sub3A_353 : vector<16xi32>
    %select_n3A_355 = arith.select %lt3A_345, %mul3A_348, %sub3A_354 : vector<16xi1>, vector<16xi32>
    %swap3A_356 = arith.constant 272 : index
    %swap3A_357 = tpu.vector_load %arg5[%swap3A_356] {strides = array<i32>} : memref<512xi32, #tpu.memory_space<vmem>>, vector<16xi32>,
    %swap3A_358 = vector.shape_cast %swap3A_357 : vector<16xi32> to vector<16xi32>
    %swap3A_359 = vector.shape_cast %select_n3A_355 : vector<16xi32> to vector<16xi32>
    tpu.vector_store %arg5[%swap3A_356], %swap3A_359 {strides = array<i32>} : memref<512xi32, #tpu.memory_space<vmem>>, vector<16xi32>,
    %get3A_360 = arith.constant 288 : index
    %get3A_361 = tpu.vector_load %arg5[%get3A_360] {strides = array<i32>} : memref<512xi32, #tpu.memory_space<vmem>>, vector<16xi32>,
    %get3A_362 = vector.shape_cast %get3A_361 : vector<16xi32> to vector<16xi32>
    %lt3A_363 = arith.constant 524288 : i32
    %lt3A_364 = vector.broadcast %lt3A_363 : i32 to vector<16xi32>
    %lt3A_365 = arith.cmpi slt, %get3A_362, %lt3A_364 : vector<16xi32>
    %mul3A_366 = arith.constant 2 : i32
    %mul3A_367 = vector.broadcast %mul3A_366 : i32 to vector<16xi32>
    %mul3A_368 = arith.muli %mul3A_367, %get3A_362 : vector<16xi32>
    %mul3A_369 = arith.constant 2 : i32
    %mul3A_370 = vector.broadcast %mul3A_369 : i32 to vector<16xi32>
    %mul3A_371 = arith.muli %mul3A_370, %get3A_362 : vector<16xi32>
    %sub3A_372 = arith.constant 1048575 : i32
    %sub3A_373 = vector.broadcast %sub3A_372 : i32 to vector<16xi32>
    %sub3A_374 = arith.subi %mul3A_371, %sub3A_373 : vector<16xi32>
    %select_n3A_375 = arith.select %lt3A_365, %mul3A_368, %sub3A_374 : vector<16xi1>, vector<16xi32>
    %swap3A_376 = arith.constant 288 : index
    %swap3A_377 = tpu.vector_load %arg5[%swap3A_376] {strides = array<i32>} : memref<512xi32, #tpu.memory_space<vmem>>, vector<16xi32>,
    %swap3A_378 = vector.shape_cast %swap3A_377 : vector<16xi32> to vector<16xi32>
    %swap3A_379 = vector.shape_cast %select_n3A_375 : vector<16xi32> to vector<16xi32>
    tpu.vector_store %arg5[%swap3A_376], %swap3A_379 {strides = array<i32>} : memref<512xi32, #tpu.memory_space<vmem>>, vector<16xi32>,
    %get3A_380 = arith.constant 304 : index
    %get3A_381 = tpu.vector_load %arg5[%get3A_380] {strides = array<i32>} : memref<512xi32, #tpu.memory_space<vmem>>, vector<16xi32>,
    %get3A_382 = vector.shape_cast %get3A_381 : vector<16xi32> to vector<16xi32>
    %lt3A_383 = arith.constant 524288 : i32
    %lt3A_384 = vector.broadcast %lt3A_383 : i32 to vector<16xi32>
    %lt3A_385 = arith.cmpi slt, %get3A_382, %lt3A_384 : vector<16xi32>
    %mul3A_386 = arith.constant 2 : i32
    %mul3A_387 = vector.broadcast %mul3A_386 : i32 to vector<16xi32>
    %mul3A_388 = arith.muli %mul3A_387, %get3A_382 : vector<16xi32>
    %mul3A_389 = arith.constant 2 : i32
    %mul3A_390 = vector.broadcast %mul3A_389 : i32 to vector<16xi32>
    %mul3A_391 = arith.muli %mul3A_390, %get3A_382 : vector<16xi32>
    %sub3A_392 = arith.constant 1048575 : i32
    %sub3A_393 = vector.broadcast %sub3A_392 : i32 to vector<16xi32>
    %sub3A_394 = arith.subi %mul3A_391, %sub3A_393 : vector<16xi32>
    %select_n3A_395 = arith.select %lt3A_385, %mul3A_388, %sub3A_394 : vector<16xi1>, vector<16xi32>
    %swap3A_396 = arith.constant 304 : index
    %swap3A_397 = tpu.vector_load %arg5[%swap3A_396] {strides = array<i32>} : memref<512xi32, #tpu.memory_space<vmem>>, vector<16xi32>,
    %swap3A_398 = vector.shape_cast %swap3A_397 : vector<16xi32> to vector<16xi32>
    %swap3A_399 = vector.shape_cast %select_n3A_395 : vector<16xi32> to vector<16xi32>
    tpu.vector_store %arg5[%swap3A_396], %swap3A_399 {strides = array<i32>} : memref<512xi32, #tpu.memory_space<vmem>>, vector<16xi32>,
    %get3A_400 = arith.constant 320 : index
    %get3A_401 = tpu.vector_load %arg5[%get3A_400] {strides = array<i32>} : memref<512xi32, #tpu.memory_space<vmem>>, vector<16xi32>,
    %get3A_402 = vector.shape_cast %get3A_401 : vector<16xi32> to vector<16xi32>
    %lt3A_403 = arith.constant 524288 : i32
    %lt3A_404 = vector.broadcast %lt3A_403 : i32 to vector<16xi32>
    %lt3A_405 = arith.cmpi slt, %get3A_402, %lt3A_404 : vector<16xi32>
    %mul3A_406 = arith.constant 2 : i32
    %mul3A_407 = vector.broadcast %mul3A_406 : i32 to vector<16xi32>
    %mul3A_408 = arith.muli %mul3A_407, %get3A_402 : vector<16xi32>
    %mul3A_409 = arith.constant 2 : i32
    %mul3A_410 = vector.broadcast %mul3A_409 : i32 to vector<16xi32>
    %mul3A_411 = arith.muli %mul3A_410, %get3A_402 : vector<16xi32>
    %sub3A_412 = arith.constant 1048575 : i32
    %sub3A_413 = vector.broadcast %sub3A_412 : i32 to vector<16xi32>
    %sub3A_414 = arith.subi %mul3A_411, %sub3A_413 : vector<16xi32>
    %select_n3A_415 = arith.select %lt3A_405, %mul3A_408, %sub3A_414 : vector<16xi1>, vector<16xi32>
    %swap3A_416 = arith.constant 320 : index
    %swap3A_417 = tpu.vector_load %arg5[%swap3A_416] {strides = array<i32>} : memref<512xi32, #tpu.memory_space<vmem>>, vector<16xi32>,
    %swap3A_418 = vector.shape_cast %swap3A_417 : vector<16xi32> to vector<16xi32>
    %swap3A_419 = vector.shape_cast %select_n3A_415 : vector<16xi32> to vector<16xi32>
    tpu.vector_store %arg5[%swap3A_416], %swap3A_419 {strides = array<i32>} : memref<512xi32, #tpu.memory_space<vmem>>, vector<16xi32>,
    %get3A_420 = arith.constant 336 : index
    %get3A_421 = tpu.vector_load %arg5[%get3A_420] {strides = array<i32>} : memref<512xi32, #tpu.memory_space<vmem>>, vector<16xi32>,
    %get3A_422 = vector.shape_cast %get3A_421 : vector<16xi32> to vector<16xi32>
    %lt3A_423 = arith.constant 524288 : i32
    %lt3A_424 = vector.broadcast %lt3A_423 : i32 to vector<16xi32>
    %lt3A_425 = arith.cmpi slt, %get3A_422, %lt3A_424 : vector<16xi32>
    %mul3A_426 = arith.constant 2 : i32
    %mul3A_427 = vector.broadcast %mul3A_426 : i32 to vector<16xi32>
    %mul3A_428 = arith.muli %mul3A_427, %get3A_422 : vector<16xi32>
    %mul3A_429 = arith.constant 2 : i32
    %mul3A_430 = vector.broadcast %mul3A_429 : i32 to vector<16xi32>
    %mul3A_431 = arith.muli %mul3A_430, %get3A_422 : vector<16xi32>
    %sub3A_432 = arith.constant 1048575 : i32
    %sub3A_433 = vector.broadcast %sub3A_432 : i32 to vector<16xi32>
    %sub3A_434 = arith.subi %mul3A_431, %sub3A_433 : vector<16xi32>
    %select_n3A_435 = arith.select %lt3A_425, %mul3A_428, %sub3A_434 : vector<16xi1>, vector<16xi32>
    %swap3A_436 = arith.constant 336 : index
    %swap3A_437 = tpu.vector_load %arg5[%swap3A_436] {strides = array<i32>} : memref<512xi32, #tpu.memory_space<vmem>>, vector<16xi32>,
    %swap3A_438 = vector.shape_cast %swap3A_437 : vector<16xi32> to vector<16xi32>
    %swap3A_439 = vector.shape_cast %select_n3A_435 : vector<16xi32> to vector<16xi32>
    tpu.vector_store %arg5[%swap3A_436], %swap3A_439 {strides = array<i32>} : memref<512xi32, #tpu.memory_space<vmem>>, vector<16xi32>,
    %get3A_440 = arith.constant 352 : index
    %get3A_441 = tpu.vector_load %arg5[%get3A_440] {strides = array<i32>} : memref<512xi32, #tpu.memory_space<vmem>>, vector<16xi32>,
    %get3A_442 = vector.shape_cast %get3A_441 : vector<16xi32> to vector<16xi32>
    %lt3A_443 = arith.constant 524288 : i32
    %lt3A_444 = vector.broadcast %lt3A_443 : i32 to vector<16xi32>
    %lt3A_445 = arith.cmpi slt, %get3A_442, %lt3A_444 : vector<16xi32>
    %mul3A_446 = arith.constant 2 : i32
    %mul3A_447 = vector.broadcast %mul3A_446 : i32 to vector<16xi32>
    %mul3A_448 = arith.muli %mul3A_447, %get3A_442 : vector<16xi32>
    %mul3A_449 = arith.constant 2 : i32
    %mul3A_450 = vector.broadcast %mul3A_449 : i32 to vector<16xi32>
    %mul3A_451 = arith.muli %mul3A_450, %get3A_442 : vector<16xi32>
    %sub3A_452 = arith.constant 1048575 : i32
    %sub3A_453 = vector.broadcast %sub3A_452 : i32 to vector<16xi32>
    %sub3A_454 = arith.subi %mul3A_451, %sub3A_453 : vector<16xi32>
    %select_n3A_455 = arith.select %lt3A_445, %mul3A_448, %sub3A_454 : vector<16xi1>, vector<16xi32>
    %swap3A_456 = arith.constant 352 : index
    %swap3A_457 = tpu.vector_load %arg5[%swap3A_456] {strides = array<i32>} : memref<512xi32, #tpu.memory_space<vmem>>, vector<16xi32>,
    %swap3A_458 = vector.shape_cast %swap3A_457 : vector<16xi32> to vector<16xi32>
    %swap3A_459 = vector.shape_cast %select_n3A_455 : vector<16xi32> to vector<16xi32>
    tpu.vector_store %arg5[%swap3A_456], %swap3A_459 {strides = array<i32>} : memref<512xi32, #tpu.memory_space<vmem>>, vector<16xi32>,
    %get3A_460 = arith.constant 368 : index
    %get3A_461 = tpu.vector_load %arg5[%get3A_460] {strides = array<i32>} : memref<512xi32, #tpu.memory_space<vmem>>, vector<16xi32>,
    %get3A_462 = vector.shape_cast %get3A_461 : vector<16xi32> to vector<16xi32>
    %lt3A_463 = arith.constant 524288 : i32
    %lt3A_464 = vector.broadcast %lt3A_463 : i32 to vector<16xi32>
    %lt3A_465 = arith.cmpi slt, %get3A_462, %lt3A_464 : vector<16xi32>
    %mul3A_466 = arith.constant 2 : i32
    %mul3A_467 = vector.broadcast %mul3A_466 : i32 to vector<16xi32>
    %mul3A_468 = arith.muli %mul3A_467, %get3A_462 : vector<16xi32>
    %mul3A_469 = arith.constant 2 : i32
    %mul3A_470 = vector.broadcast %mul3A_469 : i32 to vector<16xi32>
    %mul3A_471 = arith.muli %mul3A_470, %get3A_462 : vector<16xi32>
    %sub3A_472 = arith.constant 1048575 : i32
    %sub3A_473 = vector.broadcast %sub3A_472 : i32 to vector<16xi32>
    %sub3A_474 = arith.subi %mul3A_471, %sub3A_473 : vector<16xi32>
    %select_n3A_475 = arith.select %lt3A_465, %mul3A_468, %sub3A_474 : vector<16xi1>, vector<16xi32>
    %swap3A_476 = arith.constant 368 : index
    %swap3A_477 = tpu.vector_load %arg5[%swap3A_476] {strides = array<i32>} : memref<512xi32, #tpu.memory_space<vmem>>, vector<16xi32>,
    %swap3A_478 = vector.shape_cast %swap3A_477 : vector<16xi32> to vector<16xi32>
    %swap3A_479 = vector.shape_cast %select_n3A_475 : vector<16xi32> to vector<16xi32>
    tpu.vector_store %arg5[%swap3A_476], %swap3A_479 {strides = array<i32>} : memref<512xi32, #tpu.memory_space<vmem>>, vector<16xi32>,
    %get3A_480 = arith.constant 384 : index
    %get3A_481 = tpu.vector_load %arg5[%get3A_480] {strides = array<i32>} : memref<512xi32, #tpu.memory_space<vmem>>, vector<16xi32>,
    %get3A_482 = vector.shape_cast %get3A_481 : vector<16xi32> to vector<16xi32>
    %lt3A_483 = arith.constant 524288 : i32
    %lt3A_484 = vector.broadcast %lt3A_483 : i32 to vector<16xi32>
    %lt3A_485 = arith.cmpi slt, %get3A_482, %lt3A_484 : vector<16xi32>
    %mul3A_486 = arith.constant 2 : i32
    %mul3A_487 = vector.broadcast %mul3A_486 : i32 to vector<16xi32>
    %mul3A_488 = arith.muli %mul3A_487, %get3A_482 : vector<16xi32>
    %mul3A_489 = arith.constant 2 : i32
    %mul3A_490 = vector.broadcast %mul3A_489 : i32 to vector<16xi32>
    %mul3A_491 = arith.muli %mul3A_490, %get3A_482 : vector<16xi32>
    %sub3A_492 = arith.constant 1048575 : i32
    %sub3A_493 = vector.broadcast %sub3A_492 : i32 to vector<16xi32>
    %sub3A_494 = arith.subi %mul3A_491, %sub3A_493 : vector<16xi32>
    %select_n3A_495 = arith.select %lt3A_485, %mul3A_488, %sub3A_494 : vector<16xi1>, vector<16xi32>
    %swap3A_496 = arith.constant 384 : index
    %swap3A_497 = tpu.vector_load %arg5[%swap3A_496] {strides = array<i32>} : memref<512xi32, #tpu.memory_space<vmem>>, vector<16xi32>,
    %swap3A_498 = vector.shape_cast %swap3A_497 : vector<16xi32> to vector<16xi32>
    %swap3A_499 = vector.shape_cast %select_n3A_495 : vector<16xi32> to vector<16xi32>
    tpu.vector_store %arg5[%swap3A_496], %swap3A_499 {strides = array<i32>} : memref<512xi32, #tpu.memory_space<vmem>>, vector<16xi32>,
    %get3A_500 = arith.constant 400 : index
    %get3A_501 = tpu.vector_load %arg5[%get3A_500] {strides = array<i32>} : memref<512xi32, #tpu.memory_space<vmem>>, vector<16xi32>,
    %get3A_502 = vector.shape_cast %get3A_501 : vector<16xi32> to vector<16xi32>
    %lt3A_503 = arith.constant 524288 : i32
    %lt3A_504 = vector.broadcast %lt3A_503 : i32 to vector<16xi32>
    %lt3A_505 = arith.cmpi slt, %get3A_502, %lt3A_504 : vector<16xi32>
    %mul3A_506 = arith.constant 2 : i32
    %mul3A_507 = vector.broadcast %mul3A_506 : i32 to vector<16xi32>
    %mul3A_508 = arith.muli %mul3A_507, %get3A_502 : vector<16xi32>
    %mul3A_509 = arith.constant 2 : i32
    %mul3A_510 = vector.broadcast %mul3A_509 : i32 to vector<16xi32>
    %mul3A_511 = arith.muli %mul3A_510, %get3A_502 : vector<16xi32>
    %sub3A_512 = arith.constant 1048575 : i32
    %sub3A_513 = vector.broadcast %sub3A_512 : i32 to vector<16xi32>
    %sub3A_514 = arith.subi %mul3A_511, %sub3A_513 : vector<16xi32>
    %select_n3A_515 = arith.select %lt3A_505, %mul3A_508, %sub3A_514 : vector<16xi1>, vector<16xi32>
    %swap3A_516 = arith.constant 400 : index
    %swap3A_517 = tpu.vector_load %arg5[%swap3A_516] {strides = array<i32>} : memref<512xi32, #tpu.memory_space<vmem>>, vector<16xi32>,
    %swap3A_518 = vector.shape_cast %swap3A_517 : vector<16xi32> to vector<16xi32>
    %swap3A_519 = vector.shape_cast %select_n3A_515 : vector<16xi32> to vector<16xi32>
    tpu.vector_store %arg5[%swap3A_516], %swap3A_519 {strides = array<i32>} : memref<512xi32, #tpu.memory_space<vmem>>, vector<16xi32>,
    %get3A_520 = arith.constant 416 : index
    %get3A_521 = tpu.vector_load %arg5[%get3A_520] {strides = array<i32>} : memref<512xi32, #tpu.memory_space<vmem>>, vector<16xi32>,
    %get3A_522 = vector.shape_cast %get3A_521 : vector<16xi32> to vector<16xi32>
    %lt3A_523 = arith.constant 524288 : i32
    %lt3A_524 = vector.broadcast %lt3A_523 : i32 to vector<16xi32>
    %lt3A_525 = arith.cmpi slt, %get3A_522, %lt3A_524 : vector<16xi32>
    %mul3A_526 = arith.constant 2 : i32
    %mul3A_527 = vector.broadcast %mul3A_526 : i32 to vector<16xi32>
    %mul3A_528 = arith.muli %mul3A_527, %get3A_522 : vector<16xi32>
    %mul3A_529 = arith.constant 2 : i32
    %mul3A_530 = vector.broadcast %mul3A_529 : i32 to vector<16xi32>
    %mul3A_531 = arith.muli %mul3A_530, %get3A_522 : vector<16xi32>
    %sub3A_532 = arith.constant 1048575 : i32
    %sub3A_533 = vector.broadcast %sub3A_532 : i32 to vector<16xi32>
    %sub3A_534 = arith.subi %mul3A_531, %sub3A_533 : vector<16xi32>
    %select_n3A_535 = arith.select %lt3A_525, %mul3A_528, %sub3A_534 : vector<16xi1>, vector<16xi32>
    %swap3A_536 = arith.constant 416 : index
    %swap3A_537 = tpu.vector_load %arg5[%swap3A_536] {strides = array<i32>} : memref<512xi32, #tpu.memory_space<vmem>>, vector<16xi32>,
    %swap3A_538 = vector.shape_cast %swap3A_537 : vector<16xi32> to vector<16xi32>
    %swap3A_539 = vector.shape_cast %select_n3A_535 : vector<16xi32> to vector<16xi32>
    tpu.vector_store %arg5[%swap3A_536], %swap3A_539 {strides = array<i32>} : memref<512xi32, #tpu.memory_space<vmem>>, vector<16xi32>,
    %get3A_540 = arith.constant 432 : index
    %get3A_541 = tpu.vector_load %arg5[%get3A_540] {strides = array<i32>} : memref<512xi32, #tpu.memory_space<vmem>>, vector<16xi32>,
    %get3A_542 = vector.shape_cast %get3A_541 : vector<16xi32> to vector<16xi32>
    %lt3A_543 = arith.constant 524288 : i32
    %lt3A_544 = vector.broadcast %lt3A_543 : i32 to vector<16xi32>
    %lt3A_545 = arith.cmpi slt, %get3A_542, %lt3A_544 : vector<16xi32>
    %mul3A_546 = arith.constant 2 : i32
    %mul3A_547 = vector.broadcast %mul3A_546 : i32 to vector<16xi32>
    %mul3A_548 = arith.muli %mul3A_547, %get3A_542 : vector<16xi32>
    %mul3A_549 = arith.constant 2 : i32
    %mul3A_550 = vector.broadcast %mul3A_549 : i32 to vector<16xi32>
    %mul3A_551 = arith.muli %mul3A_550, %get3A_542 : vector<16xi32>
    %sub3A_552 = arith.constant 1048575 : i32
    %sub3A_553 = vector.broadcast %sub3A_552 : i32 to vector<16xi32>
    %sub3A_554 = arith.subi %mul3A_551, %sub3A_553 : vector<16xi32>
    %select_n3A_555 = arith.select %lt3A_545, %mul3A_548, %sub3A_554 : vector<16xi1>, vector<16xi32>
    %swap3A_556 = arith.constant 432 : index
    %swap3A_557 = tpu.vector_load %arg5[%swap3A_556] {strides = array<i32>} : memref<512xi32, #tpu.memory_space<vmem>>, vector<16xi32>,
    %swap3A_558 = vector.shape_cast %swap3A_557 : vector<16xi32> to vector<16xi32>
    %swap3A_559 = vector.shape_cast %select_n3A_555 : vector<16xi32> to vector<16xi32>
    tpu.vector_store %arg5[%swap3A_556], %swap3A_559 {strides = array<i32>} : memref<512xi32, #tpu.memory_space<vmem>>, vector<16xi32>,
    %get3A_560 = arith.constant 448 : index
    %get3A_561 = tpu.vector_load %arg5[%get3A_560] {strides = array<i32>} : memref<512xi32, #tpu.memory_space<vmem>>, vector<16xi32>,
    %get3A_562 = vector.shape_cast %get3A_561 : vector<16xi32> to vector<16xi32>
    %lt3A_563 = arith.constant 524288 : i32
    %lt3A_564 = vector.broadcast %lt3A_563 : i32 to vector<16xi32>
    %lt3A_565 = arith.cmpi slt, %get3A_562, %lt3A_564 : vector<16xi32>
    %mul3A_566 = arith.constant 2 : i32
    %mul3A_567 = vector.broadcast %mul3A_566 : i32 to vector<16xi32>
    %mul3A_568 = arith.muli %mul3A_567, %get3A_562 : vector<16xi32>
    %mul3A_569 = arith.constant 2 : i32
    %mul3A_570 = vector.broadcast %mul3A_569 : i32 to vector<16xi32>
    %mul3A_571 = arith.muli %mul3A_570, %get3A_562 : vector<16xi32>
    %sub3A_572 = arith.constant 1048575 : i32
    %sub3A_573 = vector.broadcast %sub3A_572 : i32 to vector<16xi32>
    %sub3A_574 = arith.subi %mul3A_571, %sub3A_573 : vector<16xi32>
    %select_n3A_575 = arith.select %lt3A_565, %mul3A_568, %sub3A_574 : vector<16xi1>, vector<16xi32>
    %swap3A_576 = arith.constant 448 : index
    %swap3A_577 = tpu.vector_load %arg5[%swap3A_576] {strides = array<i32>} : memref<512xi32, #tpu.memory_space<vmem>>, vector<16xi32>,
    %swap3A_578 = vector.shape_cast %swap3A_577 : vector<16xi32> to vector<16xi32>
    %swap3A_579 = vector.shape_cast %select_n3A_575 : vector<16xi32> to vector<16xi32>
    tpu.vector_store %arg5[%swap3A_576], %swap3A_579 {strides = array<i32>} : memref<512xi32, #tpu.memory_space<vmem>>, vector<16xi32>,
    %get3A_580 = arith.constant 464 : index
    %get3A_581 = tpu.vector_load %arg5[%get3A_580] {strides = array<i32>} : memref<512xi32, #tpu.memory_space<vmem>>, vector<16xi32>,
    %get3A_582 = vector.shape_cast %get3A_581 : vector<16xi32> to vector<16xi32>
    %lt3A_583 = arith.constant 524288 : i32
    %lt3A_584 = vector.broadcast %lt3A_583 : i32 to vector<16xi32>
    %lt3A_585 = arith.cmpi slt, %get3A_582, %lt3A_584 : vector<16xi32>
    %mul3A_586 = arith.constant 2 : i32
    %mul3A_587 = vector.broadcast %mul3A_586 : i32 to vector<16xi32>
    %mul3A_588 = arith.muli %mul3A_587, %get3A_582 : vector<16xi32>
    %mul3A_589 = arith.constant 2 : i32
    %mul3A_590 = vector.broadcast %mul3A_589 : i32 to vector<16xi32>
    %mul3A_591 = arith.muli %mul3A_590, %get3A_582 : vector<16xi32>
    %sub3A_592 = arith.constant 1048575 : i32
    %sub3A_593 = vector.broadcast %sub3A_592 : i32 to vector<16xi32>
    %sub3A_594 = arith.subi %mul3A_591, %sub3A_593 : vector<16xi32>
    %select_n3A_595 = arith.select %lt3A_585, %mul3A_588, %sub3A_594 : vector<16xi1>, vector<16xi32>
    %swap3A_596 = arith.constant 464 : index
    %swap3A_597 = tpu.vector_load %arg5[%swap3A_596] {strides = array<i32>} : memref<512xi32, #tpu.memory_space<vmem>>, vector<16xi32>,
    %swap3A_598 = vector.shape_cast %swap3A_597 : vector<16xi32> to vector<16xi32>
    %swap3A_599 = vector.shape_cast %select_n3A_595 : vector<16xi32> to vector<16xi32>
    tpu.vector_store %arg5[%swap3A_596], %swap3A_599 {strides = array<i32>} : memref<512xi32, #tpu.memory_space<vmem>>, vector<16xi32>,
    %get3A_600 = arith.constant 480 : index
    %get3A_601 = tpu.vector_load %arg5[%get3A_600] {strides = array<i32>} : memref<512xi32, #tpu.memory_space<vmem>>, vector<16xi32>,
    %get3A_602 = vector.shape_cast %get3A_601 : vector<16xi32> to vector<16xi32>
    %lt3A_603 = arith.constant 524288 : i32
    %lt3A_604 = vector.broadcast %lt3A_603 : i32 to vector<16xi32>
    %lt3A_605 = arith.cmpi slt, %get3A_602, %lt3A_604 : vector<16xi32>
    %mul3A_606 = arith.constant 2 : i32
    %mul3A_607 = vector.broadcast %mul3A_606 : i32 to vector<16xi32>
    %mul3A_608 = arith.muli %mul3A_607, %get3A_602 : vector<16xi32>
    %mul3A_609 = arith.constant 2 : i32
    %mul3A_610 = vector.broadcast %mul3A_609 : i32 to vector<16xi32>
    %mul3A_611 = arith.muli %mul3A_610, %get3A_602 : vector<16xi32>
    %sub3A_612 = arith.constant 1048575 : i32
    %sub3A_613 = vector.broadcast %sub3A_612 : i32 to vector<16xi32>
    %sub3A_614 = arith.subi %mul3A_611, %sub3A_613 : vector<16xi32>
    %select_n3A_615 = arith.select %lt3A_605, %mul3A_608, %sub3A_614 : vector<16xi1>, vector<16xi32>
    %swap3A_616 = arith.constant 480 : index
    %swap3A_617 = tpu.vector_load %arg5[%swap3A_616] {strides = array<i32>} : memref<512xi32, #tpu.memory_space<vmem>>, vector<16xi32>,
    %swap3A_618 = vector.shape_cast %swap3A_617 : vector<16xi32> to vector<16xi32>
    %swap3A_619 = vector.shape_cast %select_n3A_615 : vector<16xi32> to vector<16xi32>
    tpu.vector_store %arg5[%swap3A_616], %swap3A_619 {strides = array<i32>} : memref<512xi32, #tpu.memory_space<vmem>>, vector<16xi32>,
    %get3A_620 = arith.constant 496 : index
    %get3A_621 = tpu.vector_load %arg5[%get3A_620] {strides = array<i32>} : memref<512xi32, #tpu.memory_space<vmem>>, vector<16xi32>,
    %get3A_622 = vector.shape_cast %get3A_621 : vector<16xi32> to vector<16xi32>
    %lt3A_623 = arith.constant 524288 : i32
    %lt3A_624 = vector.broadcast %lt3A_623 : i32 to vector<16xi32>
    %lt3A_625 = arith.cmpi slt, %get3A_622, %lt3A_624 : vector<16xi32>
    %mul3A_626 = arith.constant 2 : i32
    %mul3A_627 = vector.broadcast %mul3A_626 : i32 to vector<16xi32>
    %mul3A_628 = arith.muli %mul3A_627, %get3A_622 : vector<16xi32>
    %mul3A_629 = arith.constant 2 : i32
    %mul3A_630 = vector.broadcast %mul3A_629 : i32 to vector<16xi32>
    %mul3A_631 = arith.muli %mul3A_630, %get3A_622 : vector<16xi32>
    %sub3A_632 = arith.constant 1048575 : i32
    %sub3A_633 = vector.broadcast %sub3A_632 : i32 to vector<16xi32>
    %sub3A_634 = arith.subi %mul3A_631, %sub3A_633 : vector<16xi32>
    %select_n3A_635 = arith.select %lt3A_625, %mul3A_628, %sub3A_634 : vector<16xi1>, vector<16xi32>
    %swap3A_636 = arith.constant 496 : index
    %swap3A_637 = tpu.vector_load %arg5[%swap3A_636] {strides = array<i32>} : memref<512xi32, #tpu.memory_space<vmem>>, vector<16xi32>,
    %swap3A_638 = vector.shape_cast %swap3A_637 : vector<16xi32> to vector<16xi32>
    %swap3A_639 = vector.shape_cast %select_n3A_635 : vector<16xi32> to vector<16xi32>
    tpu.vector_store %arg5[%swap3A_636], %swap3A_639 {strides = array<i32>} : memref<512xi32, #tpu.memory_space<vmem>>, vector<16xi32>,
    %dma_start3A = arith.constant 0 : i32
    %dma_start3A_640 = arith.constant 0 : i32
    %dma_start3A_641 = tpu.memref_slice %arg3[%dma_start3A, %dma_start3A_640] : memref<1048576x64xf32, #tpu.memory_space<hbm>> -> memref<1048576x64xf32, #tpu.memory_space<hbm>>
    tpu.enqueue_indirect_dma source(%dma_start3A_641 : memref<1048576x64xf32, #tpu.memory_space<hbm>>) target(%arg7 : memref<512x64xf32, #tpu.memory_space<vmem>>) offsets(%arg5 : memref<512xi32, #tpu.memory_space<vmem>>) semaphore(%arg9 : memref<!tpu.dma_semaphore, #tpu.memory_space<semaphore_mem>>)
    %scan3A = arith.constant 0 : i32
    %scan3A_642 = arith.constant 0 : i32
    %scan3A_643 = arith.constant 25 : i32
    %scan3A_644 = arith.addi %scan3A_642, %scan3A_643 : i32
    %scan3A_645 = arith.constant 1 : i32
    %scan3A_646 = scf.for %scan3A_659 = %scan3A_642 to %scan3A_644 step %scan3A_645 iter_args(%scan3A_660 = %scan3A) -> (i32)  : i32 {
      %mul3A_661 = arith.constant 2 : i32
      %mul3A_662 = arith.muli %scan3A_659, %mul3A_661 : i32
      %add3A_663 = arith.constant 0 : i32
      %add3A_664 = arith.addi %mul3A_662, %add3A_663 : i32
      %add3A_665 = arith.constant 1 : i32
      %add3A_666 = arith.addi %add3A_664, %add3A_665 : i32
      %lt3A_667 = arith.constant 50 : i32
      %lt3A_668 = arith.cmpi slt, %add3A_666, %lt3A_667 : i32
      %convert_element_type3A = arith.extui %lt3A_668 : i1 to i32
      %cond3A = arith.constant 0 : i32
      %cond3A_669 = arith.cmpi ne, %convert_element_type3A, %cond3A : i32
      scf.if %cond3A_669 {
        %ge3A = arith.constant 1 : i32
        %ge3A_702 = arith.cmpi sge, %add3A_664, %ge3A : i32
        %convert_element_type3A_703 = arith.extui %ge3A_702 : i1 to i32
        %cond3A_704 = arith.constant 0 : i32
        %cond3A_705 = arith.cmpi ne, %convert_element_type3A_703, %cond3A_704 : i32
        scf.if %cond3A_705 {
          %sub3A_1354 = arith.constant 1 : i32
          %sub3A_1355 = arith.subi %add3A_664, %sub3A_1354 : i32
          %mul3A_1356 = arith.constant 512 : i32
          %mul3A_1357 = arith.muli %sub3A_1355, %mul3A_1356 : i32
          %add3A_1358 = arith.addi %mul3A_2, %mul3A_1357 : i32
          %dma_wait3A_1359 = arith.constant 0 : i32
          %dma_wait3A_1360 = tpu.memref_slice %arg4[%add3A_1358, %dma_wait3A_1359] : memref<819200x128xf32, #tpu.memory_space<hbm>> -> memref<512x64xf32, #tpu.memory_space<hbm>>
          %dma_wait3A_1361 = arith.constant 0 : i32
          %dma_wait3A_1362 = tpu.memref_slice %arg4[%add3A_1358, %dma_wait3A_1361] : memref<819200x128xf32, #tpu.memory_space<hbm>> -> memref<512x64xf32, #tpu.memory_space<hbm>>
          tpu.wait_dma2 semaphore(%arg12 : memref<!tpu.dma_semaphore, #tpu.memory_space<semaphore_mem>>) src(%arg8 : memref<512x64xf32, #tpu.memory_space<vmem>>) dst(%dma_wait3A_1362 : memref<512x64xf32, #tpu.memory_space<hbm>>)
        } else {
        }
        %add3A_706 = arith.constant 1 : i32
        %add3A_707 = arith.addi %add3A_664, %add3A_706 : i32
        %mul3A_708 = arith.constant 512 : i32
        %mul3A_709 = arith.muli %add3A_707, %mul3A_708 : i32
        %add3A_710 = arith.addi %mul3A_2, %mul3A_709 : i32
        "tpu.region"() ({
          %run_scoped3A = tpu.sem_alloc : memref<!tpu.dma_semaphore, #tpu.memory_space<semaphore_mem>>
          %dma_start3A_1354 = tpu.memref_slice %arg2[%add3A_710] : memref<819200xi32, #tpu.memory_space<hbm>> -> memref<512xi32, #tpu.memory_space<hbm>>
          %dma_start3A_1355 = tpu.memref_slice %arg2[%add3A_710] : memref<819200xi32, #tpu.memory_space<hbm>> -> memref<512xi32, #tpu.memory_space<hbm>>
          tpu.enqueue_dma source(%dma_start3A_1355 : memref<512xi32, #tpu.memory_space<hbm>>) target(%arg6 : memref<512xi32, #tpu.memory_space<vmem>>) target_semaphore(%run_scoped3A : memref<!tpu.dma_semaphore, #tpu.memory_space<semaphore_mem>>)
          %dma_wait3A_1356 = tpu.memref_slice %arg2[%add3A_710] : memref<819200xi32, #tpu.memory_space<hbm>> -> memref<512xi32, #tpu.memory_space<hbm>>
          %dma_wait3A_1357 = tpu.memref_slice %arg2[%add3A_710] : memref<819200xi32, #tpu.memory_space<hbm>> -> memref<512xi32, #tpu.memory_space<hbm>>
          tpu.wait_dma2 semaphore(%run_scoped3A : memref<!tpu.dma_semaphore, #tpu.memory_space<semaphore_mem>>) src(%dma_wait3A_1357 : memref<512xi32, #tpu.memory_space<hbm>>) dst(%arg6 : memref<512xi32, #tpu.memory_space<vmem>>)
          tpu.yield
        }) : () -> ()
        %get3A_711 = arith.constant 0 : index
        %get3A_712 = tpu.vector_load %arg6[%get3A_711] {strides = array<i32>} : memref<512xi32, #tpu.memory_space<vmem>>, vector<16xi32>,
        %get3A_713 = vector.shape_cast %get3A_712 : vector<16xi32> to vector<16xi32>
        %lt3A_714 = arith.constant 524288 : i32
        %lt3A_715 = vector.broadcast %lt3A_714 : i32 to vector<16xi32>
        %lt3A_716 = arith.cmpi slt, %get3A_713, %lt3A_715 : vector<16xi32>
        %mul3A_717 = arith.constant 2 : i32
        %mul3A_718 = vector.broadcast %mul3A_717 : i32 to vector<16xi32>
        %mul3A_719 = arith.muli %mul3A_718, %get3A_713 : vector<16xi32>
        %mul3A_720 = arith.constant 2 : i32
        %mul3A_721 = vector.broadcast %mul3A_720 : i32 to vector<16xi32>
        %mul3A_722 = arith.muli %mul3A_721, %get3A_713 : vector<16xi32>
        %sub3A_723 = arith.constant 1048575 : i32
        %sub3A_724 = vector.broadcast %sub3A_723 : i32 to vector<16xi32>
        %sub3A_725 = arith.subi %mul3A_722, %sub3A_724 : vector<16xi32>
        %select_n3A_726 = arith.select %lt3A_716, %mul3A_719, %sub3A_725 : vector<16xi1>, vector<16xi32>
        %swap3A_727 = arith.constant 0 : index
        %swap3A_728 = tpu.vector_load %arg6[%swap3A_727] {strides = array<i32>} : memref<512xi32, #tpu.memory_space<vmem>>, vector<16xi32>,
        %swap3A_729 = vector.shape_cast %swap3A_728 : vector<16xi32> to vector<16xi32>
        %swap3A_730 = vector.shape_cast %select_n3A_726 : vector<16xi32> to vector<16xi32>
        tpu.vector_store %arg6[%swap3A_727], %swap3A_730 {strides = array<i32>} : memref<512xi32, #tpu.memory_space<vmem>>, vector<16xi32>,
        %get3A_731 = arith.constant 16 : index
        %get3A_732 = tpu.vector_load %arg6[%get3A_731] {strides = array<i32>} : memref<512xi32, #tpu.memory_space<vmem>>, vector<16xi32>,
        %get3A_733 = vector.shape_cast %get3A_732 : vector<16xi32> to vector<16xi32>
        %lt3A_734 = arith.constant 524288 : i32
        %lt3A_735 = vector.broadcast %lt3A_734 : i32 to vector<16xi32>
        %lt3A_736 = arith.cmpi slt, %get3A_733, %lt3A_735 : vector<16xi32>
        %mul3A_737 = arith.constant 2 : i32
        %mul3A_738 = vector.broadcast %mul3A_737 : i32 to vector<16xi32>
        %mul3A_739 = arith.muli %mul3A_738, %get3A_733 : vector<16xi32>
        %mul3A_740 = arith.constant 2 : i32
        %mul3A_741 = vector.broadcast %mul3A_740 : i32 to vector<16xi32>
        %mul3A_742 = arith.muli %mul3A_741, %get3A_733 : vector<16xi32>
        %sub3A_743 = arith.constant 1048575 : i32
        %sub3A_744 = vector.broadcast %sub3A_743 : i32 to vector<16xi32>
        %sub3A_745 = arith.subi %mul3A_742, %sub3A_744 : vector<16xi32>
        %select_n3A_746 = arith.select %lt3A_736, %mul3A_739, %sub3A_745 : vector<16xi1>, vector<16xi32>
        %swap3A_747 = arith.constant 16 : index
        %swap3A_748 = tpu.vector_load %arg6[%swap3A_747] {strides = array<i32>} : memref<512xi32, #tpu.memory_space<vmem>>, vector<16xi32>,
        %swap3A_749 = vector.shape_cast %swap3A_748 : vector<16xi32> to vector<16xi32>
        %swap3A_750 = vector.shape_cast %select_n3A_746 : vector<16xi32> to vector<16xi32>
        tpu.vector_store %arg6[%swap3A_747], %swap3A_750 {strides = array<i32>} : memref<512xi32, #tpu.memory_space<vmem>>, vector<16xi32>,
        %get3A_751 = arith.constant 32 : index
        %get3A_752 = tpu.vector_load %arg6[%get3A_751] {strides = array<i32>} : memref<512xi32, #tpu.memory_space<vmem>>, vector<16xi32>,
        %get3A_753 = vector.shape_cast %get3A_752 : vector<16xi32> to vector<16xi32>
        %lt3A_754 = arith.constant 524288 : i32
        %lt3A_755 = vector.broadcast %lt3A_754 : i32 to vector<16xi32>
        %lt3A_756 = arith.cmpi slt, %get3A_753, %lt3A_755 : vector<16xi32>
        %mul3A_757 = arith.constant 2 : i32
        %mul3A_758 = vector.broadcast %mul3A_757 : i32 to vector<16xi32>
        %mul3A_759 = arith.muli %mul3A_758, %get3A_753 : vector<16xi32>
        %mul3A_760 = arith.constant 2 : i32
        %mul3A_761 = vector.broadcast %mul3A_760 : i32 to vector<16xi32>
        %mul3A_762 = arith.muli %mul3A_761, %get3A_753 : vector<16xi32>
        %sub3A_763 = arith.constant 1048575 : i32
        %sub3A_764 = vector.broadcast %sub3A_763 : i32 to vector<16xi32>
        %sub3A_765 = arith.subi %mul3A_762, %sub3A_764 : vector<16xi32>
        %select_n3A_766 = arith.select %lt3A_756, %mul3A_759, %sub3A_765 : vector<16xi1>, vector<16xi32>
        %swap3A_767 = arith.constant 32 : index
        %swap3A_768 = tpu.vector_load %arg6[%swap3A_767] {strides = array<i32>} : memref<512xi32, #tpu.memory_space<vmem>>, vector<16xi32>,
        %swap3A_769 = vector.shape_cast %swap3A_768 : vector<16xi32> to vector<16xi32>
        %swap3A_770 = vector.shape_cast %select_n3A_766 : vector<16xi32> to vector<16xi32>
        tpu.vector_store %arg6[%swap3A_767], %swap3A_770 {strides = array<i32>} : memref<512xi32, #tpu.memory_space<vmem>>, vector<16xi32>,
        %get3A_771 = arith.constant 48 : index
        %get3A_772 = tpu.vector_load %arg6[%get3A_771] {strides = array<i32>} : memref<512xi32, #tpu.memory_space<vmem>>, vector<16xi32>,
        %get3A_773 = vector.shape_cast %get3A_772 : vector<16xi32> to vector<16xi32>
        %lt3A_774 = arith.constant 524288 : i32
        %lt3A_775 = vector.broadcast %lt3A_774 : i32 to vector<16xi32>
        %lt3A_776 = arith.cmpi slt, %get3A_773, %lt3A_775 : vector<16xi32>
        %mul3A_777 = arith.constant 2 : i32
        %mul3A_778 = vector.broadcast %mul3A_777 : i32 to vector<16xi32>
        %mul3A_779 = arith.muli %mul3A_778, %get3A_773 : vector<16xi32>
        %mul3A_780 = arith.constant 2 : i32
        %mul3A_781 = vector.broadcast %mul3A_780 : i32 to vector<16xi32>
        %mul3A_782 = arith.muli %mul3A_781, %get3A_773 : vector<16xi32>
        %sub3A_783 = arith.constant 1048575 : i32
        %sub3A_784 = vector.broadcast %sub3A_783 : i32 to vector<16xi32>
        %sub3A_785 = arith.subi %mul3A_782, %sub3A_784 : vector<16xi32>
        %select_n3A_786 = arith.select %lt3A_776, %mul3A_779, %sub3A_785 : vector<16xi1>, vector<16xi32>
        %swap3A_787 = arith.constant 48 : index
        %swap3A_788 = tpu.vector_load %arg6[%swap3A_787] {strides = array<i32>} : memref<512xi32, #tpu.memory_space<vmem>>, vector<16xi32>,
        %swap3A_789 = vector.shape_cast %swap3A_788 : vector<16xi32> to vector<16xi32>
        %swap3A_790 = vector.shape_cast %select_n3A_786 : vector<16xi32> to vector<16xi32>
        tpu.vector_store %arg6[%swap3A_787], %swap3A_790 {strides = array<i32>} : memref<512xi32, #tpu.memory_space<vmem>>, vector<16xi32>,
        %get3A_791 = arith.constant 64 : index
        %get3A_792 = tpu.vector_load %arg6[%get3A_791] {strides = array<i32>} : memref<512xi32, #tpu.memory_space<vmem>>, vector<16xi32>,
        %get3A_793 = vector.shape_cast %get3A_792 : vector<16xi32> to vector<16xi32>
        %lt3A_794 = arith.constant 524288 : i32
        %lt3A_795 = vector.broadcast %lt3A_794 : i32 to vector<16xi32>
        %lt3A_796 = arith.cmpi slt, %get3A_793, %lt3A_795 : vector<16xi32>
        %mul3A_797 = arith.constant 2 : i32
        %mul3A_798 = vector.broadcast %mul3A_797 : i32 to vector<16xi32>
        %mul3A_799 = arith.muli %mul3A_798, %get3A_793 : vector<16xi32>
        %mul3A_800 = arith.constant 2 : i32
        %mul3A_801 = vector.broadcast %mul3A_800 : i32 to vector<16xi32>
        %mul3A_802 = arith.muli %mul3A_801, %get3A_793 : vector<16xi32>
        %sub3A_803 = arith.constant 1048575 : i32
        %sub3A_804 = vector.broadcast %sub3A_803 : i32 to vector<16xi32>
        %sub3A_805 = arith.subi %mul3A_802, %sub3A_804 : vector<16xi32>
        %select_n3A_806 = arith.select %lt3A_796, %mul3A_799, %sub3A_805 : vector<16xi1>, vector<16xi32>
        %swap3A_807 = arith.constant 64 : index
        %swap3A_808 = tpu.vector_load %arg6[%swap3A_807] {strides = array<i32>} : memref<512xi32, #tpu.memory_space<vmem>>, vector<16xi32>,
        %swap3A_809 = vector.shape_cast %swap3A_808 : vector<16xi32> to vector<16xi32>
        %swap3A_810 = vector.shape_cast %select_n3A_806 : vector<16xi32> to vector<16xi32>
        tpu.vector_store %arg6[%swap3A_807], %swap3A_810 {strides = array<i32>} : memref<512xi32, #tpu.memory_space<vmem>>, vector<16xi32>,
        %get3A_811 = arith.constant 80 : index
        %get3A_812 = tpu.vector_load %arg6[%get3A_811] {strides = array<i32>} : memref<512xi32, #tpu.memory_space<vmem>>, vector<16xi32>,
        %get3A_813 = vector.shape_cast %get3A_812 : vector<16xi32> to vector<16xi32>
        %lt3A_814 = arith.constant 524288 : i32
        %lt3A_815 = vector.broadcast %lt3A_814 : i32 to vector<16xi32>
        %lt3A_816 = arith.cmpi slt, %get3A_813, %lt3A_815 : vector<16xi32>
        %mul3A_817 = arith.constant 2 : i32
        %mul3A_818 = vector.broadcast %mul3A_817 : i32 to vector<16xi32>
        %mul3A_819 = arith.muli %mul3A_818, %get3A_813 : vector<16xi32>
        %mul3A_820 = arith.constant 2 : i32
        %mul3A_821 = vector.broadcast %mul3A_820 : i32 to vector<16xi32>
        %mul3A_822 = arith.muli %mul3A_821, %get3A_813 : vector<16xi32>
        %sub3A_823 = arith.constant 1048575 : i32
        %sub3A_824 = vector.broadcast %sub3A_823 : i32 to vector<16xi32>
        %sub3A_825 = arith.subi %mul3A_822, %sub3A_824 : vector<16xi32>
        %select_n3A_826 = arith.select %lt3A_816, %mul3A_819, %sub3A_825 : vector<16xi1>, vector<16xi32>
        %swap3A_827 = arith.constant 80 : index
        %swap3A_828 = tpu.vector_load %arg6[%swap3A_827] {strides = array<i32>} : memref<512xi32, #tpu.memory_space<vmem>>, vector<16xi32>,
        %swap3A_829 = vector.shape_cast %swap3A_828 : vector<16xi32> to vector<16xi32>
        %swap3A_830 = vector.shape_cast %select_n3A_826 : vector<16xi32> to vector<16xi32>
        tpu.vector_store %arg6[%swap3A_827], %swap3A_830 {strides = array<i32>} : memref<512xi32, #tpu.memory_space<vmem>>, vector<16xi32>,
        %get3A_831 = arith.constant 96 : index
        %get3A_832 = tpu.vector_load %arg6[%get3A_831] {strides = array<i32>} : memref<512xi32, #tpu.memory_space<vmem>>, vector<16xi32>,
        %get3A_833 = vector.shape_cast %get3A_832 : vector<16xi32> to vector<16xi32>
        %lt3A_834 = arith.constant 524288 : i32
        %lt3A_835 = vector.broadcast %lt3A_834 : i32 to vector<16xi32>
        %lt3A_836 = arith.cmpi slt, %get3A_833, %lt3A_835 : vector<16xi32>
        %mul3A_837 = arith.constant 2 : i32
        %mul3A_838 = vector.broadcast %mul3A_837 : i32 to vector<16xi32>
        %mul3A_839 = arith.muli %mul3A_838, %get3A_833 : vector<16xi32>
        %mul3A_840 = arith.constant 2 : i32
        %mul3A_841 = vector.broadcast %mul3A_840 : i32 to vector<16xi32>
        %mul3A_842 = arith.muli %mul3A_841, %get3A_833 : vector<16xi32>
        %sub3A_843 = arith.constant 1048575 : i32
        %sub3A_844 = vector.broadcast %sub3A_843 : i32 to vector<16xi32>
        %sub3A_845 = arith.subi %mul3A_842, %sub3A_844 : vector<16xi32>
        %select_n3A_846 = arith.select %lt3A_836, %mul3A_839, %sub3A_845 : vector<16xi1>, vector<16xi32>
        %swap3A_847 = arith.constant 96 : index
        %swap3A_848 = tpu.vector_load %arg6[%swap3A_847] {strides = array<i32>} : memref<512xi32, #tpu.memory_space<vmem>>, vector<16xi32>,
        %swap3A_849 = vector.shape_cast %swap3A_848 : vector<16xi32> to vector<16xi32>
        %swap3A_850 = vector.shape_cast %select_n3A_846 : vector<16xi32> to vector<16xi32>
        tpu.vector_store %arg6[%swap3A_847], %swap3A_850 {strides = array<i32>} : memref<512xi32, #tpu.memory_space<vmem>>, vector<16xi32>,
        %get3A_851 = arith.constant 112 : index
        %get3A_852 = tpu.vector_load %arg6[%get3A_851] {strides = array<i32>} : memref<512xi32, #tpu.memory_space<vmem>>, vector<16xi32>,
        %get3A_853 = vector.shape_cast %get3A_852 : vector<16xi32> to vector<16xi32>
        %lt3A_854 = arith.constant 524288 : i32
        %lt3A_855 = vector.broadcast %lt3A_854 : i32 to vector<16xi32>
        %lt3A_856 = arith.cmpi slt, %get3A_853, %lt3A_855 : vector<16xi32>
        %mul3A_857 = arith.constant 2 : i32
        %mul3A_858 = vector.broadcast %mul3A_857 : i32 to vector<16xi32>
        %mul3A_859 = arith.muli %mul3A_858, %get3A_853 : vector<16xi32>
        %mul3A_860 = arith.constant 2 : i32
        %mul3A_861 = vector.broadcast %mul3A_860 : i32 to vector<16xi32>
        %mul3A_862 = arith.muli %mul3A_861, %get3A_853 : vector<16xi32>
        %sub3A_863 = arith.constant 1048575 : i32
        %sub3A_864 = vector.broadcast %sub3A_863 : i32 to vector<16xi32>
        %sub3A_865 = arith.subi %mul3A_862, %sub3A_864 : vector<16xi32>
        %select_n3A_866 = arith.select %lt3A_856, %mul3A_859, %sub3A_865 : vector<16xi1>, vector<16xi32>
        %swap3A_867 = arith.constant 112 : index
        %swap3A_868 = tpu.vector_load %arg6[%swap3A_867] {strides = array<i32>} : memref<512xi32, #tpu.memory_space<vmem>>, vector<16xi32>,
        %swap3A_869 = vector.shape_cast %swap3A_868 : vector<16xi32> to vector<16xi32>
        %swap3A_870 = vector.shape_cast %select_n3A_866 : vector<16xi32> to vector<16xi32>
        tpu.vector_store %arg6[%swap3A_867], %swap3A_870 {strides = array<i32>} : memref<512xi32, #tpu.memory_space<vmem>>, vector<16xi32>,
        %get3A_871 = arith.constant 128 : index
        %get3A_872 = tpu.vector_load %arg6[%get3A_871] {strides = array<i32>} : memref<512xi32, #tpu.memory_space<vmem>>, vector<16xi32>,
        %get3A_873 = vector.shape_cast %get3A_872 : vector<16xi32> to vector<16xi32>
        %lt3A_874 = arith.constant 524288 : i32
        %lt3A_875 = vector.broadcast %lt3A_874 : i32 to vector<16xi32>
        %lt3A_876 = arith.cmpi slt, %get3A_873, %lt3A_875 : vector<16xi32>
        %mul3A_877 = arith.constant 2 : i32
        %mul3A_878 = vector.broadcast %mul3A_877 : i32 to vector<16xi32>
        %mul3A_879 = arith.muli %mul3A_878, %get3A_873 : vector<16xi32>
        %mul3A_880 = arith.constant 2 : i32
        %mul3A_881 = vector.broadcast %mul3A_880 : i32 to vector<16xi32>
        %mul3A_882 = arith.muli %mul3A_881, %get3A_873 : vector<16xi32>
        %sub3A_883 = arith.constant 1048575 : i32
        %sub3A_884 = vector.broadcast %sub3A_883 : i32 to vector<16xi32>
        %sub3A_885 = arith.subi %mul3A_882, %sub3A_884 : vector<16xi32>
        %select_n3A_886 = arith.select %lt3A_876, %mul3A_879, %sub3A_885 : vector<16xi1>, vector<16xi32>
        %swap3A_887 = arith.constant 128 : index
        %swap3A_888 = tpu.vector_load %arg6[%swap3A_887] {strides = array<i32>} : memref<512xi32, #tpu.memory_space<vmem>>, vector<16xi32>,
        %swap3A_889 = vector.shape_cast %swap3A_888 : vector<16xi32> to vector<16xi32>
        %swap3A_890 = vector.shape_cast %select_n3A_886 : vector<16xi32> to vector<16xi32>
        tpu.vector_store %arg6[%swap3A_887], %swap3A_890 {strides = array<i32>} : memref<512xi32, #tpu.memory_space<vmem>>, vector<16xi32>,
        %get3A_891 = arith.constant 144 : index
        %get3A_892 = tpu.vector_load %arg6[%get3A_891] {strides = array<i32>} : memref<512xi32, #tpu.memory_space<vmem>>, vector<16xi32>,
        %get3A_893 = vector.shape_cast %get3A_892 : vector<16xi32> to vector<16xi32>
        %lt3A_894 = arith.constant 524288 : i32
        %lt3A_895 = vector.broadcast %lt3A_894 : i32 to vector<16xi32>
        %lt3A_896 = arith.cmpi slt, %get3A_893, %lt3A_895 : vector<16xi32>
        %mul3A_897 = arith.constant 2 : i32
        %mul3A_898 = vector.broadcast %mul3A_897 : i32 to vector<16xi32>
        %mul3A_899 = arith.muli %mul3A_898, %get3A_893 : vector<16xi32>
        %mul3A_900 = arith.constant 2 : i32
        %mul3A_901 = vector.broadcast %mul3A_900 : i32 to vector<16xi32>
        %mul3A_902 = arith.muli %mul3A_901, %get3A_893 : vector<16xi32>
        %sub3A_903 = arith.constant 1048575 : i32
        %sub3A_904 = vector.broadcast %sub3A_903 : i32 to vector<16xi32>
        %sub3A_905 = arith.subi %mul3A_902, %sub3A_904 : vector<16xi32>
        %select_n3A_906 = arith.select %lt3A_896, %mul3A_899, %sub3A_905 : vector<16xi1>, vector<16xi32>
        %swap3A_907 = arith.constant 144 : index
        %swap3A_908 = tpu.vector_load %arg6[%swap3A_907] {strides = array<i32>} : memref<512xi32, #tpu.memory_space<vmem>>, vector<16xi32>,
        %swap3A_909 = vector.shape_cast %swap3A_908 : vector<16xi32> to vector<16xi32>
        %swap3A_910 = vector.shape_cast %select_n3A_906 : vector<16xi32> to vector<16xi32>
        tpu.vector_store %arg6[%swap3A_907], %swap3A_910 {strides = array<i32>} : memref<512xi32, #tpu.memory_space<vmem>>, vector<16xi32>,
        %get3A_911 = arith.constant 160 : index
        %get3A_912 = tpu.vector_load %arg6[%get3A_911] {strides = array<i32>} : memref<512xi32, #tpu.memory_space<vmem>>, vector<16xi32>,
        %get3A_913 = vector.shape_cast %get3A_912 : vector<16xi32> to vector<16xi32>
        %lt3A_914 = arith.constant 524288 : i32
        %lt3A_915 = vector.broadcast %lt3A_914 : i32 to vector<16xi32>
        %lt3A_916 = arith.cmpi slt, %get3A_913, %lt3A_915 : vector<16xi32>
        %mul3A_917 = arith.constant 2 : i32
        %mul3A_918 = vector.broadcast %mul3A_917 : i32 to vector<16xi32>
        %mul3A_919 = arith.muli %mul3A_918, %get3A_913 : vector<16xi32>
        %mul3A_920 = arith.constant 2 : i32
        %mul3A_921 = vector.broadcast %mul3A_920 : i32 to vector<16xi32>
        %mul3A_922 = arith.muli %mul3A_921, %get3A_913 : vector<16xi32>
        %sub3A_923 = arith.constant 1048575 : i32
        %sub3A_924 = vector.broadcast %sub3A_923 : i32 to vector<16xi32>
        %sub3A_925 = arith.subi %mul3A_922, %sub3A_924 : vector<16xi32>
        %select_n3A_926 = arith.select %lt3A_916, %mul3A_919, %sub3A_925 : vector<16xi1>, vector<16xi32>
        %swap3A_927 = arith.constant 160 : index
        %swap3A_928 = tpu.vector_load %arg6[%swap3A_927] {strides = array<i32>} : memref<512xi32, #tpu.memory_space<vmem>>, vector<16xi32>,
        %swap3A_929 = vector.shape_cast %swap3A_928 : vector<16xi32> to vector<16xi32>
        %swap3A_930 = vector.shape_cast %select_n3A_926 : vector<16xi32> to vector<16xi32>
        tpu.vector_store %arg6[%swap3A_927], %swap3A_930 {strides = array<i32>} : memref<512xi32, #tpu.memory_space<vmem>>, vector<16xi32>,
        %get3A_931 = arith.constant 176 : index
        %get3A_932 = tpu.vector_load %arg6[%get3A_931] {strides = array<i32>} : memref<512xi32, #tpu.memory_space<vmem>>, vector<16xi32>,
        %get3A_933 = vector.shape_cast %get3A_932 : vector<16xi32> to vector<16xi32>
        %lt3A_934 = arith.constant 524288 : i32
        %lt3A_935 = vector.broadcast %lt3A_934 : i32 to vector<16xi32>
        %lt3A_936 = arith.cmpi slt, %get3A_933, %lt3A_935 : vector<16xi32>
        %mul3A_937 = arith.constant 2 : i32
        %mul3A_938 = vector.broadcast %mul3A_937 : i32 to vector<16xi32>
        %mul3A_939 = arith.muli %mul3A_938, %get3A_933 : vector<16xi32>
        %mul3A_940 = arith.constant 2 : i32
        %mul3A_941 = vector.broadcast %mul3A_940 : i32 to vector<16xi32>
        %mul3A_942 = arith.muli %mul3A_941, %get3A_933 : vector<16xi32>
        %sub3A_943 = arith.constant 1048575 : i32
        %sub3A_944 = vector.broadcast %sub3A_943 : i32 to vector<16xi32>
        %sub3A_945 = arith.subi %mul3A_942, %sub3A_944 : vector<16xi32>
        %select_n3A_946 = arith.select %lt3A_936, %mul3A_939, %sub3A_945 : vector<16xi1>, vector<16xi32>
        %swap3A_947 = arith.constant 176 : index
        %swap3A_948 = tpu.vector_load %arg6[%swap3A_947] {strides = array<i32>} : memref<512xi32, #tpu.memory_space<vmem>>, vector<16xi32>,
        %swap3A_949 = vector.shape_cast %swap3A_948 : vector<16xi32> to vector<16xi32>
        %swap3A_950 = vector.shape_cast %select_n3A_946 : vector<16xi32> to vector<16xi32>
        tpu.vector_store %arg6[%swap3A_947], %swap3A_950 {strides = array<i32>} : memref<512xi32, #tpu.memory_space<vmem>>, vector<16xi32>,
        %get3A_951 = arith.constant 192 : index
        %get3A_952 = tpu.vector_load %arg6[%get3A_951] {strides = array<i32>} : memref<512xi32, #tpu.memory_space<vmem>>, vector<16xi32>,
        %get3A_953 = vector.shape_cast %get3A_952 : vector<16xi32> to vector<16xi32>
        %lt3A_954 = arith.constant 524288 : i32
        %lt3A_955 = vector.broadcast %lt3A_954 : i32 to vector<16xi32>
        %lt3A_956 = arith.cmpi slt, %get3A_953, %lt3A_955 : vector<16xi32>
        %mul3A_957 = arith.constant 2 : i32
        %mul3A_958 = vector.broadcast %mul3A_957 : i32 to vector<16xi32>
        %mul3A_959 = arith.muli %mul3A_958, %get3A_953 : vector<16xi32>
        %mul3A_960 = arith.constant 2 : i32
        %mul3A_961 = vector.broadcast %mul3A_960 : i32 to vector<16xi32>
        %mul3A_962 = arith.muli %mul3A_961, %get3A_953 : vector<16xi32>
        %sub3A_963 = arith.constant 1048575 : i32
        %sub3A_964 = vector.broadcast %sub3A_963 : i32 to vector<16xi32>
        %sub3A_965 = arith.subi %mul3A_962, %sub3A_964 : vector<16xi32>
        %select_n3A_966 = arith.select %lt3A_956, %mul3A_959, %sub3A_965 : vector<16xi1>, vector<16xi32>
        %swap3A_967 = arith.constant 192 : index
        %swap3A_968 = tpu.vector_load %arg6[%swap3A_967] {strides = array<i32>} : memref<512xi32, #tpu.memory_space<vmem>>, vector<16xi32>,
        %swap3A_969 = vector.shape_cast %swap3A_968 : vector<16xi32> to vector<16xi32>
        %swap3A_970 = vector.shape_cast %select_n3A_966 : vector<16xi32> to vector<16xi32>
        tpu.vector_store %arg6[%swap3A_967], %swap3A_970 {strides = array<i32>} : memref<512xi32, #tpu.memory_space<vmem>>, vector<16xi32>,
        %get3A_971 = arith.constant 208 : index
        %get3A_972 = tpu.vector_load %arg6[%get3A_971] {strides = array<i32>} : memref<512xi32, #tpu.memory_space<vmem>>, vector<16xi32>,
        %get3A_973 = vector.shape_cast %get3A_972 : vector<16xi32> to vector<16xi32>
        %lt3A_974 = arith.constant 524288 : i32
        %lt3A_975 = vector.broadcast %lt3A_974 : i32 to vector<16xi32>
        %lt3A_976 = arith.cmpi slt, %get3A_973, %lt3A_975 : vector<16xi32>
        %mul3A_977 = arith.constant 2 : i32
        %mul3A_978 = vector.broadcast %mul3A_977 : i32 to vector<16xi32>
        %mul3A_979 = arith.muli %mul3A_978, %get3A_973 : vector<16xi32>
        %mul3A_980 = arith.constant 2 : i32
        %mul3A_981 = vector.broadcast %mul3A_980 : i32 to vector<16xi32>
        %mul3A_982 = arith.muli %mul3A_981, %get3A_973 : vector<16xi32>
        %sub3A_983 = arith.constant 1048575 : i32
        %sub3A_984 = vector.broadcast %sub3A_983 : i32 to vector<16xi32>
        %sub3A_985 = arith.subi %mul3A_982, %sub3A_984 : vector<16xi32>
        %select_n3A_986 = arith.select %lt3A_976, %mul3A_979, %sub3A_985 : vector<16xi1>, vector<16xi32>
        %swap3A_987 = arith.constant 208 : index
        %swap3A_988 = tpu.vector_load %arg6[%swap3A_987] {strides = array<i32>} : memref<512xi32, #tpu.memory_space<vmem>>, vector<16xi32>,
        %swap3A_989 = vector.shape_cast %swap3A_988 : vector<16xi32> to vector<16xi32>
        %swap3A_990 = vector.shape_cast %select_n3A_986 : vector<16xi32> to vector<16xi32>
        tpu.vector_store %arg6[%swap3A_987], %swap3A_990 {strides = array<i32>} : memref<512xi32, #tpu.memory_space<vmem>>, vector<16xi32>,
        %get3A_991 = arith.constant 224 : index
        %get3A_992 = tpu.vector_load %arg6[%get3A_991] {strides = array<i32>} : memref<512xi32, #tpu.memory_space<vmem>>, vector<16xi32>,
        %get3A_993 = vector.shape_cast %get3A_992 : vector<16xi32> to vector<16xi32>
        %lt3A_994 = arith.constant 524288 : i32
        %lt3A_995 = vector.broadcast %lt3A_994 : i32 to vector<16xi32>
        %lt3A_996 = arith.cmpi slt, %get3A_993, %lt3A_995 : vector<16xi32>
        %mul3A_997 = arith.constant 2 : i32
        %mul3A_998 = vector.broadcast %mul3A_997 : i32 to vector<16xi32>
        %mul3A_999 = arith.muli %mul3A_998, %get3A_993 : vector<16xi32>
        %mul3A_1000 = arith.constant 2 : i32
        %mul3A_1001 = vector.broadcast %mul3A_1000 : i32 to vector<16xi32>
        %mul3A_1002 = arith.muli %mul3A_1001, %get3A_993 : vector<16xi32>
        %sub3A_1003 = arith.constant 1048575 : i32
        %sub3A_1004 = vector.broadcast %sub3A_1003 : i32 to vector<16xi32>
        %sub3A_1005 = arith.subi %mul3A_1002, %sub3A_1004 : vector<16xi32>
        %select_n3A_1006 = arith.select %lt3A_996, %mul3A_999, %sub3A_1005 : vector<16xi1>, vector<16xi32>
        %swap3A_1007 = arith.constant 224 : index
        %swap3A_1008 = tpu.vector_load %arg6[%swap3A_1007] {strides = array<i32>} : memref<512xi32, #tpu.memory_space<vmem>>, vector<16xi32>,
        %swap3A_1009 = vector.shape_cast %swap3A_1008 : vector<16xi32> to vector<16xi32>
        %swap3A_1010 = vector.shape_cast %select_n3A_1006 : vector<16xi32> to vector<16xi32>
        tpu.vector_store %arg6[%swap3A_1007], %swap3A_1010 {strides = array<i32>} : memref<512xi32, #tpu.memory_space<vmem>>, vector<16xi32>,
        %get3A_1011 = arith.constant 240 : index
        %get3A_1012 = tpu.vector_load %arg6[%get3A_1011] {strides = array<i32>} : memref<512xi32, #tpu.memory_space<vmem>>, vector<16xi32>,
        %get3A_1013 = vector.shape_cast %get3A_1012 : vector<16xi32> to vector<16xi32>
        %lt3A_1014 = arith.constant 524288 : i32
        %lt3A_1015 = vector.broadcast %lt3A_1014 : i32 to vector<16xi32>
        %lt3A_1016 = arith.cmpi slt, %get3A_1013, %lt3A_1015 : vector<16xi32>
        %mul3A_1017 = arith.constant 2 : i32
        %mul3A_1018 = vector.broadcast %mul3A_1017 : i32 to vector<16xi32>
        %mul3A_1019 = arith.muli %mul3A_1018, %get3A_1013 : vector<16xi32>
        %mul3A_1020 = arith.constant 2 : i32
        %mul3A_1021 = vector.broadcast %mul3A_1020 : i32 to vector<16xi32>
        %mul3A_1022 = arith.muli %mul3A_1021, %get3A_1013 : vector<16xi32>
        %sub3A_1023 = arith.constant 1048575 : i32
        %sub3A_1024 = vector.broadcast %sub3A_1023 : i32 to vector<16xi32>
        %sub3A_1025 = arith.subi %mul3A_1022, %sub3A_1024 : vector<16xi32>
        %select_n3A_1026 = arith.select %lt3A_1016, %mul3A_1019, %sub3A_1025 : vector<16xi1>, vector<16xi32>
        %swap3A_1027 = arith.constant 240 : index
        %swap3A_1028 = tpu.vector_load %arg6[%swap3A_1027] {strides = array<i32>} : memref<512xi32, #tpu.memory_space<vmem>>, vector<16xi32>,
        %swap3A_1029 = vector.shape_cast %swap3A_1028 : vector<16xi32> to vector<16xi32>
        %swap3A_1030 = vector.shape_cast %select_n3A_1026 : vector<16xi32> to vector<16xi32>
        tpu.vector_store %arg6[%swap3A_1027], %swap3A_1030 {strides = array<i32>} : memref<512xi32, #tpu.memory_space<vmem>>, vector<16xi32>,
        %get3A_1031 = arith.constant 256 : index
        %get3A_1032 = tpu.vector_load %arg6[%get3A_1031] {strides = array<i32>} : memref<512xi32, #tpu.memory_space<vmem>>, vector<16xi32>,
        %get3A_1033 = vector.shape_cast %get3A_1032 : vector<16xi32> to vector<16xi32>
        %lt3A_1034 = arith.constant 524288 : i32
        %lt3A_1035 = vector.broadcast %lt3A_1034 : i32 to vector<16xi32>
        %lt3A_1036 = arith.cmpi slt, %get3A_1033, %lt3A_1035 : vector<16xi32>
        %mul3A_1037 = arith.constant 2 : i32
        %mul3A_1038 = vector.broadcast %mul3A_1037 : i32 to vector<16xi32>
        %mul3A_1039 = arith.muli %mul3A_1038, %get3A_1033 : vector<16xi32>
        %mul3A_1040 = arith.constant 2 : i32
        %mul3A_1041 = vector.broadcast %mul3A_1040 : i32 to vector<16xi32>
        %mul3A_1042 = arith.muli %mul3A_1041, %get3A_1033 : vector<16xi32>
        %sub3A_1043 = arith.constant 1048575 : i32
        %sub3A_1044 = vector.broadcast %sub3A_1043 : i32 to vector<16xi32>
        %sub3A_1045 = arith.subi %mul3A_1042, %sub3A_1044 : vector<16xi32>
        %select_n3A_1046 = arith.select %lt3A_1036, %mul3A_1039, %sub3A_1045 : vector<16xi1>, vector<16xi32>
        %swap3A_1047 = arith.constant 256 : index
        %swap3A_1048 = tpu.vector_load %arg6[%swap3A_1047] {strides = array<i32>} : memref<512xi32, #tpu.memory_space<vmem>>, vector<16xi32>,
        %swap3A_1049 = vector.shape_cast %swap3A_1048 : vector<16xi32> to vector<16xi32>
        %swap3A_1050 = vector.shape_cast %select_n3A_1046 : vector<16xi32> to vector<16xi32>
        tpu.vector_store %arg6[%swap3A_1047], %swap3A_1050 {strides = array<i32>} : memref<512xi32, #tpu.memory_space<vmem>>, vector<16xi32>,
        %get3A_1051 = arith.constant 272 : index
        %get3A_1052 = tpu.vector_load %arg6[%get3A_1051] {strides = array<i32>} : memref<512xi32, #tpu.memory_space<vmem>>, vector<16xi32>,
        %get3A_1053 = vector.shape_cast %get3A_1052 : vector<16xi32> to vector<16xi32>
        %lt3A_1054 = arith.constant 524288 : i32
        %lt3A_1055 = vector.broadcast %lt3A_1054 : i32 to vector<16xi32>
        %lt3A_1056 = arith.cmpi slt, %get3A_1053, %lt3A_1055 : vector<16xi32>
        %mul3A_1057 = arith.constant 2 : i32
        %mul3A_1058 = vector.broadcast %mul3A_1057 : i32 to vector<16xi32>
        %mul3A_1059 = arith.muli %mul3A_1058, %get3A_1053 : vector<16xi32>
        %mul3A_1060 = arith.constant 2 : i32
        %mul3A_1061 = vector.broadcast %mul3A_1060 : i32 to vector<16xi32>
        %mul3A_1062 = arith.muli %mul3A_1061, %get3A_1053 : vector<16xi32>
        %sub3A_1063 = arith.constant 1048575 : i32
        %sub3A_1064 = vector.broadcast %sub3A_1063 : i32 to vector<16xi32>
        %sub3A_1065 = arith.subi %mul3A_1062, %sub3A_1064 : vector<16xi32>
        %select_n3A_1066 = arith.select %lt3A_1056, %mul3A_1059, %sub3A_1065 : vector<16xi1>, vector<16xi32>
        %swap3A_1067 = arith.constant 272 : index
        %swap3A_1068 = tpu.vector_load %arg6[%swap3A_1067] {strides = array<i32>} : memref<512xi32, #tpu.memory_space<vmem>>, vector<16xi32>,
        %swap3A_1069 = vector.shape_cast %swap3A_1068 : vector<16xi32> to vector<16xi32>
        %swap3A_1070 = vector.shape_cast %select_n3A_1066 : vector<16xi32> to vector<16xi32>
        tpu.vector_store %arg6[%swap3A_1067], %swap3A_1070 {strides = array<i32>} : memref<512xi32, #tpu.memory_space<vmem>>, vector<16xi32>,
        %get3A_1071 = arith.constant 288 : index
        %get3A_1072 = tpu.vector_load %arg6[%get3A_1071] {strides = array<i32>} : memref<512xi32, #tpu.memory_space<vmem>>, vector<16xi32>,
        %get3A_1073 = vector.shape_cast %get3A_1072 : vector<16xi32> to vector<16xi32>
        %lt3A_1074 = arith.constant 524288 : i32
        %lt3A_1075 = vector.broadcast %lt3A_1074 : i32 to vector<16xi32>
        %lt3A_1076 = arith.cmpi slt, %get3A_1073, %lt3A_1075 : vector<16xi32>
        %mul3A_1077 = arith.constant 2 : i32
        %mul3A_1078 = vector.broadcast %mul3A_1077 : i32 to vector<16xi32>
        %mul3A_1079 = arith.muli %mul3A_1078, %get3A_1073 : vector<16xi32>
        %mul3A_1080 = arith.constant 2 : i32
        %mul3A_1081 = vector.broadcast %mul3A_1080 : i32 to vector<16xi32>
        %mul3A_1082 = arith.muli %mul3A_1081, %get3A_1073 : vector<16xi32>
        %sub3A_1083 = arith.constant 1048575 : i32
        %sub3A_1084 = vector.broadcast %sub3A_1083 : i32 to vector<16xi32>
        %sub3A_1085 = arith.subi %mul3A_1082, %sub3A_1084 : vector<16xi32>
        %select_n3A_1086 = arith.select %lt3A_1076, %mul3A_1079, %sub3A_1085 : vector<16xi1>, vector<16xi32>
        %swap3A_1087 = arith.constant 288 : index
        %swap3A_1088 = tpu.vector_load %arg6[%swap3A_1087] {strides = array<i32>} : memref<512xi32, #tpu.memory_space<vmem>>, vector<16xi32>,
        %swap3A_1089 = vector.shape_cast %swap3A_1088 : vector<16xi32> to vector<16xi32>
        %swap3A_1090 = vector.shape_cast %select_n3A_1086 : vector<16xi32> to vector<16xi32>
        tpu.vector_store %arg6[%swap3A_1087], %swap3A_1090 {strides = array<i32>} : memref<512xi32, #tpu.memory_space<vmem>>, vector<16xi32>,
        %get3A_1091 = arith.constant 304 : index
        %get3A_1092 = tpu.vector_load %arg6[%get3A_1091] {strides = array<i32>} : memref<512xi32, #tpu.memory_space<vmem>>, vector<16xi32>,
        %get3A_1093 = vector.shape_cast %get3A_1092 : vector<16xi32> to vector<16xi32>
        %lt3A_1094 = arith.constant 524288 : i32
        %lt3A_1095 = vector.broadcast %lt3A_1094 : i32 to vector<16xi32>
        %lt3A_1096 = arith.cmpi slt, %get3A_1093, %lt3A_1095 : vector<16xi32>
        %mul3A_1097 = arith.constant 2 : i32
        %mul3A_1098 = vector.broadcast %mul3A_1097 : i32 to vector<16xi32>
        %mul3A_1099 = arith.muli %mul3A_1098, %get3A_1093 : vector<16xi32>
        %mul3A_1100 = arith.constant 2 : i32
        %mul3A_1101 = vector.broadcast %mul3A_1100 : i32 to vector<16xi32>
        %mul3A_1102 = arith.muli %mul3A_1101, %get3A_1093 : vector<16xi32>
        %sub3A_1103 = arith.constant 1048575 : i32
        %sub3A_1104 = vector.broadcast %sub3A_1103 : i32 to vector<16xi32>
        %sub3A_1105 = arith.subi %mul3A_1102, %sub3A_1104 : vector<16xi32>
        %select_n3A_1106 = arith.select %lt3A_1096, %mul3A_1099, %sub3A_1105 : vector<16xi1>, vector<16xi32>
        %swap3A_1107 = arith.constant 304 : index
        %swap3A_1108 = tpu.vector_load %arg6[%swap3A_1107] {strides = array<i32>} : memref<512xi32, #tpu.memory_space<vmem>>, vector<16xi32>,
        %swap3A_1109 = vector.shape_cast %swap3A_1108 : vector<16xi32> to vector<16xi32>
        %swap3A_1110 = vector.shape_cast %select_n3A_1106 : vector<16xi32> to vector<16xi32>
        tpu.vector_store %arg6[%swap3A_1107], %swap3A_1110 {strides = array<i32>} : memref<512xi32, #tpu.memory_space<vmem>>, vector<16xi32>,
        %get3A_1111 = arith.constant 320 : index
        %get3A_1112 = tpu.vector_load %arg6[%get3A_1111] {strides = array<i32>} : memref<512xi32, #tpu.memory_space<vmem>>, vector<16xi32>,
        %get3A_1113 = vector.shape_cast %get3A_1112 : vector<16xi32> to vector<16xi32>
        %lt3A_1114 = arith.constant 524288 : i32
        %lt3A_1115 = vector.broadcast %lt3A_1114 : i32 to vector<16xi32>
        %lt3A_1116 = arith.cmpi slt, %get3A_1113, %lt3A_1115 : vector<16xi32>
        %mul3A_1117 = arith.constant 2 : i32
        %mul3A_1118 = vector.broadcast %mul3A_1117 : i32 to vector<16xi32>
        %mul3A_1119 = arith.muli %mul3A_1118, %get3A_1113 : vector<16xi32>
        %mul3A_1120 = arith.constant 2 : i32
        %mul3A_1121 = vector.broadcast %mul3A_1120 : i32 to vector<16xi32>
        %mul3A_1122 = arith.muli %mul3A_1121, %get3A_1113 : vector<16xi32>
        %sub3A_1123 = arith.constant 1048575 : i32
        %sub3A_1124 = vector.broadcast %sub3A_1123 : i32 to vector<16xi32>
        %sub3A_1125 = arith.subi %mul3A_1122, %sub3A_1124 : vector<16xi32>
        %select_n3A_1126 = arith.select %lt3A_1116, %mul3A_1119, %sub3A_1125 : vector<16xi1>, vector<16xi32>
        %swap3A_1127 = arith.constant 320 : index
        %swap3A_1128 = tpu.vector_load %arg6[%swap3A_1127] {strides = array<i32>} : memref<512xi32, #tpu.memory_space<vmem>>, vector<16xi32>,
        %swap3A_1129 = vector.shape_cast %swap3A_1128 : vector<16xi32> to vector<16xi32>
        %swap3A_1130 = vector.shape_cast %select_n3A_1126 : vector<16xi32> to vector<16xi32>
        tpu.vector_store %arg6[%swap3A_1127], %swap3A_1130 {strides = array<i32>} : memref<512xi32, #tpu.memory_space<vmem>>, vector<16xi32>,
        %get3A_1131 = arith.constant 336 : index
        %get3A_1132 = tpu.vector_load %arg6[%get3A_1131] {strides = array<i32>} : memref<512xi32, #tpu.memory_space<vmem>>, vector<16xi32>,
        %get3A_1133 = vector.shape_cast %get3A_1132 : vector<16xi32> to vector<16xi32>
        %lt3A_1134 = arith.constant 524288 : i32
        %lt3A_1135 = vector.broadcast %lt3A_1134 : i32 to vector<16xi32>
        %lt3A_1136 = arith.cmpi slt, %get3A_1133, %lt3A_1135 : vector<16xi32>
        %mul3A_1137 = arith.constant 2 : i32
        %mul3A_1138 = vector.broadcast %mul3A_1137 : i32 to vector<16xi32>
        %mul3A_1139 = arith.muli %mul3A_1138, %get3A_1133 : vector<16xi32>
        %mul3A_1140 = arith.constant 2 : i32
        %mul3A_1141 = vector.broadcast %mul3A_1140 : i32 to vector<16xi32>
        %mul3A_1142 = arith.muli %mul3A_1141, %get3A_1133 : vector<16xi32>
        %sub3A_1143 = arith.constant 1048575 : i32
        %sub3A_1144 = vector.broadcast %sub3A_1143 : i32 to vector<16xi32>
        %sub3A_1145 = arith.subi %mul3A_1142, %sub3A_1144 : vector<16xi32>
        %select_n3A_1146 = arith.select %lt3A_1136, %mul3A_1139, %sub3A_1145 : vector<16xi1>, vector<16xi32>
        %swap3A_1147 = arith.constant 336 : index
        %swap3A_1148 = tpu.vector_load %arg6[%swap3A_1147] {strides = array<i32>} : memref<512xi32, #tpu.memory_space<vmem>>, vector<16xi32>,
        %swap3A_1149 = vector.shape_cast %swap3A_1148 : vector<16xi32> to vector<16xi32>
        %swap3A_1150 = vector.shape_cast %select_n3A_1146 : vector<16xi32> to vector<16xi32>
        tpu.vector_store %arg6[%swap3A_1147], %swap3A_1150 {strides = array<i32>} : memref<512xi32, #tpu.memory_space<vmem>>, vector<16xi32>,
        %get3A_1151 = arith.constant 352 : index
        %get3A_1152 = tpu.vector_load %arg6[%get3A_1151] {strides = array<i32>} : memref<512xi32, #tpu.memory_space<vmem>>, vector<16xi32>,
        %get3A_1153 = vector.shape_cast %get3A_1152 : vector<16xi32> to vector<16xi32>
        %lt3A_1154 = arith.constant 524288 : i32
        %lt3A_1155 = vector.broadcast %lt3A_1154 : i32 to vector<16xi32>
        %lt3A_1156 = arith.cmpi slt, %get3A_1153, %lt3A_1155 : vector<16xi32>
        %mul3A_1157 = arith.constant 2 : i32
        %mul3A_1158 = vector.broadcast %mul3A_1157 : i32 to vector<16xi32>
        %mul3A_1159 = arith.muli %mul3A_1158, %get3A_1153 : vector<16xi32>
        %mul3A_1160 = arith.constant 2 : i32
        %mul3A_1161 = vector.broadcast %mul3A_1160 : i32 to vector<16xi32>
        %mul3A_1162 = arith.muli %mul3A_1161, %get3A_1153 : vector<16xi32>
        %sub3A_1163 = arith.constant 1048575 : i32
        %sub3A_1164 = vector.broadcast %sub3A_1163 : i32 to vector<16xi32>
        %sub3A_1165 = arith.subi %mul3A_1162, %sub3A_1164 : vector<16xi32>
        %select_n3A_1166 = arith.select %lt3A_1156, %mul3A_1159, %sub3A_1165 : vector<16xi1>, vector<16xi32>
        %swap3A_1167 = arith.constant 352 : index
        %swap3A_1168 = tpu.vector_load %arg6[%swap3A_1167] {strides = array<i32>} : memref<512xi32, #tpu.memory_space<vmem>>, vector<16xi32>,
        %swap3A_1169 = vector.shape_cast %swap3A_1168 : vector<16xi32> to vector<16xi32>
        %swap3A_1170 = vector.shape_cast %select_n3A_1166 : vector<16xi32> to vector<16xi32>
        tpu.vector_store %arg6[%swap3A_1167], %swap3A_1170 {strides = array<i32>} : memref<512xi32, #tpu.memory_space<vmem>>, vector<16xi32>,
        %get3A_1171 = arith.constant 368 : index
        %get3A_1172 = tpu.vector_load %arg6[%get3A_1171] {strides = array<i32>} : memref<512xi32, #tpu.memory_space<vmem>>, vector<16xi32>,
        %get3A_1173 = vector.shape_cast %get3A_1172 : vector<16xi32> to vector<16xi32>
        %lt3A_1174 = arith.constant 524288 : i32
        %lt3A_1175 = vector.broadcast %lt3A_1174 : i32 to vector<16xi32>
        %lt3A_1176 = arith.cmpi slt, %get3A_1173, %lt3A_1175 : vector<16xi32>
        %mul3A_1177 = arith.constant 2 : i32
        %mul3A_1178 = vector.broadcast %mul3A_1177 : i32 to vector<16xi32>
        %mul3A_1179 = arith.muli %mul3A_1178, %get3A_1173 : vector<16xi32>
        %mul3A_1180 = arith.constant 2 : i32
        %mul3A_1181 = vector.broadcast %mul3A_1180 : i32 to vector<16xi32>
        %mul3A_1182 = arith.muli %mul3A_1181, %get3A_1173 : vector<16xi32>
        %sub3A_1183 = arith.constant 1048575 : i32
        %sub3A_1184 = vector.broadcast %sub3A_1183 : i32 to vector<16xi32>
        %sub3A_1185 = arith.subi %mul3A_1182, %sub3A_1184 : vector<16xi32>
        %select_n3A_1186 = arith.select %lt3A_1176, %mul3A_1179, %sub3A_1185 : vector<16xi1>, vector<16xi32>
        %swap3A_1187 = arith.constant 368 : index
        %swap3A_1188 = tpu.vector_load %arg6[%swap3A_1187] {strides = array<i32>} : memref<512xi32, #tpu.memory_space<vmem>>, vector<16xi32>,
        %swap3A_1189 = vector.shape_cast %swap3A_1188 : vector<16xi32> to vector<16xi32>
        %swap3A_1190 = vector.shape_cast %select_n3A_1186 : vector<16xi32> to vector<16xi32>
        tpu.vector_store %arg6[%swap3A_1187], %swap3A_1190 {strides = array<i32>} : memref<512xi32, #tpu.memory_space<vmem>>, vector<16xi32>,
        %get3A_1191 = arith.constant 384 : index
        %get3A_1192 = tpu.vector_load %arg6[%get3A_1191] {strides = array<i32>} : memref<512xi32, #tpu.memory_space<vmem>>, vector<16xi32>,
        %get3A_1193 = vector.shape_cast %get3A_1192 : vector<16xi32> to vector<16xi32>
        %lt3A_1194 = arith.constant 524288 : i32
        %lt3A_1195 = vector.broadcast %lt3A_1194 : i32 to vector<16xi32>
        %lt3A_1196 = arith.cmpi slt, %get3A_1193, %lt3A_1195 : vector<16xi32>
        %mul3A_1197 = arith.constant 2 : i32
        %mul3A_1198 = vector.broadcast %mul3A_1197 : i32 to vector<16xi32>
        %mul3A_1199 = arith.muli %mul3A_1198, %get3A_1193 : vector<16xi32>
        %mul3A_1200 = arith.constant 2 : i32
        %mul3A_1201 = vector.broadcast %mul3A_1200 : i32 to vector<16xi32>
        %mul3A_1202 = arith.muli %mul3A_1201, %get3A_1193 : vector<16xi32>
        %sub3A_1203 = arith.constant 1048575 : i32
        %sub3A_1204 = vector.broadcast %sub3A_1203 : i32 to vector<16xi32>
        %sub3A_1205 = arith.subi %mul3A_1202, %sub3A_1204 : vector<16xi32>
        %select_n3A_1206 = arith.select %lt3A_1196, %mul3A_1199, %sub3A_1205 : vector<16xi1>, vector<16xi32>
        %swap3A_1207 = arith.constant 384 : index
        %swap3A_1208 = tpu.vector_load %arg6[%swap3A_1207] {strides = array<i32>} : memref<512xi32, #tpu.memory_space<vmem>>, vector<16xi32>,
        %swap3A_1209 = vector.shape_cast %swap3A_1208 : vector<16xi32> to vector<16xi32>
        %swap3A_1210 = vector.shape_cast %select_n3A_1206 : vector<16xi32> to vector<16xi32>
        tpu.vector_store %arg6[%swap3A_1207], %swap3A_1210 {strides = array<i32>} : memref<512xi32, #tpu.memory_space<vmem>>, vector<16xi32>,
        %get3A_1211 = arith.constant 400 : index
        %get3A_1212 = tpu.vector_load %arg6[%get3A_1211] {strides = array<i32>} : memref<512xi32, #tpu.memory_space<vmem>>, vector<16xi32>,
        %get3A_1213 = vector.shape_cast %get3A_1212 : vector<16xi32> to vector<16xi32>
        %lt3A_1214 = arith.constant 524288 : i32
        %lt3A_1215 = vector.broadcast %lt3A_1214 : i32 to vector<16xi32>
        %lt3A_1216 = arith.cmpi slt, %get3A_1213, %lt3A_1215 : vector<16xi32>
        %mul3A_1217 = arith.constant 2 : i32
        %mul3A_1218 = vector.broadcast %mul3A_1217 : i32 to vector<16xi32>
        %mul3A_1219 = arith.muli %mul3A_1218, %get3A_1213 : vector<16xi32>
        %mul3A_1220 = arith.constant 2 : i32
        %mul3A_1221 = vector.broadcast %mul3A_1220 : i32 to vector<16xi32>
        %mul3A_1222 = arith.muli %mul3A_1221, %get3A_1213 : vector<16xi32>
        %sub3A_1223 = arith.constant 1048575 : i32
        %sub3A_1224 = vector.broadcast %sub3A_1223 : i32 to vector<16xi32>
        %sub3A_1225 = arith.subi %mul3A_1222, %sub3A_1224 : vector<16xi32>
        %select_n3A_1226 = arith.select %lt3A_1216, %mul3A_1219, %sub3A_1225 : vector<16xi1>, vector<16xi32>
        %swap3A_1227 = arith.constant 400 : index
        %swap3A_1228 = tpu.vector_load %arg6[%swap3A_1227] {strides = array<i32>} : memref<512xi32, #tpu.memory_space<vmem>>, vector<16xi32>,
        %swap3A_1229 = vector.shape_cast %swap3A_1228 : vector<16xi32> to vector<16xi32>
        %swap3A_1230 = vector.shape_cast %select_n3A_1226 : vector<16xi32> to vector<16xi32>
        tpu.vector_store %arg6[%swap3A_1227], %swap3A_1230 {strides = array<i32>} : memref<512xi32, #tpu.memory_space<vmem>>, vector<16xi32>,
        %get3A_1231 = arith.constant 416 : index
        %get3A_1232 = tpu.vector_load %arg6[%get3A_1231] {strides = array<i32>} : memref<512xi32, #tpu.memory_space<vmem>>, vector<16xi32>,
        %get3A_1233 = vector.shape_cast %get3A_1232 : vector<16xi32> to vector<16xi32>
        %lt3A_1234 = arith.constant 524288 : i32
        %lt3A_1235 = vector.broadcast %lt3A_1234 : i32 to vector<16xi32>
        %lt3A_1236 = arith.cmpi slt, %get3A_1233, %lt3A_1235 : vector<16xi32>
        %mul3A_1237 = arith.constant 2 : i32
        %mul3A_1238 = vector.broadcast %mul3A_1237 : i32 to vector<16xi32>
        %mul3A_1239 = arith.muli %mul3A_1238, %get3A_1233 : vector<16xi32>
        %mul3A_1240 = arith.constant 2 : i32
        %mul3A_1241 = vector.broadcast %mul3A_1240 : i32 to vector<16xi32>
        %mul3A_1242 = arith.muli %mul3A_1241, %get3A_1233 : vector<16xi32>
        %sub3A_1243 = arith.constant 1048575 : i32
        %sub3A_1244 = vector.broadcast %sub3A_1243 : i32 to vector<16xi32>
        %sub3A_1245 = arith.subi %mul3A_1242, %sub3A_1244 : vector<16xi32>
        %select_n3A_1246 = arith.select %lt3A_1236, %mul3A_1239, %sub3A_1245 : vector<16xi1>, vector<16xi32>
        %swap3A_1247 = arith.constant 416 : index
        %swap3A_1248 = tpu.vector_load %arg6[%swap3A_1247] {strides = array<i32>} : memref<512xi32, #tpu.memory_space<vmem>>, vector<16xi32>,
        %swap3A_1249 = vector.shape_cast %swap3A_1248 : vector<16xi32> to vector<16xi32>
        %swap3A_1250 = vector.shape_cast %select_n3A_1246 : vector<16xi32> to vector<16xi32>
        tpu.vector_store %arg6[%swap3A_1247], %swap3A_1250 {strides = array<i32>} : memref<512xi32, #tpu.memory_space<vmem>>, vector<16xi32>,
        %get3A_1251 = arith.constant 432 : index
        %get3A_1252 = tpu.vector_load %arg6[%get3A_1251] {strides = array<i32>} : memref<512xi32, #tpu.memory_space<vmem>>, vector<16xi32>,
        %get3A_1253 = vector.shape_cast %get3A_1252 : vector<16xi32> to vector<16xi32>
        %lt3A_1254 = arith.constant 524288 : i32
        %lt3A_1255 = vector.broadcast %lt3A_1254 : i32 to vector<16xi32>
        %lt3A_1256 = arith.cmpi slt, %get3A_1253, %lt3A_1255 : vector<16xi32>
        %mul3A_1257 = arith.constant 2 : i32
        %mul3A_1258 = vector.broadcast %mul3A_1257 : i32 to vector<16xi32>
        %mul3A_1259 = arith.muli %mul3A_1258, %get3A_1253 : vector<16xi32>
        %mul3A_1260 = arith.constant 2 : i32
        %mul3A_1261 = vector.broadcast %mul3A_1260 : i32 to vector<16xi32>
        %mul3A_1262 = arith.muli %mul3A_1261, %get3A_1253 : vector<16xi32>
        %sub3A_1263 = arith.constant 1048575 : i32
        %sub3A_1264 = vector.broadcast %sub3A_1263 : i32 to vector<16xi32>
        %sub3A_1265 = arith.subi %mul3A_1262, %sub3A_1264 : vector<16xi32>
        %select_n3A_1266 = arith.select %lt3A_1256, %mul3A_1259, %sub3A_1265 : vector<16xi1>, vector<16xi32>
        %swap3A_1267 = arith.constant 432 : index
        %swap3A_1268 = tpu.vector_load %arg6[%swap3A_1267] {strides = array<i32>} : memref<512xi32, #tpu.memory_space<vmem>>, vector<16xi32>,
        %swap3A_1269 = vector.shape_cast %swap3A_1268 : vector<16xi32> to vector<16xi32>
        %swap3A_1270 = vector.shape_cast %select_n3A_1266 : vector<16xi32> to vector<16xi32>
        tpu.vector_store %arg6[%swap3A_1267], %swap3A_1270 {strides = array<i32>} : memref<512xi32, #tpu.memory_space<vmem>>, vector<16xi32>,
        %get3A_1271 = arith.constant 448 : index
        %get3A_1272 = tpu.vector_load %arg6[%get3A_1271] {strides = array<i32>} : memref<512xi32, #tpu.memory_space<vmem>>, vector<16xi32>,
        %get3A_1273 = vector.shape_cast %get3A_1272 : vector<16xi32> to vector<16xi32>
        %lt3A_1274 = arith.constant 524288 : i32
        %lt3A_1275 = vector.broadcast %lt3A_1274 : i32 to vector<16xi32>
        %lt3A_1276 = arith.cmpi slt, %get3A_1273, %lt3A_1275 : vector<16xi32>
        %mul3A_1277 = arith.constant 2 : i32
        %mul3A_1278 = vector.broadcast %mul3A_1277 : i32 to vector<16xi32>
        %mul3A_1279 = arith.muli %mul3A_1278, %get3A_1273 : vector<16xi32>
        %mul3A_1280 = arith.constant 2 : i32
        %mul3A_1281 = vector.broadcast %mul3A_1280 : i32 to vector<16xi32>
        %mul3A_1282 = arith.muli %mul3A_1281, %get3A_1273 : vector<16xi32>
        %sub3A_1283 = arith.constant 1048575 : i32
        %sub3A_1284 = vector.broadcast %sub3A_1283 : i32 to vector<16xi32>
        %sub3A_1285 = arith.subi %mul3A_1282, %sub3A_1284 : vector<16xi32>
        %select_n3A_1286 = arith.select %lt3A_1276, %mul3A_1279, %sub3A_1285 : vector<16xi1>, vector<16xi32>
        %swap3A_1287 = arith.constant 448 : index
        %swap3A_1288 = tpu.vector_load %arg6[%swap3A_1287] {strides = array<i32>} : memref<512xi32, #tpu.memory_space<vmem>>, vector<16xi32>,
        %swap3A_1289 = vector.shape_cast %swap3A_1288 : vector<16xi32> to vector<16xi32>
        %swap3A_1290 = vector.shape_cast %select_n3A_1286 : vector<16xi32> to vector<16xi32>
        tpu.vector_store %arg6[%swap3A_1287], %swap3A_1290 {strides = array<i32>} : memref<512xi32, #tpu.memory_space<vmem>>, vector<16xi32>,
        %get3A_1291 = arith.constant 464 : index
        %get3A_1292 = tpu.vector_load %arg6[%get3A_1291] {strides = array<i32>} : memref<512xi32, #tpu.memory_space<vmem>>, vector<16xi32>,
        %get3A_1293 = vector.shape_cast %get3A_1292 : vector<16xi32> to vector<16xi32>
        %lt3A_1294 = arith.constant 524288 : i32
        %lt3A_1295 = vector.broadcast %lt3A_1294 : i32 to vector<16xi32>
        %lt3A_1296 = arith.cmpi slt, %get3A_1293, %lt3A_1295 : vector<16xi32>
        %mul3A_1297 = arith.constant 2 : i32
        %mul3A_1298 = vector.broadcast %mul3A_1297 : i32 to vector<16xi32>
        %mul3A_1299 = arith.muli %mul3A_1298, %get3A_1293 : vector<16xi32>
        %mul3A_1300 = arith.constant 2 : i32
        %mul3A_1301 = vector.broadcast %mul3A_1300 : i32 to vector<16xi32>
        %mul3A_1302 = arith.muli %mul3A_1301, %get3A_1293 : vector<16xi32>
        %sub3A_1303 = arith.constant 1048575 : i32
        %sub3A_1304 = vector.broadcast %sub3A_1303 : i32 to vector<16xi32>
        %sub3A_1305 = arith.subi %mul3A_1302, %sub3A_1304 : vector<16xi32>
        %select_n3A_1306 = arith.select %lt3A_1296, %mul3A_1299, %sub3A_1305 : vector<16xi1>, vector<16xi32>
        %swap3A_1307 = arith.constant 464 : index
        %swap3A_1308 = tpu.vector_load %arg6[%swap3A_1307] {strides = array<i32>} : memref<512xi32, #tpu.memory_space<vmem>>, vector<16xi32>,
        %swap3A_1309 = vector.shape_cast %swap3A_1308 : vector<16xi32> to vector<16xi32>
        %swap3A_1310 = vector.shape_cast %select_n3A_1306 : vector<16xi32> to vector<16xi32>
        tpu.vector_store %arg6[%swap3A_1307], %swap3A_1310 {strides = array<i32>} : memref<512xi32, #tpu.memory_space<vmem>>, vector<16xi32>,
        %get3A_1311 = arith.constant 480 : index
        %get3A_1312 = tpu.vector_load %arg6[%get3A_1311] {strides = array<i32>} : memref<512xi32, #tpu.memory_space<vmem>>, vector<16xi32>,
        %get3A_1313 = vector.shape_cast %get3A_1312 : vector<16xi32> to vector<16xi32>
        %lt3A_1314 = arith.constant 524288 : i32
        %lt3A_1315 = vector.broadcast %lt3A_1314 : i32 to vector<16xi32>
        %lt3A_1316 = arith.cmpi slt, %get3A_1313, %lt3A_1315 : vector<16xi32>
        %mul3A_1317 = arith.constant 2 : i32
        %mul3A_1318 = vector.broadcast %mul3A_1317 : i32 to vector<16xi32>
        %mul3A_1319 = arith.muli %mul3A_1318, %get3A_1313 : vector<16xi32>
        %mul3A_1320 = arith.constant 2 : i32
        %mul3A_1321 = vector.broadcast %mul3A_1320 : i32 to vector<16xi32>
        %mul3A_1322 = arith.muli %mul3A_1321, %get3A_1313 : vector<16xi32>
        %sub3A_1323 = arith.constant 1048575 : i32
        %sub3A_1324 = vector.broadcast %sub3A_1323 : i32 to vector<16xi32>
        %sub3A_1325 = arith.subi %mul3A_1322, %sub3A_1324 : vector<16xi32>
        %select_n3A_1326 = arith.select %lt3A_1316, %mul3A_1319, %sub3A_1325 : vector<16xi1>, vector<16xi32>
        %swap3A_1327 = arith.constant 480 : index
        %swap3A_1328 = tpu.vector_load %arg6[%swap3A_1327] {strides = array<i32>} : memref<512xi32, #tpu.memory_space<vmem>>, vector<16xi32>,
        %swap3A_1329 = vector.shape_cast %swap3A_1328 : vector<16xi32> to vector<16xi32>
        %swap3A_1330 = vector.shape_cast %select_n3A_1326 : vector<16xi32> to vector<16xi32>
        tpu.vector_store %arg6[%swap3A_1327], %swap3A_1330 {strides = array<i32>} : memref<512xi32, #tpu.memory_space<vmem>>, vector<16xi32>,
        %get3A_1331 = arith.constant 496 : index
        %get3A_1332 = tpu.vector_load %arg6[%get3A_1331] {strides = array<i32>} : memref<512xi32, #tpu.memory_space<vmem>>, vector<16xi32>,
        %get3A_1333 = vector.shape_cast %get3A_1332 : vector<16xi32> to vector<16xi32>
        %lt3A_1334 = arith.constant 524288 : i32
        %lt3A_1335 = vector.broadcast %lt3A_1334 : i32 to vector<16xi32>
        %lt3A_1336 = arith.cmpi slt, %get3A_1333, %lt3A_1335 : vector<16xi32>
        %mul3A_1337 = arith.constant 2 : i32
        %mul3A_1338 = vector.broadcast %mul3A_1337 : i32 to vector<16xi32>
        %mul3A_1339 = arith.muli %mul3A_1338, %get3A_1333 : vector<16xi32>
        %mul3A_1340 = arith.constant 2 : i32
        %mul3A_1341 = vector.broadcast %mul3A_1340 : i32 to vector<16xi32>
        %mul3A_1342 = arith.muli %mul3A_1341, %get3A_1333 : vector<16xi32>
        %sub3A_1343 = arith.constant 1048575 : i32
        %sub3A_1344 = vector.broadcast %sub3A_1343 : i32 to vector<16xi32>
        %sub3A_1345 = arith.subi %mul3A_1342, %sub3A_1344 : vector<16xi32>
        %select_n3A_1346 = arith.select %lt3A_1336, %mul3A_1339, %sub3A_1345 : vector<16xi1>, vector<16xi32>
        %swap3A_1347 = arith.constant 496 : index
        %swap3A_1348 = tpu.vector_load %arg6[%swap3A_1347] {strides = array<i32>} : memref<512xi32, #tpu.memory_space<vmem>>, vector<16xi32>,
        %swap3A_1349 = vector.shape_cast %swap3A_1348 : vector<16xi32> to vector<16xi32>
        %swap3A_1350 = vector.shape_cast %select_n3A_1346 : vector<16xi32> to vector<16xi32>
        tpu.vector_store %arg6[%swap3A_1347], %swap3A_1350 {strides = array<i32>} : memref<512xi32, #tpu.memory_space<vmem>>, vector<16xi32>,
        %dma_start3A_1351 = arith.constant 0 : i32
        %dma_start3A_1352 = arith.constant 0 : i32
        %dma_start3A_1353 = tpu.memref_slice %arg3[%dma_start3A_1351, %dma_start3A_1352] : memref<1048576x64xf32, #tpu.memory_space<hbm>> -> memref<1048576x64xf32, #tpu.memory_space<hbm>>
        tpu.enqueue_indirect_dma source(%dma_start3A_1353 : memref<1048576x64xf32, #tpu.memory_space<hbm>>) target(%arg8 : memref<512x64xf32, #tpu.memory_space<vmem>>) offsets(%arg6 : memref<512xi32, #tpu.memory_space<vmem>>) semaphore(%arg10 : memref<!tpu.dma_semaphore, #tpu.memory_space<semaphore_mem>>)
      } else {
      }
      %dma_wait3A_670 = arith.constant 0 : i32
      %dma_wait3A_671 = arith.constant 0 : i32
      %dma_wait3A_672 = tpu.memref_slice %arg3[%dma_wait3A_670, %dma_wait3A_671] : memref<1048576x64xf32, #tpu.memory_space<hbm>> -> memref<1048576x64xf32, #tpu.memory_space<hbm>>
      tpu.wait_indirect_dma semaphore(%arg9 : memref<!tpu.dma_semaphore, #tpu.memory_space<semaphore_mem>>) src(%dma_wait3A_672 : memref<1048576x64xf32, #tpu.memory_space<hbm>>) dst(%arg7 : memref<512x64xf32, #tpu.memory_space<vmem>>)
      %mul3A_673 = arith.constant 512 : i32
      %mul3A_674 = arith.muli %add3A_664, %mul3A_673 : i32
      %add3A_675 = arith.addi %mul3A_2, %mul3A_674 : i32
      %dma_start3A_676 = arith.constant 0 : i32
      %dma_start3A_677 = tpu.memref_slice %arg4[%add3A_675, %dma_start3A_676] : memref<819200x128xf32, #tpu.memory_space<hbm>> -> memref<512x64xf32, #tpu.memory_space<hbm>>
      %dma_start3A_678 = arith.constant 0 : i32
      %dma_start3A_679 = tpu.memref_slice %arg4[%add3A_675, %dma_start3A_678] : memref<819200x128xf32, #tpu.memory_space<hbm>> -> memref<512x64xf32, #tpu.memory_space<hbm>>
      tpu.enqueue_dma source(%arg7 : memref<512x64xf32, #tpu.memory_space<vmem>>) target(%dma_start3A_679 : memref<512x64xf32, #tpu.memory_space<hbm>>) target_semaphore(%arg11 : memref<!tpu.dma_semaphore, #tpu.memory_space<semaphore_mem>>)
      %mul3A_680 = arith.constant 2 : i32
      %mul3A_681 = arith.muli %scan3A_659, %mul3A_680 : i32
      %add3A_682 = arith.constant 1 : i32
      %add3A_683 = arith.addi %mul3A_681, %add3A_682 : i32
      %add3A_684 = arith.constant 1 : i32
      %add3A_685 = arith.addi %add3A_683, %add3A_684 : i32
      %lt3A_686 = arith.constant 50 : i32
      %lt3A_687 = arith.cmpi slt, %add3A_685, %lt3A_686 : i32
      %convert_element_type3A_688 = arith.extui %lt3A_687 : i1 to i32
      %cond3A_689 = arith.constant 0 : i32
      %cond3A_690 = arith.cmpi ne, %convert_element_type3A_688, %cond3A_689 : i32
      scf.if %cond3A_690 {
        %ge3A = arith.constant 1 : i32
        %ge3A_702 = arith.cmpi sge, %add3A_683, %ge3A : i32
        %convert_element_type3A_703 = arith.extui %ge3A_702 : i1 to i32
        %cond3A_704 = arith.constant 0 : i32
        %cond3A_705 = arith.cmpi ne, %convert_element_type3A_703, %cond3A_704 : i32
        scf.if %cond3A_705 {
          %sub3A_1354 = arith.constant 1 : i32
          %sub3A_1355 = arith.subi %add3A_683, %sub3A_1354 : i32
          %mul3A_1356 = arith.constant 512 : i32
          %mul3A_1357 = arith.muli %sub3A_1355, %mul3A_1356 : i32
          %add3A_1358 = arith.addi %mul3A_2, %mul3A_1357 : i32
          %dma_wait3A_1359 = arith.constant 0 : i32
          %dma_wait3A_1360 = tpu.memref_slice %arg4[%add3A_1358, %dma_wait3A_1359] : memref<819200x128xf32, #tpu.memory_space<hbm>> -> memref<512x64xf32, #tpu.memory_space<hbm>>
          %dma_wait3A_1361 = arith.constant 0 : i32
          %dma_wait3A_1362 = tpu.memref_slice %arg4[%add3A_1358, %dma_wait3A_1361] : memref<819200x128xf32, #tpu.memory_space<hbm>> -> memref<512x64xf32, #tpu.memory_space<hbm>>
          tpu.wait_dma2 semaphore(%arg11 : memref<!tpu.dma_semaphore, #tpu.memory_space<semaphore_mem>>) src(%arg7 : memref<512x64xf32, #tpu.memory_space<vmem>>) dst(%dma_wait3A_1362 : memref<512x64xf32, #tpu.memory_space<hbm>>)
        } else {
        }
        %add3A_706 = arith.constant 1 : i32
        %add3A_707 = arith.addi %add3A_683, %add3A_706 : i32
        %mul3A_708 = arith.constant 512 : i32
        %mul3A_709 = arith.muli %add3A_707, %mul3A_708 : i32
        %add3A_710 = arith.addi %mul3A_2, %mul3A_709 : i32
        "tpu.region"() ({
          %run_scoped3A = tpu.sem_alloc : memref<!tpu.dma_semaphore, #tpu.memory_space<semaphore_mem>>
          %dma_start3A_1354 = tpu.memref_slice %arg2[%add3A_710] : memref<819200xi32, #tpu.memory_space<hbm>> -> memref<512xi32, #tpu.memory_space<hbm>>
          %dma_start3A_1355 = tpu.memref_slice %arg2[%add3A_710] : memref<819200xi32, #tpu.memory_space<hbm>> -> memref<512xi32, #tpu.memory_space<hbm>>
          tpu.enqueue_dma source(%dma_start3A_1355 : memref<512xi32, #tpu.memory_space<hbm>>) target(%arg5 : memref<512xi32, #tpu.memory_space<vmem>>) target_semaphore(%run_scoped3A : memref<!tpu.dma_semaphore, #tpu.memory_space<semaphore_mem>>)
          %dma_wait3A_1356 = tpu.memref_slice %arg2[%add3A_710] : memref<819200xi32, #tpu.memory_space<hbm>> -> memref<512xi32, #tpu.memory_space<hbm>>
          %dma_wait3A_1357 = tpu.memref_slice %arg2[%add3A_710] : memref<819200xi32, #tpu.memory_space<hbm>> -> memref<512xi32, #tpu.memory_space<hbm>>
          tpu.wait_dma2 semaphore(%run_scoped3A : memref<!tpu.dma_semaphore, #tpu.memory_space<semaphore_mem>>) src(%dma_wait3A_1357 : memref<512xi32, #tpu.memory_space<hbm>>) dst(%arg5 : memref<512xi32, #tpu.memory_space<vmem>>)
          tpu.yield
        }) : () -> ()
        %get3A_711 = arith.constant 0 : index
        %get3A_712 = tpu.vector_load %arg5[%get3A_711] {strides = array<i32>} : memref<512xi32, #tpu.memory_space<vmem>>, vector<16xi32>,
        %get3A_713 = vector.shape_cast %get3A_712 : vector<16xi32> to vector<16xi32>
        %lt3A_714 = arith.constant 524288 : i32
        %lt3A_715 = vector.broadcast %lt3A_714 : i32 to vector<16xi32>
        %lt3A_716 = arith.cmpi slt, %get3A_713, %lt3A_715 : vector<16xi32>
        %mul3A_717 = arith.constant 2 : i32
        %mul3A_718 = vector.broadcast %mul3A_717 : i32 to vector<16xi32>
        %mul3A_719 = arith.muli %mul3A_718, %get3A_713 : vector<16xi32>
        %mul3A_720 = arith.constant 2 : i32
        %mul3A_721 = vector.broadcast %mul3A_720 : i32 to vector<16xi32>
        %mul3A_722 = arith.muli %mul3A_721, %get3A_713 : vector<16xi32>
        %sub3A_723 = arith.constant 1048575 : i32
        %sub3A_724 = vector.broadcast %sub3A_723 : i32 to vector<16xi32>
        %sub3A_725 = arith.subi %mul3A_722, %sub3A_724 : vector<16xi32>
        %select_n3A_726 = arith.select %lt3A_716, %mul3A_719, %sub3A_725 : vector<16xi1>, vector<16xi32>
        %swap3A_727 = arith.constant 0 : index
        %swap3A_728 = tpu.vector_load %arg5[%swap3A_727] {strides = array<i32>} : memref<512xi32, #tpu.memory_space<vmem>>, vector<16xi32>,
        %swap3A_729 = vector.shape_cast %swap3A_728 : vector<16xi32> to vector<16xi32>
        %swap3A_730 = vector.shape_cast %select_n3A_726 : vector<16xi32> to vector<16xi32>
        tpu.vector_store %arg5[%swap3A_727], %swap3A_730 {strides = array<i32>} : memref<512xi32, #tpu.memory_space<vmem>>, vector<16xi32>,
        %get3A_731 = arith.constant 16 : index
        %get3A_732 = tpu.vector_load %arg5[%get3A_731] {strides = array<i32>} : memref<512xi32, #tpu.memory_space<vmem>>, vector<16xi32>,
        %get3A_733 = vector.shape_cast %get3A_732 : vector<16xi32> to vector<16xi32>
        %lt3A_734 = arith.constant 524288 : i32
        %lt3A_735 = vector.broadcast %lt3A_734 : i32 to vector<16xi32>
        %lt3A_736 = arith.cmpi slt, %get3A_733, %lt3A_735 : vector<16xi32>
        %mul3A_737 = arith.constant 2 : i32
        %mul3A_738 = vector.broadcast %mul3A_737 : i32 to vector<16xi32>
        %mul3A_739 = arith.muli %mul3A_738, %get3A_733 : vector<16xi32>
        %mul3A_740 = arith.constant 2 : i32
        %mul3A_741 = vector.broadcast %mul3A_740 : i32 to vector<16xi32>
        %mul3A_742 = arith.muli %mul3A_741, %get3A_733 : vector<16xi32>
        %sub3A_743 = arith.constant 1048575 : i32
        %sub3A_744 = vector.broadcast %sub3A_743 : i32 to vector<16xi32>
        %sub3A_745 = arith.subi %mul3A_742, %sub3A_744 : vector<16xi32>
        %select_n3A_746 = arith.select %lt3A_736, %mul3A_739, %sub3A_745 : vector<16xi1>, vector<16xi32>
        %swap3A_747 = arith.constant 16 : index
        %swap3A_748 = tpu.vector_load %arg5[%swap3A_747] {strides = array<i32>} : memref<512xi32, #tpu.memory_space<vmem>>, vector<16xi32>,
        %swap3A_749 = vector.shape_cast %swap3A_748 : vector<16xi32> to vector<16xi32>
        %swap3A_750 = vector.shape_cast %select_n3A_746 : vector<16xi32> to vector<16xi32>
        tpu.vector_store %arg5[%swap3A_747], %swap3A_750 {strides = array<i32>} : memref<512xi32, #tpu.memory_space<vmem>>, vector<16xi32>,
        %get3A_751 = arith.constant 32 : index
        %get3A_752 = tpu.vector_load %arg5[%get3A_751] {strides = array<i32>} : memref<512xi32, #tpu.memory_space<vmem>>, vector<16xi32>,
        %get3A_753 = vector.shape_cast %get3A_752 : vector<16xi32> to vector<16xi32>
        %lt3A_754 = arith.constant 524288 : i32
        %lt3A_755 = vector.broadcast %lt3A_754 : i32 to vector<16xi32>
        %lt3A_756 = arith.cmpi slt, %get3A_753, %lt3A_755 : vector<16xi32>
        %mul3A_757 = arith.constant 2 : i32
        %mul3A_758 = vector.broadcast %mul3A_757 : i32 to vector<16xi32>
        %mul3A_759 = arith.muli %mul3A_758, %get3A_753 : vector<16xi32>
        %mul3A_760 = arith.constant 2 : i32
        %mul3A_761 = vector.broadcast %mul3A_760 : i32 to vector<16xi32>
        %mul3A_762 = arith.muli %mul3A_761, %get3A_753 : vector<16xi32>
        %sub3A_763 = arith.constant 1048575 : i32
        %sub3A_764 = vector.broadcast %sub3A_763 : i32 to vector<16xi32>
        %sub3A_765 = arith.subi %mul3A_762, %sub3A_764 : vector<16xi32>
        %select_n3A_766 = arith.select %lt3A_756, %mul3A_759, %sub3A_765 : vector<16xi1>, vector<16xi32>
        %swap3A_767 = arith.constant 32 : index
        %swap3A_768 = tpu.vector_load %arg5[%swap3A_767] {strides = array<i32>} : memref<512xi32, #tpu.memory_space<vmem>>, vector<16xi32>,
        %swap3A_769 = vector.shape_cast %swap3A_768 : vector<16xi32> to vector<16xi32>
        %swap3A_770 = vector.shape_cast %select_n3A_766 : vector<16xi32> to vector<16xi32>
        tpu.vector_store %arg5[%swap3A_767], %swap3A_770 {strides = array<i32>} : memref<512xi32, #tpu.memory_space<vmem>>, vector<16xi32>,
        %get3A_771 = arith.constant 48 : index
        %get3A_772 = tpu.vector_load %arg5[%get3A_771] {strides = array<i32>} : memref<512xi32, #tpu.memory_space<vmem>>, vector<16xi32>,
        %get3A_773 = vector.shape_cast %get3A_772 : vector<16xi32> to vector<16xi32>
        %lt3A_774 = arith.constant 524288 : i32
        %lt3A_775 = vector.broadcast %lt3A_774 : i32 to vector<16xi32>
        %lt3A_776 = arith.cmpi slt, %get3A_773, %lt3A_775 : vector<16xi32>
        %mul3A_777 = arith.constant 2 : i32
        %mul3A_778 = vector.broadcast %mul3A_777 : i32 to vector<16xi32>
        %mul3A_779 = arith.muli %mul3A_778, %get3A_773 : vector<16xi32>
        %mul3A_780 = arith.constant 2 : i32
        %mul3A_781 = vector.broadcast %mul3A_780 : i32 to vector<16xi32>
        %mul3A_782 = arith.muli %mul3A_781, %get3A_773 : vector<16xi32>
        %sub3A_783 = arith.constant 1048575 : i32
        %sub3A_784 = vector.broadcast %sub3A_783 : i32 to vector<16xi32>
        %sub3A_785 = arith.subi %mul3A_782, %sub3A_784 : vector<16xi32>
        %select_n3A_786 = arith.select %lt3A_776, %mul3A_779, %sub3A_785 : vector<16xi1>, vector<16xi32>
        %swap3A_787 = arith.constant 48 : index
        %swap3A_788 = tpu.vector_load %arg5[%swap3A_787] {strides = array<i32>} : memref<512xi32, #tpu.memory_space<vmem>>, vector<16xi32>,
        %swap3A_789 = vector.shape_cast %swap3A_788 : vector<16xi32> to vector<16xi32>
        %swap3A_790 = vector.shape_cast %select_n3A_786 : vector<16xi32> to vector<16xi32>
        tpu.vector_store %arg5[%swap3A_787], %swap3A_790 {strides = array<i32>} : memref<512xi32, #tpu.memory_space<vmem>>, vector<16xi32>,
        %get3A_791 = arith.constant 64 : index
        %get3A_792 = tpu.vector_load %arg5[%get3A_791] {strides = array<i32>} : memref<512xi32, #tpu.memory_space<vmem>>, vector<16xi32>,
        %get3A_793 = vector.shape_cast %get3A_792 : vector<16xi32> to vector<16xi32>
        %lt3A_794 = arith.constant 524288 : i32
        %lt3A_795 = vector.broadcast %lt3A_794 : i32 to vector<16xi32>
        %lt3A_796 = arith.cmpi slt, %get3A_793, %lt3A_795 : vector<16xi32>
        %mul3A_797 = arith.constant 2 : i32
        %mul3A_798 = vector.broadcast %mul3A_797 : i32 to vector<16xi32>
        %mul3A_799 = arith.muli %mul3A_798, %get3A_793 : vector<16xi32>
        %mul3A_800 = arith.constant 2 : i32
        %mul3A_801 = vector.broadcast %mul3A_800 : i32 to vector<16xi32>
        %mul3A_802 = arith.muli %mul3A_801, %get3A_793 : vector<16xi32>
        %sub3A_803 = arith.constant 1048575 : i32
        %sub3A_804 = vector.broadcast %sub3A_803 : i32 to vector<16xi32>
        %sub3A_805 = arith.subi %mul3A_802, %sub3A_804 : vector<16xi32>
        %select_n3A_806 = arith.select %lt3A_796, %mul3A_799, %sub3A_805 : vector<16xi1>, vector<16xi32>
        %swap3A_807 = arith.constant 64 : index
        %swap3A_808 = tpu.vector_load %arg5[%swap3A_807] {strides = array<i32>} : memref<512xi32, #tpu.memory_space<vmem>>, vector<16xi32>,
        %swap3A_809 = vector.shape_cast %swap3A_808 : vector<16xi32> to vector<16xi32>
        %swap3A_810 = vector.shape_cast %select_n3A_806 : vector<16xi32> to vector<16xi32>
        tpu.vector_store %arg5[%swap3A_807], %swap3A_810 {strides = array<i32>} : memref<512xi32, #tpu.memory_space<vmem>>, vector<16xi32>,
        %get3A_811 = arith.constant 80 : index
        %get3A_812 = tpu.vector_load %arg5[%get3A_811] {strides = array<i32>} : memref<512xi32, #tpu.memory_space<vmem>>, vector<16xi32>,
        %get3A_813 = vector.shape_cast %get3A_812 : vector<16xi32> to vector<16xi32>
        %lt3A_814 = arith.constant 524288 : i32
        %lt3A_815 = vector.broadcast %lt3A_814 : i32 to vector<16xi32>
        %lt3A_816 = arith.cmpi slt, %get3A_813, %lt3A_815 : vector<16xi32>
        %mul3A_817 = arith.constant 2 : i32
        %mul3A_818 = vector.broadcast %mul3A_817 : i32 to vector<16xi32>
        %mul3A_819 = arith.muli %mul3A_818, %get3A_813 : vector<16xi32>
        %mul3A_820 = arith.constant 2 : i32
        %mul3A_821 = vector.broadcast %mul3A_820 : i32 to vector<16xi32>
        %mul3A_822 = arith.muli %mul3A_821, %get3A_813 : vector<16xi32>
        %sub3A_823 = arith.constant 1048575 : i32
        %sub3A_824 = vector.broadcast %sub3A_823 : i32 to vector<16xi32>
        %sub3A_825 = arith.subi %mul3A_822, %sub3A_824 : vector<16xi32>
        %select_n3A_826 = arith.select %lt3A_816, %mul3A_819, %sub3A_825 : vector<16xi1>, vector<16xi32>
        %swap3A_827 = arith.constant 80 : index
        %swap3A_828 = tpu.vector_load %arg5[%swap3A_827] {strides = array<i32>} : memref<512xi32, #tpu.memory_space<vmem>>, vector<16xi32>,
        %swap3A_829 = vector.shape_cast %swap3A_828 : vector<16xi32> to vector<16xi32>
        %swap3A_830 = vector.shape_cast %select_n3A_826 : vector<16xi32> to vector<16xi32>
        tpu.vector_store %arg5[%swap3A_827], %swap3A_830 {strides = array<i32>} : memref<512xi32, #tpu.memory_space<vmem>>, vector<16xi32>,
        %get3A_831 = arith.constant 96 : index
        %get3A_832 = tpu.vector_load %arg5[%get3A_831] {strides = array<i32>} : memref<512xi32, #tpu.memory_space<vmem>>, vector<16xi32>,
        %get3A_833 = vector.shape_cast %get3A_832 : vector<16xi32> to vector<16xi32>
        %lt3A_834 = arith.constant 524288 : i32
        %lt3A_835 = vector.broadcast %lt3A_834 : i32 to vector<16xi32>
        %lt3A_836 = arith.cmpi slt, %get3A_833, %lt3A_835 : vector<16xi32>
        %mul3A_837 = arith.constant 2 : i32
        %mul3A_838 = vector.broadcast %mul3A_837 : i32 to vector<16xi32>
        %mul3A_839 = arith.muli %mul3A_838, %get3A_833 : vector<16xi32>
        %mul3A_840 = arith.constant 2 : i32
        %mul3A_841 = vector.broadcast %mul3A_840 : i32 to vector<16xi32>
        %mul3A_842 = arith.muli %mul3A_841, %get3A_833 : vector<16xi32>
        %sub3A_843 = arith.constant 1048575 : i32
        %sub3A_844 = vector.broadcast %sub3A_843 : i32 to vector<16xi32>
        %sub3A_845 = arith.subi %mul3A_842, %sub3A_844 : vector<16xi32>
        %select_n3A_846 = arith.select %lt3A_836, %mul3A_839, %sub3A_845 : vector<16xi1>, vector<16xi32>
        %swap3A_847 = arith.constant 96 : index
        %swap3A_848 = tpu.vector_load %arg5[%swap3A_847] {strides = array<i32>} : memref<512xi32, #tpu.memory_space<vmem>>, vector<16xi32>,
        %swap3A_849 = vector.shape_cast %swap3A_848 : vector<16xi32> to vector<16xi32>
        %swap3A_850 = vector.shape_cast %select_n3A_846 : vector<16xi32> to vector<16xi32>
        tpu.vector_store %arg5[%swap3A_847], %swap3A_850 {strides = array<i32>} : memref<512xi32, #tpu.memory_space<vmem>>, vector<16xi32>,
        %get3A_851 = arith.constant 112 : index
        %get3A_852 = tpu.vector_load %arg5[%get3A_851] {strides = array<i32>} : memref<512xi32, #tpu.memory_space<vmem>>, vector<16xi32>,
        %get3A_853 = vector.shape_cast %get3A_852 : vector<16xi32> to vector<16xi32>
        %lt3A_854 = arith.constant 524288 : i32
        %lt3A_855 = vector.broadcast %lt3A_854 : i32 to vector<16xi32>
        %lt3A_856 = arith.cmpi slt, %get3A_853, %lt3A_855 : vector<16xi32>
        %mul3A_857 = arith.constant 2 : i32
        %mul3A_858 = vector.broadcast %mul3A_857 : i32 to vector<16xi32>
        %mul3A_859 = arith.muli %mul3A_858, %get3A_853 : vector<16xi32>
        %mul3A_860 = arith.constant 2 : i32
        %mul3A_861 = vector.broadcast %mul3A_860 : i32 to vector<16xi32>
        %mul3A_862 = arith.muli %mul3A_861, %get3A_853 : vector<16xi32>
        %sub3A_863 = arith.constant 1048575 : i32
        %sub3A_864 = vector.broadcast %sub3A_863 : i32 to vector<16xi32>
        %sub3A_865 = arith.subi %mul3A_862, %sub3A_864 : vector<16xi32>
        %select_n3A_866 = arith.select %lt3A_856, %mul3A_859, %sub3A_865 : vector<16xi1>, vector<16xi32>
        %swap3A_867 = arith.constant 112 : index
        %swap3A_868 = tpu.vector_load %arg5[%swap3A_867] {strides = array<i32>} : memref<512xi32, #tpu.memory_space<vmem>>, vector<16xi32>,
        %swap3A_869 = vector.shape_cast %swap3A_868 : vector<16xi32> to vector<16xi32>
        %swap3A_870 = vector.shape_cast %select_n3A_866 : vector<16xi32> to vector<16xi32>
        tpu.vector_store %arg5[%swap3A_867], %swap3A_870 {strides = array<i32>} : memref<512xi32, #tpu.memory_space<vmem>>, vector<16xi32>,
        %get3A_871 = arith.constant 128 : index
        %get3A_872 = tpu.vector_load %arg5[%get3A_871] {strides = array<i32>} : memref<512xi32, #tpu.memory_space<vmem>>, vector<16xi32>,
        %get3A_873 = vector.shape_cast %get3A_872 : vector<16xi32> to vector<16xi32>
        %lt3A_874 = arith.constant 524288 : i32
        %lt3A_875 = vector.broadcast %lt3A_874 : i32 to vector<16xi32>
        %lt3A_876 = arith.cmpi slt, %get3A_873, %lt3A_875 : vector<16xi32>
        %mul3A_877 = arith.constant 2 : i32
        %mul3A_878 = vector.broadcast %mul3A_877 : i32 to vector<16xi32>
        %mul3A_879 = arith.muli %mul3A_878, %get3A_873 : vector<16xi32>
        %mul3A_880 = arith.constant 2 : i32
        %mul3A_881 = vector.broadcast %mul3A_880 : i32 to vector<16xi32>
        %mul3A_882 = arith.muli %mul3A_881, %get3A_873 : vector<16xi32>
        %sub3A_883 = arith.constant 1048575 : i32
        %sub3A_884 = vector.broadcast %sub3A_883 : i32 to vector<16xi32>
        %sub3A_885 = arith.subi %mul3A_882, %sub3A_884 : vector<16xi32>
        %select_n3A_886 = arith.select %lt3A_876, %mul3A_879, %sub3A_885 : vector<16xi1>, vector<16xi32>
        %swap3A_887 = arith.constant 128 : index
        %swap3A_888 = tpu.vector_load %arg5[%swap3A_887] {strides = array<i32>} : memref<512xi32, #tpu.memory_space<vmem>>, vector<16xi32>,
        %swap3A_889 = vector.shape_cast %swap3A_888 : vector<16xi32> to vector<16xi32>
        %swap3A_890 = vector.shape_cast %select_n3A_886 : vector<16xi32> to vector<16xi32>
        tpu.vector_store %arg5[%swap3A_887], %swap3A_890 {strides = array<i32>} : memref<512xi32, #tpu.memory_space<vmem>>, vector<16xi32>,
        %get3A_891 = arith.constant 144 : index
        %get3A_892 = tpu.vector_load %arg5[%get3A_891] {strides = array<i32>} : memref<512xi32, #tpu.memory_space<vmem>>, vector<16xi32>,
        %get3A_893 = vector.shape_cast %get3A_892 : vector<16xi32> to vector<16xi32>
        %lt3A_894 = arith.constant 524288 : i32
        %lt3A_895 = vector.broadcast %lt3A_894 : i32 to vector<16xi32>
        %lt3A_896 = arith.cmpi slt, %get3A_893, %lt3A_895 : vector<16xi32>
        %mul3A_897 = arith.constant 2 : i32
        %mul3A_898 = vector.broadcast %mul3A_897 : i32 to vector<16xi32>
        %mul3A_899 = arith.muli %mul3A_898, %get3A_893 : vector<16xi32>
        %mul3A_900 = arith.constant 2 : i32
        %mul3A_901 = vector.broadcast %mul3A_900 : i32 to vector<16xi32>
        %mul3A_902 = arith.muli %mul3A_901, %get3A_893 : vector<16xi32>
        %sub3A_903 = arith.constant 1048575 : i32
        %sub3A_904 = vector.broadcast %sub3A_903 : i32 to vector<16xi32>
        %sub3A_905 = arith.subi %mul3A_902, %sub3A_904 : vector<16xi32>
        %select_n3A_906 = arith.select %lt3A_896, %mul3A_899, %sub3A_905 : vector<16xi1>, vector<16xi32>
        %swap3A_907 = arith.constant 144 : index
        %swap3A_908 = tpu.vector_load %arg5[%swap3A_907] {strides = array<i32>} : memref<512xi32, #tpu.memory_space<vmem>>, vector<16xi32>,
        %swap3A_909 = vector.shape_cast %swap3A_908 : vector<16xi32> to vector<16xi32>
        %swap3A_910 = vector.shape_cast %select_n3A_906 : vector<16xi32> to vector<16xi32>
        tpu.vector_store %arg5[%swap3A_907], %swap3A_910 {strides = array<i32>} : memref<512xi32, #tpu.memory_space<vmem>>, vector<16xi32>,
        %get3A_911 = arith.constant 160 : index
        %get3A_912 = tpu.vector_load %arg5[%get3A_911] {strides = array<i32>} : memref<512xi32, #tpu.memory_space<vmem>>, vector<16xi32>,
        %get3A_913 = vector.shape_cast %get3A_912 : vector<16xi32> to vector<16xi32>
        %lt3A_914 = arith.constant 524288 : i32
        %lt3A_915 = vector.broadcast %lt3A_914 : i32 to vector<16xi32>
        %lt3A_916 = arith.cmpi slt, %get3A_913, %lt3A_915 : vector<16xi32>
        %mul3A_917 = arith.constant 2 : i32
        %mul3A_918 = vector.broadcast %mul3A_917 : i32 to vector<16xi32>
        %mul3A_919 = arith.muli %mul3A_918, %get3A_913 : vector<16xi32>
        %mul3A_920 = arith.constant 2 : i32
        %mul3A_921 = vector.broadcast %mul3A_920 : i32 to vector<16xi32>
        %mul3A_922 = arith.muli %mul3A_921, %get3A_913 : vector<16xi32>
        %sub3A_923 = arith.constant 1048575 : i32
        %sub3A_924 = vector.broadcast %sub3A_923 : i32 to vector<16xi32>
        %sub3A_925 = arith.subi %mul3A_922, %sub3A_924 : vector<16xi32>
        %select_n3A_926 = arith.select %lt3A_916, %mul3A_919, %sub3A_925 : vector<16xi1>, vector<16xi32>
        %swap3A_927 = arith.constant 160 : index
        %swap3A_928 = tpu.vector_load %arg5[%swap3A_927] {strides = array<i32>} : memref<512xi32, #tpu.memory_space<vmem>>, vector<16xi32>,
        %swap3A_929 = vector.shape_cast %swap3A_928 : vector<16xi32> to vector<16xi32>
        %swap3A_930 = vector.shape_cast %select_n3A_926 : vector<16xi32> to vector<16xi32>
        tpu.vector_store %arg5[%swap3A_927], %swap3A_930 {strides = array<i32>} : memref<512xi32, #tpu.memory_space<vmem>>, vector<16xi32>,
        %get3A_931 = arith.constant 176 : index
        %get3A_932 = tpu.vector_load %arg5[%get3A_931] {strides = array<i32>} : memref<512xi32, #tpu.memory_space<vmem>>, vector<16xi32>,
        %get3A_933 = vector.shape_cast %get3A_932 : vector<16xi32> to vector<16xi32>
        %lt3A_934 = arith.constant 524288 : i32
        %lt3A_935 = vector.broadcast %lt3A_934 : i32 to vector<16xi32>
        %lt3A_936 = arith.cmpi slt, %get3A_933, %lt3A_935 : vector<16xi32>
        %mul3A_937 = arith.constant 2 : i32
        %mul3A_938 = vector.broadcast %mul3A_937 : i32 to vector<16xi32>
        %mul3A_939 = arith.muli %mul3A_938, %get3A_933 : vector<16xi32>
        %mul3A_940 = arith.constant 2 : i32
        %mul3A_941 = vector.broadcast %mul3A_940 : i32 to vector<16xi32>
        %mul3A_942 = arith.muli %mul3A_941, %get3A_933 : vector<16xi32>
        %sub3A_943 = arith.constant 1048575 : i32
        %sub3A_944 = vector.broadcast %sub3A_943 : i32 to vector<16xi32>
        %sub3A_945 = arith.subi %mul3A_942, %sub3A_944 : vector<16xi32>
        %select_n3A_946 = arith.select %lt3A_936, %mul3A_939, %sub3A_945 : vector<16xi1>, vector<16xi32>
        %swap3A_947 = arith.constant 176 : index
        %swap3A_948 = tpu.vector_load %arg5[%swap3A_947] {strides = array<i32>} : memref<512xi32, #tpu.memory_space<vmem>>, vector<16xi32>,
        %swap3A_949 = vector.shape_cast %swap3A_948 : vector<16xi32> to vector<16xi32>
        %swap3A_950 = vector.shape_cast %select_n3A_946 : vector<16xi32> to vector<16xi32>
        tpu.vector_store %arg5[%swap3A_947], %swap3A_950 {strides = array<i32>} : memref<512xi32, #tpu.memory_space<vmem>>, vector<16xi32>,
        %get3A_951 = arith.constant 192 : index
        %get3A_952 = tpu.vector_load %arg5[%get3A_951] {strides = array<i32>} : memref<512xi32, #tpu.memory_space<vmem>>, vector<16xi32>,
        %get3A_953 = vector.shape_cast %get3A_952 : vector<16xi32> to vector<16xi32>
        %lt3A_954 = arith.constant 524288 : i32
        %lt3A_955 = vector.broadcast %lt3A_954 : i32 to vector<16xi32>
        %lt3A_956 = arith.cmpi slt, %get3A_953, %lt3A_955 : vector<16xi32>
        %mul3A_957 = arith.constant 2 : i32
        %mul3A_958 = vector.broadcast %mul3A_957 : i32 to vector<16xi32>
        %mul3A_959 = arith.muli %mul3A_958, %get3A_953 : vector<16xi32>
        %mul3A_960 = arith.constant 2 : i32
        %mul3A_961 = vector.broadcast %mul3A_960 : i32 to vector<16xi32>
        %mul3A_962 = arith.muli %mul3A_961, %get3A_953 : vector<16xi32>
        %sub3A_963 = arith.constant 1048575 : i32
        %sub3A_964 = vector.broadcast %sub3A_963 : i32 to vector<16xi32>
        %sub3A_965 = arith.subi %mul3A_962, %sub3A_964 : vector<16xi32>
        %select_n3A_966 = arith.select %lt3A_956, %mul3A_959, %sub3A_965 : vector<16xi1>, vector<16xi32>
        %swap3A_967 = arith.constant 192 : index
        %swap3A_968 = tpu.vector_load %arg5[%swap3A_967] {strides = array<i32>} : memref<512xi32, #tpu.memory_space<vmem>>, vector<16xi32>,
        %swap3A_969 = vector.shape_cast %swap3A_968 : vector<16xi32> to vector<16xi32>
        %swap3A_970 = vector.shape_cast %select_n3A_966 : vector<16xi32> to vector<16xi32>
        tpu.vector_store %arg5[%swap3A_967], %swap3A_970 {strides = array<i32>} : memref<512xi32, #tpu.memory_space<vmem>>, vector<16xi32>,
        %get3A_971 = arith.constant 208 : index
        %get3A_972 = tpu.vector_load %arg5[%get3A_971] {strides = array<i32>} : memref<512xi32, #tpu.memory_space<vmem>>, vector<16xi32>,
        %get3A_973 = vector.shape_cast %get3A_972 : vector<16xi32> to vector<16xi32>
        %lt3A_974 = arith.constant 524288 : i32
        %lt3A_975 = vector.broadcast %lt3A_974 : i32 to vector<16xi32>
        %lt3A_976 = arith.cmpi slt, %get3A_973, %lt3A_975 : vector<16xi32>
        %mul3A_977 = arith.constant 2 : i32
        %mul3A_978 = vector.broadcast %mul3A_977 : i32 to vector<16xi32>
        %mul3A_979 = arith.muli %mul3A_978, %get3A_973 : vector<16xi32>
        %mul3A_980 = arith.constant 2 : i32
        %mul3A_981 = vector.broadcast %mul3A_980 : i32 to vector<16xi32>
        %mul3A_982 = arith.muli %mul3A_981, %get3A_973 : vector<16xi32>
        %sub3A_983 = arith.constant 1048575 : i32
        %sub3A_984 = vector.broadcast %sub3A_983 : i32 to vector<16xi32>
        %sub3A_985 = arith.subi %mul3A_982, %sub3A_984 : vector<16xi32>
        %select_n3A_986 = arith.select %lt3A_976, %mul3A_979, %sub3A_985 : vector<16xi1>, vector<16xi32>
        %swap3A_987 = arith.constant 208 : index
        %swap3A_988 = tpu.vector_load %arg5[%swap3A_987] {strides = array<i32>} : memref<512xi32, #tpu.memory_space<vmem>>, vector<16xi32>,
        %swap3A_989 = vector.shape_cast %swap3A_988 : vector<16xi32> to vector<16xi32>
        %swap3A_990 = vector.shape_cast %select_n3A_986 : vector<16xi32> to vector<16xi32>
        tpu.vector_store %arg5[%swap3A_987], %swap3A_990 {strides = array<i32>} : memref<512xi32, #tpu.memory_space<vmem>>, vector<16xi32>,
        %get3A_991 = arith.constant 224 : index
        %get3A_992 = tpu.vector_load %arg5[%get3A_991] {strides = array<i32>} : memref<512xi32, #tpu.memory_space<vmem>>, vector<16xi32>,
        %get3A_993 = vector.shape_cast %get3A_992 : vector<16xi32> to vector<16xi32>
        %lt3A_994 = arith.constant 524288 : i32
        %lt3A_995 = vector.broadcast %lt3A_994 : i32 to vector<16xi32>
        %lt3A_996 = arith.cmpi slt, %get3A_993, %lt3A_995 : vector<16xi32>
        %mul3A_997 = arith.constant 2 : i32
        %mul3A_998 = vector.broadcast %mul3A_997 : i32 to vector<16xi32>
        %mul3A_999 = arith.muli %mul3A_998, %get3A_993 : vector<16xi32>
        %mul3A_1000 = arith.constant 2 : i32
        %mul3A_1001 = vector.broadcast %mul3A_1000 : i32 to vector<16xi32>
        %mul3A_1002 = arith.muli %mul3A_1001, %get3A_993 : vector<16xi32>
        %sub3A_1003 = arith.constant 1048575 : i32
        %sub3A_1004 = vector.broadcast %sub3A_1003 : i32 to vector<16xi32>
        %sub3A_1005 = arith.subi %mul3A_1002, %sub3A_1004 : vector<16xi32>
        %select_n3A_1006 = arith.select %lt3A_996, %mul3A_999, %sub3A_1005 : vector<16xi1>, vector<16xi32>
        %swap3A_1007 = arith.constant 224 : index
        %swap3A_1008 = tpu.vector_load %arg5[%swap3A_1007] {strides = array<i32>} : memref<512xi32, #tpu.memory_space<vmem>>, vector<16xi32>,
        %swap3A_1009 = vector.shape_cast %swap3A_1008 : vector<16xi32> to vector<16xi32>
        %swap3A_1010 = vector.shape_cast %select_n3A_1006 : vector<16xi32> to vector<16xi32>
        tpu.vector_store %arg5[%swap3A_1007], %swap3A_1010 {strides = array<i32>} : memref<512xi32, #tpu.memory_space<vmem>>, vector<16xi32>,
        %get3A_1011 = arith.constant 240 : index
        %get3A_1012 = tpu.vector_load %arg5[%get3A_1011] {strides = array<i32>} : memref<512xi32, #tpu.memory_space<vmem>>, vector<16xi32>,
        %get3A_1013 = vector.shape_cast %get3A_1012 : vector<16xi32> to vector<16xi32>
        %lt3A_1014 = arith.constant 524288 : i32
        %lt3A_1015 = vector.broadcast %lt3A_1014 : i32 to vector<16xi32>
        %lt3A_1016 = arith.cmpi slt, %get3A_1013, %lt3A_1015 : vector<16xi32>
        %mul3A_1017 = arith.constant 2 : i32
        %mul3A_1018 = vector.broadcast %mul3A_1017 : i32 to vector<16xi32>
        %mul3A_1019 = arith.muli %mul3A_1018, %get3A_1013 : vector<16xi32>
        %mul3A_1020 = arith.constant 2 : i32
        %mul3A_1021 = vector.broadcast %mul3A_1020 : i32 to vector<16xi32>
        %mul3A_1022 = arith.muli %mul3A_1021, %get3A_1013 : vector<16xi32>
        %sub3A_1023 = arith.constant 1048575 : i32
        %sub3A_1024 = vector.broadcast %sub3A_1023 : i32 to vector<16xi32>
        %sub3A_1025 = arith.subi %mul3A_1022, %sub3A_1024 : vector<16xi32>
        %select_n3A_1026 = arith.select %lt3A_1016, %mul3A_1019, %sub3A_1025 : vector<16xi1>, vector<16xi32>
        %swap3A_1027 = arith.constant 240 : index
        %swap3A_1028 = tpu.vector_load %arg5[%swap3A_1027] {strides = array<i32>} : memref<512xi32, #tpu.memory_space<vmem>>, vector<16xi32>,
        %swap3A_1029 = vector.shape_cast %swap3A_1028 : vector<16xi32> to vector<16xi32>
        %swap3A_1030 = vector.shape_cast %select_n3A_1026 : vector<16xi32> to vector<16xi32>
        tpu.vector_store %arg5[%swap3A_1027], %swap3A_1030 {strides = array<i32>} : memref<512xi32, #tpu.memory_space<vmem>>, vector<16xi32>,
        %get3A_1031 = arith.constant 256 : index
        %get3A_1032 = tpu.vector_load %arg5[%get3A_1031] {strides = array<i32>} : memref<512xi32, #tpu.memory_space<vmem>>, vector<16xi32>,
        %get3A_1033 = vector.shape_cast %get3A_1032 : vector<16xi32> to vector<16xi32>
        %lt3A_1034 = arith.constant 524288 : i32
        %lt3A_1035 = vector.broadcast %lt3A_1034 : i32 to vector<16xi32>
        %lt3A_1036 = arith.cmpi slt, %get3A_1033, %lt3A_1035 : vector<16xi32>
        %mul3A_1037 = arith.constant 2 : i32
        %mul3A_1038 = vector.broadcast %mul3A_1037 : i32 to vector<16xi32>
        %mul3A_1039 = arith.muli %mul3A_1038, %get3A_1033 : vector<16xi32>
        %mul3A_1040 = arith.constant 2 : i32
        %mul3A_1041 = vector.broadcast %mul3A_1040 : i32 to vector<16xi32>
        %mul3A_1042 = arith.muli %mul3A_1041, %get3A_1033 : vector<16xi32>
        %sub3A_1043 = arith.constant 1048575 : i32
        %sub3A_1044 = vector.broadcast %sub3A_1043 : i32 to vector<16xi32>
        %sub3A_1045 = arith.subi %mul3A_1042, %sub3A_1044 : vector<16xi32>
        %select_n3A_1046 = arith.select %lt3A_1036, %mul3A_1039, %sub3A_1045 : vector<16xi1>, vector<16xi32>
        %swap3A_1047 = arith.constant 256 : index
        %swap3A_1048 = tpu.vector_load %arg5[%swap3A_1047] {strides = array<i32>} : memref<512xi32, #tpu.memory_space<vmem>>, vector<16xi32>,
        %swap3A_1049 = vector.shape_cast %swap3A_1048 : vector<16xi32> to vector<16xi32>
        %swap3A_1050 = vector.shape_cast %select_n3A_1046 : vector<16xi32> to vector<16xi32>
        tpu.vector_store %arg5[%swap3A_1047], %swap3A_1050 {strides = array<i32>} : memref<512xi32, #tpu.memory_space<vmem>>, vector<16xi32>,
        %get3A_1051 = arith.constant 272 : index
        %get3A_1052 = tpu.vector_load %arg5[%get3A_1051] {strides = array<i32>} : memref<512xi32, #tpu.memory_space<vmem>>, vector<16xi32>,
        %get3A_1053 = vector.shape_cast %get3A_1052 : vector<16xi32> to vector<16xi32>
        %lt3A_1054 = arith.constant 524288 : i32
        %lt3A_1055 = vector.broadcast %lt3A_1054 : i32 to vector<16xi32>
        %lt3A_1056 = arith.cmpi slt, %get3A_1053, %lt3A_1055 : vector<16xi32>
        %mul3A_1057 = arith.constant 2 : i32
        %mul3A_1058 = vector.broadcast %mul3A_1057 : i32 to vector<16xi32>
        %mul3A_1059 = arith.muli %mul3A_1058, %get3A_1053 : vector<16xi32>
        %mul3A_1060 = arith.constant 2 : i32
        %mul3A_1061 = vector.broadcast %mul3A_1060 : i32 to vector<16xi32>
        %mul3A_1062 = arith.muli %mul3A_1061, %get3A_1053 : vector<16xi32>
        %sub3A_1063 = arith.constant 1048575 : i32
        %sub3A_1064 = vector.broadcast %sub3A_1063 : i32 to vector<16xi32>
        %sub3A_1065 = arith.subi %mul3A_1062, %sub3A_1064 : vector<16xi32>
        %select_n3A_1066 = arith.select %lt3A_1056, %mul3A_1059, %sub3A_1065 : vector<16xi1>, vector<16xi32>
        %swap3A_1067 = arith.constant 272 : index
        %swap3A_1068 = tpu.vector_load %arg5[%swap3A_1067] {strides = array<i32>} : memref<512xi32, #tpu.memory_space<vmem>>, vector<16xi32>,
        %swap3A_1069 = vector.shape_cast %swap3A_1068 : vector<16xi32> to vector<16xi32>
        %swap3A_1070 = vector.shape_cast %select_n3A_1066 : vector<16xi32> to vector<16xi32>
        tpu.vector_store %arg5[%swap3A_1067], %swap3A_1070 {strides = array<i32>} : memref<512xi32, #tpu.memory_space<vmem>>, vector<16xi32>,
        %get3A_1071 = arith.constant 288 : index
        %get3A_1072 = tpu.vector_load %arg5[%get3A_1071] {strides = array<i32>} : memref<512xi32, #tpu.memory_space<vmem>>, vector<16xi32>,
        %get3A_1073 = vector.shape_cast %get3A_1072 : vector<16xi32> to vector<16xi32>
        %lt3A_1074 = arith.constant 524288 : i32
        %lt3A_1075 = vector.broadcast %lt3A_1074 : i32 to vector<16xi32>
        %lt3A_1076 = arith.cmpi slt, %get3A_1073, %lt3A_1075 : vector<16xi32>
        %mul3A_1077 = arith.constant 2 : i32
        %mul3A_1078 = vector.broadcast %mul3A_1077 : i32 to vector<16xi32>
        %mul3A_1079 = arith.muli %mul3A_1078, %get3A_1073 : vector<16xi32>
        %mul3A_1080 = arith.constant 2 : i32
        %mul3A_1081 = vector.broadcast %mul3A_1080 : i32 to vector<16xi32>
        %mul3A_1082 = arith.muli %mul3A_1081, %get3A_1073 : vector<16xi32>
        %sub3A_1083 = arith.constant 1048575 : i32
        %sub3A_1084 = vector.broadcast %sub3A_1083 : i32 to vector<16xi32>
        %sub3A_1085 = arith.subi %mul3A_1082, %sub3A_1084 : vector<16xi32>
        %select_n3A_1086 = arith.select %lt3A_1076, %mul3A_1079, %sub3A_1085 : vector<16xi1>, vector<16xi32>
        %swap3A_1087 = arith.constant 288 : index
        %swap3A_1088 = tpu.vector_load %arg5[%swap3A_1087] {strides = array<i32>} : memref<512xi32, #tpu.memory_space<vmem>>, vector<16xi32>,
        %swap3A_1089 = vector.shape_cast %swap3A_1088 : vector<16xi32> to vector<16xi32>
        %swap3A_1090 = vector.shape_cast %select_n3A_1086 : vector<16xi32> to vector<16xi32>
        tpu.vector_store %arg5[%swap3A_1087], %swap3A_1090 {strides = array<i32>} : memref<512xi32, #tpu.memory_space<vmem>>, vector<16xi32>,
        %get3A_1091 = arith.constant 304 : index
        %get3A_1092 = tpu.vector_load %arg5[%get3A_1091] {strides = array<i32>} : memref<512xi32, #tpu.memory_space<vmem>>, vector<16xi32>,
        %get3A_1093 = vector.shape_cast %get3A_1092 : vector<16xi32> to vector<16xi32>
        %lt3A_1094 = arith.constant 524288 : i32
        %lt3A_1095 = vector.broadcast %lt3A_1094 : i32 to vector<16xi32>
        %lt3A_1096 = arith.cmpi slt, %get3A_1093, %lt3A_1095 : vector<16xi32>
        %mul3A_1097 = arith.constant 2 : i32
        %mul3A_1098 = vector.broadcast %mul3A_1097 : i32 to vector<16xi32>
        %mul3A_1099 = arith.muli %mul3A_1098, %get3A_1093 : vector<16xi32>
        %mul3A_1100 = arith.constant 2 : i32
        %mul3A_1101 = vector.broadcast %mul3A_1100 : i32 to vector<16xi32>
        %mul3A_1102 = arith.muli %mul3A_1101, %get3A_1093 : vector<16xi32>
        %sub3A_1103 = arith.constant 1048575 : i32
        %sub3A_1104 = vector.broadcast %sub3A_1103 : i32 to vector<16xi32>
        %sub3A_1105 = arith.subi %mul3A_1102, %sub3A_1104 : vector<16xi32>
        %select_n3A_1106 = arith.select %lt3A_1096, %mul3A_1099, %sub3A_1105 : vector<16xi1>, vector<16xi32>
        %swap3A_1107 = arith.constant 304 : index
        %swap3A_1108 = tpu.vector_load %arg5[%swap3A_1107] {strides = array<i32>} : memref<512xi32, #tpu.memory_space<vmem>>, vector<16xi32>,
        %swap3A_1109 = vector.shape_cast %swap3A_1108 : vector<16xi32> to vector<16xi32>
        %swap3A_1110 = vector.shape_cast %select_n3A_1106 : vector<16xi32> to vector<16xi32>
        tpu.vector_store %arg5[%swap3A_1107], %swap3A_1110 {strides = array<i32>} : memref<512xi32, #tpu.memory_space<vmem>>, vector<16xi32>,
        %get3A_1111 = arith.constant 320 : index
        %get3A_1112 = tpu.vector_load %arg5[%get3A_1111] {strides = array<i32>} : memref<512xi32, #tpu.memory_space<vmem>>, vector<16xi32>,
        %get3A_1113 = vector.shape_cast %get3A_1112 : vector<16xi32> to vector<16xi32>
        %lt3A_1114 = arith.constant 524288 : i32
        %lt3A_1115 = vector.broadcast %lt3A_1114 : i32 to vector<16xi32>
        %lt3A_1116 = arith.cmpi slt, %get3A_1113, %lt3A_1115 : vector<16xi32>
        %mul3A_1117 = arith.constant 2 : i32
        %mul3A_1118 = vector.broadcast %mul3A_1117 : i32 to vector<16xi32>
        %mul3A_1119 = arith.muli %mul3A_1118, %get3A_1113 : vector<16xi32>
        %mul3A_1120 = arith.constant 2 : i32
        %mul3A_1121 = vector.broadcast %mul3A_1120 : i32 to vector<16xi32>
        %mul3A_1122 = arith.muli %mul3A_1121, %get3A_1113 : vector<16xi32>
        %sub3A_1123 = arith.constant 1048575 : i32
        %sub3A_1124 = vector.broadcast %sub3A_1123 : i32 to vector<16xi32>
        %sub3A_1125 = arith.subi %mul3A_1122, %sub3A_1124 : vector<16xi32>
        %select_n3A_1126 = arith.select %lt3A_1116, %mul3A_1119, %sub3A_1125 : vector<16xi1>, vector<16xi32>
        %swap3A_1127 = arith.constant 320 : index
        %swap3A_1128 = tpu.vector_load %arg5[%swap3A_1127] {strides = array<i32>} : memref<512xi32, #tpu.memory_space<vmem>>, vector<16xi32>,
        %swap3A_1129 = vector.shape_cast %swap3A_1128 : vector<16xi32> to vector<16xi32>
        %swap3A_1130 = vector.shape_cast %select_n3A_1126 : vector<16xi32> to vector<16xi32>
        tpu.vector_store %arg5[%swap3A_1127], %swap3A_1130 {strides = array<i32>} : memref<512xi32, #tpu.memory_space<vmem>>, vector<16xi32>,
        %get3A_1131 = arith.constant 336 : index
        %get3A_1132 = tpu.vector_load %arg5[%get3A_1131] {strides = array<i32>} : memref<512xi32, #tpu.memory_space<vmem>>, vector<16xi32>,
        %get3A_1133 = vector.shape_cast %get3A_1132 : vector<16xi32> to vector<16xi32>
        %lt3A_1134 = arith.constant 524288 : i32
        %lt3A_1135 = vector.broadcast %lt3A_1134 : i32 to vector<16xi32>
        %lt3A_1136 = arith.cmpi slt, %get3A_1133, %lt3A_1135 : vector<16xi32>
        %mul3A_1137 = arith.constant 2 : i32
        %mul3A_1138 = vector.broadcast %mul3A_1137 : i32 to vector<16xi32>
        %mul3A_1139 = arith.muli %mul3A_1138, %get3A_1133 : vector<16xi32>
        %mul3A_1140 = arith.constant 2 : i32
        %mul3A_1141 = vector.broadcast %mul3A_1140 : i32 to vector<16xi32>
        %mul3A_1142 = arith.muli %mul3A_1141, %get3A_1133 : vector<16xi32>
        %sub3A_1143 = arith.constant 1048575 : i32
        %sub3A_1144 = vector.broadcast %sub3A_1143 : i32 to vector<16xi32>
        %sub3A_1145 = arith.subi %mul3A_1142, %sub3A_1144 : vector<16xi32>
        %select_n3A_1146 = arith.select %lt3A_1136, %mul3A_1139, %sub3A_1145 : vector<16xi1>, vector<16xi32>
        %swap3A_1147 = arith.constant 336 : index
        %swap3A_1148 = tpu.vector_load %arg5[%swap3A_1147] {strides = array<i32>} : memref<512xi32, #tpu.memory_space<vmem>>, vector<16xi32>,
        %swap3A_1149 = vector.shape_cast %swap3A_1148 : vector<16xi32> to vector<16xi32>
        %swap3A_1150 = vector.shape_cast %select_n3A_1146 : vector<16xi32> to vector<16xi32>
        tpu.vector_store %arg5[%swap3A_1147], %swap3A_1150 {strides = array<i32>} : memref<512xi32, #tpu.memory_space<vmem>>, vector<16xi32>,
        %get3A_1151 = arith.constant 352 : index
        %get3A_1152 = tpu.vector_load %arg5[%get3A_1151] {strides = array<i32>} : memref<512xi32, #tpu.memory_space<vmem>>, vector<16xi32>,
        %get3A_1153 = vector.shape_cast %get3A_1152 : vector<16xi32> to vector<16xi32>
        %lt3A_1154 = arith.constant 524288 : i32
        %lt3A_1155 = vector.broadcast %lt3A_1154 : i32 to vector<16xi32>
        %lt3A_1156 = arith.cmpi slt, %get3A_1153, %lt3A_1155 : vector<16xi32>
        %mul3A_1157 = arith.constant 2 : i32
        %mul3A_1158 = vector.broadcast %mul3A_1157 : i32 to vector<16xi32>
        %mul3A_1159 = arith.muli %mul3A_1158, %get3A_1153 : vector<16xi32>
        %mul3A_1160 = arith.constant 2 : i32
        %mul3A_1161 = vector.broadcast %mul3A_1160 : i32 to vector<16xi32>
        %mul3A_1162 = arith.muli %mul3A_1161, %get3A_1153 : vector<16xi32>
        %sub3A_1163 = arith.constant 1048575 : i32
        %sub3A_1164 = vector.broadcast %sub3A_1163 : i32 to vector<16xi32>
        %sub3A_1165 = arith.subi %mul3A_1162, %sub3A_1164 : vector<16xi32>
        %select_n3A_1166 = arith.select %lt3A_1156, %mul3A_1159, %sub3A_1165 : vector<16xi1>, vector<16xi32>
        %swap3A_1167 = arith.constant 352 : index
        %swap3A_1168 = tpu.vector_load %arg5[%swap3A_1167] {strides = array<i32>} : memref<512xi32, #tpu.memory_space<vmem>>, vector<16xi32>,
        %swap3A_1169 = vector.shape_cast %swap3A_1168 : vector<16xi32> to vector<16xi32>
        %swap3A_1170 = vector.shape_cast %select_n3A_1166 : vector<16xi32> to vector<16xi32>
        tpu.vector_store %arg5[%swap3A_1167], %swap3A_1170 {strides = array<i32>} : memref<512xi32, #tpu.memory_space<vmem>>, vector<16xi32>,
        %get3A_1171 = arith.constant 368 : index
        %get3A_1172 = tpu.vector_load %arg5[%get3A_1171] {strides = array<i32>} : memref<512xi32, #tpu.memory_space<vmem>>, vector<16xi32>,
        %get3A_1173 = vector.shape_cast %get3A_1172 : vector<16xi32> to vector<16xi32>
        %lt3A_1174 = arith.constant 524288 : i32
        %lt3A_1175 = vector.broadcast %lt3A_1174 : i32 to vector<16xi32>
        %lt3A_1176 = arith.cmpi slt, %get3A_1173, %lt3A_1175 : vector<16xi32>
        %mul3A_1177 = arith.constant 2 : i32
        %mul3A_1178 = vector.broadcast %mul3A_1177 : i32 to vector<16xi32>
        %mul3A_1179 = arith.muli %mul3A_1178, %get3A_1173 : vector<16xi32>
        %mul3A_1180 = arith.constant 2 : i32
        %mul3A_1181 = vector.broadcast %mul3A_1180 : i32 to vector<16xi32>
        %mul3A_1182 = arith.muli %mul3A_1181, %get3A_1173 : vector<16xi32>
        %sub3A_1183 = arith.constant 1048575 : i32
        %sub3A_1184 = vector.broadcast %sub3A_1183 : i32 to vector<16xi32>
        %sub3A_1185 = arith.subi %mul3A_1182, %sub3A_1184 : vector<16xi32>
        %select_n3A_1186 = arith.select %lt3A_1176, %mul3A_1179, %sub3A_1185 : vector<16xi1>, vector<16xi32>
        %swap3A_1187 = arith.constant 368 : index
        %swap3A_1188 = tpu.vector_load %arg5[%swap3A_1187] {strides = array<i32>} : memref<512xi32, #tpu.memory_space<vmem>>, vector<16xi32>,
        %swap3A_1189 = vector.shape_cast %swap3A_1188 : vector<16xi32> to vector<16xi32>
        %swap3A_1190 = vector.shape_cast %select_n3A_1186 : vector<16xi32> to vector<16xi32>
        tpu.vector_store %arg5[%swap3A_1187], %swap3A_1190 {strides = array<i32>} : memref<512xi32, #tpu.memory_space<vmem>>, vector<16xi32>,
        %get3A_1191 = arith.constant 384 : index
        %get3A_1192 = tpu.vector_load %arg5[%get3A_1191] {strides = array<i32>} : memref<512xi32, #tpu.memory_space<vmem>>, vector<16xi32>,
        %get3A_1193 = vector.shape_cast %get3A_1192 : vector<16xi32> to vector<16xi32>
        %lt3A_1194 = arith.constant 524288 : i32
        %lt3A_1195 = vector.broadcast %lt3A_1194 : i32 to vector<16xi32>
        %lt3A_1196 = arith.cmpi slt, %get3A_1193, %lt3A_1195 : vector<16xi32>
        %mul3A_1197 = arith.constant 2 : i32
        %mul3A_1198 = vector.broadcast %mul3A_1197 : i32 to vector<16xi32>
        %mul3A_1199 = arith.muli %mul3A_1198, %get3A_1193 : vector<16xi32>
        %mul3A_1200 = arith.constant 2 : i32
        %mul3A_1201 = vector.broadcast %mul3A_1200 : i32 to vector<16xi32>
        %mul3A_1202 = arith.muli %mul3A_1201, %get3A_1193 : vector<16xi32>
        %sub3A_1203 = arith.constant 1048575 : i32
        %sub3A_1204 = vector.broadcast %sub3A_1203 : i32 to vector<16xi32>
        %sub3A_1205 = arith.subi %mul3A_1202, %sub3A_1204 : vector<16xi32>
        %select_n3A_1206 = arith.select %lt3A_1196, %mul3A_1199, %sub3A_1205 : vector<16xi1>, vector<16xi32>
        %swap3A_1207 = arith.constant 384 : index
        %swap3A_1208 = tpu.vector_load %arg5[%swap3A_1207] {strides = array<i32>} : memref<512xi32, #tpu.memory_space<vmem>>, vector<16xi32>,
        %swap3A_1209 = vector.shape_cast %swap3A_1208 : vector<16xi32> to vector<16xi32>
        %swap3A_1210 = vector.shape_cast %select_n3A_1206 : vector<16xi32> to vector<16xi32>
        tpu.vector_store %arg5[%swap3A_1207], %swap3A_1210 {strides = array<i32>} : memref<512xi32, #tpu.memory_space<vmem>>, vector<16xi32>,
        %get3A_1211 = arith.constant 400 : index
        %get3A_1212 = tpu.vector_load %arg5[%get3A_1211] {strides = array<i32>} : memref<512xi32, #tpu.memory_space<vmem>>, vector<16xi32>,
        %get3A_1213 = vector.shape_cast %get3A_1212 : vector<16xi32> to vector<16xi32>
        %lt3A_1214 = arith.constant 524288 : i32
        %lt3A_1215 = vector.broadcast %lt3A_1214 : i32 to vector<16xi32>
        %lt3A_1216 = arith.cmpi slt, %get3A_1213, %lt3A_1215 : vector<16xi32>
        %mul3A_1217 = arith.constant 2 : i32
        %mul3A_1218 = vector.broadcast %mul3A_1217 : i32 to vector<16xi32>
        %mul3A_1219 = arith.muli %mul3A_1218, %get3A_1213 : vector<16xi32>
        %mul3A_1220 = arith.constant 2 : i32
        %mul3A_1221 = vector.broadcast %mul3A_1220 : i32 to vector<16xi32>
        %mul3A_1222 = arith.muli %mul3A_1221, %get3A_1213 : vector<16xi32>
        %sub3A_1223 = arith.constant 1048575 : i32
        %sub3A_1224 = vector.broadcast %sub3A_1223 : i32 to vector<16xi32>
        %sub3A_1225 = arith.subi %mul3A_1222, %sub3A_1224 : vector<16xi32>
        %select_n3A_1226 = arith.select %lt3A_1216, %mul3A_1219, %sub3A_1225 : vector<16xi1>, vector<16xi32>
        %swap3A_1227 = arith.constant 400 : index
        %swap3A_1228 = tpu.vector_load %arg5[%swap3A_1227] {strides = array<i32>} : memref<512xi32, #tpu.memory_space<vmem>>, vector<16xi32>,
        %swap3A_1229 = vector.shape_cast %swap3A_1228 : vector<16xi32> to vector<16xi32>
        %swap3A_1230 = vector.shape_cast %select_n3A_1226 : vector<16xi32> to vector<16xi32>
        tpu.vector_store %arg5[%swap3A_1227], %swap3A_1230 {strides = array<i32>} : memref<512xi32, #tpu.memory_space<vmem>>, vector<16xi32>,
        %get3A_1231 = arith.constant 416 : index
        %get3A_1232 = tpu.vector_load %arg5[%get3A_1231] {strides = array<i32>} : memref<512xi32, #tpu.memory_space<vmem>>, vector<16xi32>,
        %get3A_1233 = vector.shape_cast %get3A_1232 : vector<16xi32> to vector<16xi32>
        %lt3A_1234 = arith.constant 524288 : i32
        %lt3A_1235 = vector.broadcast %lt3A_1234 : i32 to vector<16xi32>
        %lt3A_1236 = arith.cmpi slt, %get3A_1233, %lt3A_1235 : vector<16xi32>
        %mul3A_1237 = arith.constant 2 : i32
        %mul3A_1238 = vector.broadcast %mul3A_1237 : i32 to vector<16xi32>
        %mul3A_1239 = arith.muli %mul3A_1238, %get3A_1233 : vector<16xi32>
        %mul3A_1240 = arith.constant 2 : i32
        %mul3A_1241 = vector.broadcast %mul3A_1240 : i32 to vector<16xi32>
        %mul3A_1242 = arith.muli %mul3A_1241, %get3A_1233 : vector<16xi32>
        %sub3A_1243 = arith.constant 1048575 : i32
        %sub3A_1244 = vector.broadcast %sub3A_1243 : i32 to vector<16xi32>
        %sub3A_1245 = arith.subi %mul3A_1242, %sub3A_1244 : vector<16xi32>
        %select_n3A_1246 = arith.select %lt3A_1236, %mul3A_1239, %sub3A_1245 : vector<16xi1>, vector<16xi32>
        %swap3A_1247 = arith.constant 416 : index
        %swap3A_1248 = tpu.vector_load %arg5[%swap3A_1247] {strides = array<i32>} : memref<512xi32, #tpu.memory_space<vmem>>, vector<16xi32>,
        %swap3A_1249 = vector.shape_cast %swap3A_1248 : vector<16xi32> to vector<16xi32>
        %swap3A_1250 = vector.shape_cast %select_n3A_1246 : vector<16xi32> to vector<16xi32>
        tpu.vector_store %arg5[%swap3A_1247], %swap3A_1250 {strides = array<i32>} : memref<512xi32, #tpu.memory_space<vmem>>, vector<16xi32>,
        %get3A_1251 = arith.constant 432 : index
        %get3A_1252 = tpu.vector_load %arg5[%get3A_1251] {strides = array<i32>} : memref<512xi32, #tpu.memory_space<vmem>>, vector<16xi32>,
        %get3A_1253 = vector.shape_cast %get3A_1252 : vector<16xi32> to vector<16xi32>
        %lt3A_1254 = arith.constant 524288 : i32
        %lt3A_1255 = vector.broadcast %lt3A_1254 : i32 to vector<16xi32>
        %lt3A_1256 = arith.cmpi slt, %get3A_1253, %lt3A_1255 : vector<16xi32>
        %mul3A_1257 = arith.constant 2 : i32
        %mul3A_1258 = vector.broadcast %mul3A_1257 : i32 to vector<16xi32>
        %mul3A_1259 = arith.muli %mul3A_1258, %get3A_1253 : vector<16xi32>
        %mul3A_1260 = arith.constant 2 : i32
        %mul3A_1261 = vector.broadcast %mul3A_1260 : i32 to vector<16xi32>
        %mul3A_1262 = arith.muli %mul3A_1261, %get3A_1253 : vector<16xi32>
        %sub3A_1263 = arith.constant 1048575 : i32
        %sub3A_1264 = vector.broadcast %sub3A_1263 : i32 to vector<16xi32>
        %sub3A_1265 = arith.subi %mul3A_1262, %sub3A_1264 : vector<16xi32>
        %select_n3A_1266 = arith.select %lt3A_1256, %mul3A_1259, %sub3A_1265 : vector<16xi1>, vector<16xi32>
        %swap3A_1267 = arith.constant 432 : index
        %swap3A_1268 = tpu.vector_load %arg5[%swap3A_1267] {strides = array<i32>} : memref<512xi32, #tpu.memory_space<vmem>>, vector<16xi32>,
        %swap3A_1269 = vector.shape_cast %swap3A_1268 : vector<16xi32> to vector<16xi32>
        %swap3A_1270 = vector.shape_cast %select_n3A_1266 : vector<16xi32> to vector<16xi32>
        tpu.vector_store %arg5[%swap3A_1267], %swap3A_1270 {strides = array<i32>} : memref<512xi32, #tpu.memory_space<vmem>>, vector<16xi32>,
        %get3A_1271 = arith.constant 448 : index
        %get3A_1272 = tpu.vector_load %arg5[%get3A_1271] {strides = array<i32>} : memref<512xi32, #tpu.memory_space<vmem>>, vector<16xi32>,
        %get3A_1273 = vector.shape_cast %get3A_1272 : vector<16xi32> to vector<16xi32>
        %lt3A_1274 = arith.constant 524288 : i32
        %lt3A_1275 = vector.broadcast %lt3A_1274 : i32 to vector<16xi32>
        %lt3A_1276 = arith.cmpi slt, %get3A_1273, %lt3A_1275 : vector<16xi32>
        %mul3A_1277 = arith.constant 2 : i32
        %mul3A_1278 = vector.broadcast %mul3A_1277 : i32 to vector<16xi32>
        %mul3A_1279 = arith.muli %mul3A_1278, %get3A_1273 : vector<16xi32>
        %mul3A_1280 = arith.constant 2 : i32
        %mul3A_1281 = vector.broadcast %mul3A_1280 : i32 to vector<16xi32>
        %mul3A_1282 = arith.muli %mul3A_1281, %get3A_1273 : vector<16xi32>
        %sub3A_1283 = arith.constant 1048575 : i32
        %sub3A_1284 = vector.broadcast %sub3A_1283 : i32 to vector<16xi32>
        %sub3A_1285 = arith.subi %mul3A_1282, %sub3A_1284 : vector<16xi32>
        %select_n3A_1286 = arith.select %lt3A_1276, %mul3A_1279, %sub3A_1285 : vector<16xi1>, vector<16xi32>
        %swap3A_1287 = arith.constant 448 : index
        %swap3A_1288 = tpu.vector_load %arg5[%swap3A_1287] {strides = array<i32>} : memref<512xi32, #tpu.memory_space<vmem>>, vector<16xi32>,
        %swap3A_1289 = vector.shape_cast %swap3A_1288 : vector<16xi32> to vector<16xi32>
        %swap3A_1290 = vector.shape_cast %select_n3A_1286 : vector<16xi32> to vector<16xi32>
        tpu.vector_store %arg5[%swap3A_1287], %swap3A_1290 {strides = array<i32>} : memref<512xi32, #tpu.memory_space<vmem>>, vector<16xi32>,
        %get3A_1291 = arith.constant 464 : index
        %get3A_1292 = tpu.vector_load %arg5[%get3A_1291] {strides = array<i32>} : memref<512xi32, #tpu.memory_space<vmem>>, vector<16xi32>,
        %get3A_1293 = vector.shape_cast %get3A_1292 : vector<16xi32> to vector<16xi32>
        %lt3A_1294 = arith.constant 524288 : i32
        %lt3A_1295 = vector.broadcast %lt3A_1294 : i32 to vector<16xi32>
        %lt3A_1296 = arith.cmpi slt, %get3A_1293, %lt3A_1295 : vector<16xi32>
        %mul3A_1297 = arith.constant 2 : i32
        %mul3A_1298 = vector.broadcast %mul3A_1297 : i32 to vector<16xi32>
        %mul3A_1299 = arith.muli %mul3A_1298, %get3A_1293 : vector<16xi32>
        %mul3A_1300 = arith.constant 2 : i32
        %mul3A_1301 = vector.broadcast %mul3A_1300 : i32 to vector<16xi32>
        %mul3A_1302 = arith.muli %mul3A_1301, %get3A_1293 : vector<16xi32>
        %sub3A_1303 = arith.constant 1048575 : i32
        %sub3A_1304 = vector.broadcast %sub3A_1303 : i32 to vector<16xi32>
        %sub3A_1305 = arith.subi %mul3A_1302, %sub3A_1304 : vector<16xi32>
        %select_n3A_1306 = arith.select %lt3A_1296, %mul3A_1299, %sub3A_1305 : vector<16xi1>, vector<16xi32>
        %swap3A_1307 = arith.constant 464 : index
        %swap3A_1308 = tpu.vector_load %arg5[%swap3A_1307] {strides = array<i32>} : memref<512xi32, #tpu.memory_space<vmem>>, vector<16xi32>,
        %swap3A_1309 = vector.shape_cast %swap3A_1308 : vector<16xi32> to vector<16xi32>
        %swap3A_1310 = vector.shape_cast %select_n3A_1306 : vector<16xi32> to vector<16xi32>
        tpu.vector_store %arg5[%swap3A_1307], %swap3A_1310 {strides = array<i32>} : memref<512xi32, #tpu.memory_space<vmem>>, vector<16xi32>,
        %get3A_1311 = arith.constant 480 : index
        %get3A_1312 = tpu.vector_load %arg5[%get3A_1311] {strides = array<i32>} : memref<512xi32, #tpu.memory_space<vmem>>, vector<16xi32>,
        %get3A_1313 = vector.shape_cast %get3A_1312 : vector<16xi32> to vector<16xi32>
        %lt3A_1314 = arith.constant 524288 : i32
        %lt3A_1315 = vector.broadcast %lt3A_1314 : i32 to vector<16xi32>
        %lt3A_1316 = arith.cmpi slt, %get3A_1313, %lt3A_1315 : vector<16xi32>
        %mul3A_1317 = arith.constant 2 : i32
        %mul3A_1318 = vector.broadcast %mul3A_1317 : i32 to vector<16xi32>
        %mul3A_1319 = arith.muli %mul3A_1318, %get3A_1313 : vector<16xi32>
        %mul3A_1320 = arith.constant 2 : i32
        %mul3A_1321 = vector.broadcast %mul3A_1320 : i32 to vector<16xi32>
        %mul3A_1322 = arith.muli %mul3A_1321, %get3A_1313 : vector<16xi32>
        %sub3A_1323 = arith.constant 1048575 : i32
        %sub3A_1324 = vector.broadcast %sub3A_1323 : i32 to vector<16xi32>
        %sub3A_1325 = arith.subi %mul3A_1322, %sub3A_1324 : vector<16xi32>
        %select_n3A_1326 = arith.select %lt3A_1316, %mul3A_1319, %sub3A_1325 : vector<16xi1>, vector<16xi32>
        %swap3A_1327 = arith.constant 480 : index
        %swap3A_1328 = tpu.vector_load %arg5[%swap3A_1327] {strides = array<i32>} : memref<512xi32, #tpu.memory_space<vmem>>, vector<16xi32>,
        %swap3A_1329 = vector.shape_cast %swap3A_1328 : vector<16xi32> to vector<16xi32>
        %swap3A_1330 = vector.shape_cast %select_n3A_1326 : vector<16xi32> to vector<16xi32>
        tpu.vector_store %arg5[%swap3A_1327], %swap3A_1330 {strides = array<i32>} : memref<512xi32, #tpu.memory_space<vmem>>, vector<16xi32>,
        %get3A_1331 = arith.constant 496 : index
        %get3A_1332 = tpu.vector_load %arg5[%get3A_1331] {strides = array<i32>} : memref<512xi32, #tpu.memory_space<vmem>>, vector<16xi32>,
        %get3A_1333 = vector.shape_cast %get3A_1332 : vector<16xi32> to vector<16xi32>
        %lt3A_1334 = arith.constant 524288 : i32
        %lt3A_1335 = vector.broadcast %lt3A_1334 : i32 to vector<16xi32>
        %lt3A_1336 = arith.cmpi slt, %get3A_1333, %lt3A_1335 : vector<16xi32>
        %mul3A_1337 = arith.constant 2 : i32
        %mul3A_1338 = vector.broadcast %mul3A_1337 : i32 to vector<16xi32>
        %mul3A_1339 = arith.muli %mul3A_1338, %get3A_1333 : vector<16xi32>
        %mul3A_1340 = arith.constant 2 : i32
        %mul3A_1341 = vector.broadcast %mul3A_1340 : i32 to vector<16xi32>
        %mul3A_1342 = arith.muli %mul3A_1341, %get3A_1333 : vector<16xi32>
        %sub3A_1343 = arith.constant 1048575 : i32
        %sub3A_1344 = vector.broadcast %sub3A_1343 : i32 to vector<16xi32>
        %sub3A_1345 = arith.subi %mul3A_1342, %sub3A_1344 : vector<16xi32>
        %select_n3A_1346 = arith.select %lt3A_1336, %mul3A_1339, %sub3A_1345 : vector<16xi1>, vector<16xi32>
        %swap3A_1347 = arith.constant 496 : index
        %swap3A_1348 = tpu.vector_load %arg5[%swap3A_1347] {strides = array<i32>} : memref<512xi32, #tpu.memory_space<vmem>>, vector<16xi32>,
        %swap3A_1349 = vector.shape_cast %swap3A_1348 : vector<16xi32> to vector<16xi32>
        %swap3A_1350 = vector.shape_cast %select_n3A_1346 : vector<16xi32> to vector<16xi32>
        tpu.vector_store %arg5[%swap3A_1347], %swap3A_1350 {strides = array<i32>} : memref<512xi32, #tpu.memory_space<vmem>>, vector<16xi32>,
        %dma_start3A_1351 = arith.constant 0 : i32
        %dma_start3A_1352 = arith.constant 0 : i32
        %dma_start3A_1353 = tpu.memref_slice %arg3[%dma_start3A_1351, %dma_start3A_1352] : memref<1048576x64xf32, #tpu.memory_space<hbm>> -> memref<1048576x64xf32, #tpu.memory_space<hbm>>
        tpu.enqueue_indirect_dma source(%dma_start3A_1353 : memref<1048576x64xf32, #tpu.memory_space<hbm>>) target(%arg7 : memref<512x64xf32, #tpu.memory_space<vmem>>) offsets(%arg5 : memref<512xi32, #tpu.memory_space<vmem>>) semaphore(%arg9 : memref<!tpu.dma_semaphore, #tpu.memory_space<semaphore_mem>>)
      } else {
      }
      %dma_wait3A_691 = arith.constant 0 : i32
      %dma_wait3A_692 = arith.constant 0 : i32
      %dma_wait3A_693 = tpu.memref_slice %arg3[%dma_wait3A_691, %dma_wait3A_692] : memref<1048576x64xf32, #tpu.memory_space<hbm>> -> memref<1048576x64xf32, #tpu.memory_space<hbm>>
      tpu.wait_indirect_dma semaphore(%arg10 : memref<!tpu.dma_semaphore, #tpu.memory_space<semaphore_mem>>) src(%dma_wait3A_693 : memref<1048576x64xf32, #tpu.memory_space<hbm>>) dst(%arg8 : memref<512x64xf32, #tpu.memory_space<vmem>>)
      %mul3A_694 = arith.constant 512 : i32
      %mul3A_695 = arith.muli %add3A_683, %mul3A_694 : i32
      %add3A_696 = arith.addi %mul3A_2, %mul3A_695 : i32
      %dma_start3A_697 = arith.constant 0 : i32
      %dma_start3A_698 = tpu.memref_slice %arg4[%add3A_696, %dma_start3A_697] : memref<819200x128xf32, #tpu.memory_space<hbm>> -> memref<512x64xf32, #tpu.memory_space<hbm>>
      %dma_start3A_699 = arith.constant 0 : i32
      %dma_start3A_700 = tpu.memref_slice %arg4[%add3A_696, %dma_start3A_699] : memref<819200x128xf32, #tpu.memory_space<hbm>> -> memref<512x64xf32, #tpu.memory_space<hbm>>
      tpu.enqueue_dma source(%arg8 : memref<512x64xf32, #tpu.memory_space<vmem>>) target(%dma_start3A_700 : memref<512x64xf32, #tpu.memory_space<hbm>>) target_semaphore(%arg12 : memref<!tpu.dma_semaphore, #tpu.memory_space<semaphore_mem>>)
      %scan3A_701 = arith.constant 0 : i32
      scf.yield %scan3A_701 : i32
    }
    %scan3A_647 = arith.constant 25 : i32
    %add3A_648 = arith.constant 24576 : i32
    %add3A_649 = arith.addi %mul3A_2, %add3A_648 : i32
    %dma_wait3A = arith.constant 0 : i32
    %dma_wait3A_650 = tpu.memref_slice %arg4[%add3A_649, %dma_wait3A] : memref<819200x128xf32, #tpu.memory_space<hbm>> -> memref<512x64xf32, #tpu.memory_space<hbm>>
    %dma_wait3A_651 = arith.constant 0 : i32
    %dma_wait3A_652 = tpu.memref_slice %arg4[%add3A_649, %dma_wait3A_651] : memref<819200x128xf32, #tpu.memory_space<hbm>> -> memref<512x64xf32, #tpu.memory_space<hbm>>
    tpu.wait_dma2 semaphore(%arg11 : memref<!tpu.dma_semaphore, #tpu.memory_space<semaphore_mem>>) src(%arg7 : memref<512x64xf32, #tpu.memory_space<vmem>>) dst(%dma_wait3A_652 : memref<512x64xf32, #tpu.memory_space<hbm>>)
    %add3A_653 = arith.constant 25088 : i32
    %add3A_654 = arith.addi %mul3A_2, %add3A_653 : i32
    %dma_wait3A_655 = arith.constant 0 : i32
    %dma_wait3A_656 = tpu.memref_slice %arg4[%add3A_654, %dma_wait3A_655] : memref<819200x128xf32, #tpu.memory_space<hbm>> -> memref<512x64xf32, #tpu.memory_space<hbm>>
    %dma_wait3A_657 = arith.constant 0 : i32
    %dma_wait3A_658 = tpu.memref_slice %arg4[%add3A_654, %dma_wait3A_657] : memref<819200x128xf32, #tpu.memory_space<hbm>> -> memref<512x64xf32, #tpu.memory_space<hbm>>
    tpu.wait_dma2 semaphore(%arg12 : memref<!tpu.dma_semaphore, #tpu.memory_space<semaphore_mem>>) src(%arg8 : memref<512x64xf32, #tpu.memory_space<vmem>>) dst(%dma_wait3A_658 : memref<512x64xf32, #tpu.memory_space<hbm>>)
    return
  }
}

module attributes {stable_mosaic.version = 14 : i64} {
  func.func @_tpose_body(%arg0: i32, %arg1: memref<64x16384xf32, #tpu.memory_space<vmem>>, %arg2: memref<64x16384xf32, #tpu.memory_space<vmem>>, %arg3: memref<16384x128xf32, #tpu.memory_space<vmem>>) attributes {dimension_semantics = [#tpu.dimension_semantics<arbitrary>], iteration_bounds = array<i64: 32>, scalar_prefetch = 0 : i64, scratch_operands = 0 : i64, tpu.core_type = #tpu.core_type<tc>, window_params = [{transform_indices = @transform_0, window_bounds = array<i64: 64, 16384>}, {transform_indices = @transform_1, window_bounds = array<i64: 64, 16384>}, {transform_indices = @transform_2, window_bounds = array<i64: 16384, 128>}]} {
    %get3A = arith.constant 0 : index
    %get3A_0 = arith.constant 0 : index
    %get3A_1 = vector.load %arg1[%get3A, %get3A_0] : memref<64x16384xf32, #tpu.memory_space<vmem>>, vector<64x16384xf32>
    %get3A_2 = arith.constant 0 : index
    %get3A_3 = arith.constant 0 : index
    %get3A_4 = vector.load %arg2[%get3A_2, %get3A_3] : memref<64x16384xf32, #tpu.memory_space<vmem>>, vector<64x16384xf32>
    %concatenate3A = tpu.concatenate %get3A_1, %get3A_4 in 0 : vector<64x16384xf32>, vector<64x16384xf32> -> vector<128x16384xf32>
    %transpose3A = tpu.transpose %concatenate3A, [1, 0] : vector<128x16384xf32> -> vector<16384x128xf32>
    %swap3A = arith.constant 0 : index
    %swap3A_5 = arith.constant 0 : index
    %swap3A_6 = vector.load %arg3[%swap3A, %swap3A_5] : memref<16384x128xf32, #tpu.memory_space<vmem>>, vector<16384x128xf32>
    tpu.vector_store %arg3[%swap3A, %swap3A_5], %transpose3A {strides = array<i32>} : memref<16384x128xf32, #tpu.memory_space<vmem>>, vector<16384x128xf32>,
    return
  }
  func.func @transform_0(%arg0: i32) -> (i32, i32) {
    %c0_i32 = arith.constant 0 : i32
    %c0_i32_0 = arith.constant 0 : i32
    return %c0_i32, %arg0 : i32, i32
  }
  func.func @transform_1(%arg0: i32) -> (i32, i32) {
    %add3A = arith.constant 32 : i32
    %add3A_0 = arith.addi %arg0, %add3A : i32
    %min3A = arith.constant 61 : i32
    %min3A_1 = arith.minsi %add3A_0, %min3A : i32
    %c0_i32 = arith.constant 0 : i32
    %c0_i32_2 = arith.constant 0 : i32
    return %c0_i32, %min3A_1 : i32, i32
  }
  func.func @transform_2(%arg0: i32) -> (i32, i32) {
    %c0_i32 = arith.constant 0 : i32
    %c0_i32_0 = arith.constant 0 : i32
    return %arg0, %c0_i32 : i32, i32
  }
}

</mosaic_0001>

<sc_bundles>
// kernel: kernel.4.cloned.1.call-start
scs
__scs_entry_jumppad:
0x0: {  	(pc) =	sbr.rel $0x88, $3  }
0x1: {  	(tag) =	ssettag $0x0;
	lr =	simm.s32 $0x1  }
0x2: {  	[smem:$0x3F9F] =	sst lr;
	_ =	strace $0xD0000000  }
0x3: {  	_ = 	snop  }
0x4: {  	_ = 	snop  }
0x5: {  	_ = 	snop  }
0x6: {  	_ = 	snop  }
0x7: {  	_ = 	snop  }
__scs_overlays_trampoline_lowered:
0x8: {  	[smem:$0x3FAE] =	sst s0  }
0x9: {  	[smem:$0x3FAF] =	sst s1  }
0xa: {  	[smem:$0x3FB0] =	sst s2  }
0xb: {  	[smem:$0x3FB1] =	sst s3  }
0xc: {  	[smem:$0x3FB2] =	sst s4  }
0xd: {  	[smem:$0x3FB3] =	sst s5  }
0xe: {  	[smem:$0x3FB4] =	sst s6  }
0xf: {  	[smem:$0x3FB5] =	sst s7  }
0x10: {  	[smem:$0x3FB6] =	sst s8  }
0x11: {  	[smem:$0x3FB7] =	sst s9;
	s0 =	simm.s32 @!p0 $0x0  }
0x12: {  	s1 =	sld [smem:$0x3F9D];
	s0 =	simm.s32 @p0 $0x1  }
0x13: {  	[smem:$0x3FB8] =	sst s0;
	s0 =	simm.s32 @!p1 $0x0  }
0x14: {  	s2 =	sld [smem:$0x3F9C];
	s0 =	simm.s32 @p1 $0x1  }
0x15: {  	[smem:$0x3FB9] =	sst s0;
	s0 =	simm.s32 @!p2 $0x0  }
0x16: {  	s3 =	sld [smem:$0x3FDB];
	s0 =	simm.s32 @p2 $0x1  }
0x17: {  	s4 =	simm.s32 $0x1BF5;
	[smem:$0x3FBB] =	sst s0  }
0x18: {  	s0 =	sld [smem:$0x3F9E];
	_ =	swait.ge [sflag:s4], $0x0  }
0x19: {  	s7 =	sld [smem:$0x3F9F]  }
0x1a: {  	s8 =	sadd.s32 $0xFFFFE003, lr  }
0x1b: {  	s9 =	sadd.s32 $0xFFFFFEF7, lr;
	s5 =	simm.s32 $0xFFFFFFFF;
	p2 =	slt.u32 s8, $0xFFFFF086  }
0x1c: {  	p1 =	slt.u32 s9, $0xF7A;
	s5 =	simm.s32 @!p2 $0x0  }
0x1d: {  	s5 =	simm.s32 @p1 $0x1;
	p0 =	seq.s32 s7, s2  }
0x1e: {  	s7 =	smul.u32 @!p0 $0xF7A, s2;
	p2 =	seq.s32 @!p0 s5, $0x0  }
0x1f: {  	s9 =	smul.u32 $0xF7A, s1;
	s8 =	simm.s32 @!p0 $0x1BF5;
	p2 =	por !p2, p0  }
0x20: {  	[sflag:s8] =	ssyncset.s32 @!p0 $0xFFFFF086;
	s6 =	sadd.s32 @!p0 s3, s7;
	s7 =	simm.s32 @!p0 $0x108  }
0x21: {  	s3 =	sadd.s32 s3, s9;
	s6 =	sadd.s32 @!p0 $0x88, s6;
	s7 =	simm.s32 @p2 $0x1082  }
0x22: {  	[simem:s7], [sflag:s8] =	dma.local @!p0 [hbm:s6], $0xF7A  }
0x23: {  	s9 =	sor.u32 $0xD0000000, s2;
	s6 =	simm.s32 $0x108;
	_ =	swait.ge @!p0 [sflag:s8], $0x0  }
0x24: {  	s3 =	sadd.s32 $0x88, s3;
	s6 =	simm.s32 @!p1 $0x1082;
	[sflag:s4] =	ssyncset.s32 $0xFFFFF086  }
0x25: {  	[simem:s6], [sflag:s4] =	dma.local [hbm:s3], $0xF7A  }
0x26: {  	[smem:$0x3F9F] =	sst s1;
	(tag) =	ssettag s2;
	_ =	strace s9  }
0x27: {  	s1 =	sld [smem:$0x3FAF]  }
0x28: {  	s2 =	sld [smem:$0x3FB0]  }
0x29: {  	s4 =	sld [smem:$0x3FB2]  }
0x2a: {  	p0 =	seq.s32 s5, $0x0;
	s5 =	sld [smem:$0x3FB3]  }
0x2b: {  	s6 =	sld [smem:$0x3FB4]  }
0x2c: {  	s7 =	sld [smem:$0x3FB5]  }
0x2d: {  	s3 =	simm.s32 $0x108;
	s8 =	sld [smem:$0x3FB6]  }
0x2e: {  	s3 =	simm.s32 @!p0 $0x1082;
	s9 =	sld [smem:$0x3FB7]  }
0x2f: {  	lr =	sadd.s32 s0, s3;
	s0 =	sld [smem:$0x3FAE]  }
0x30: {  	s3 =	sld [smem:$0x3FB1]  }
0x31: {  	[smem:$0x3FBA] =	sst s10  }
0x32: {  	s10 =	sld [smem:$0x3FB8];
	_ =	sdelay $0x3  }
0x33: {  	p0 =	seq.s32 s10, $0x1;
	s10 =	sld [smem:$0x3FBA];
	_ =	sdelay $0x3  }
0x34: {  	[smem:$0x3FBA] =	sst s10  }
0x35: {  	s10 =	sld [smem:$0x3FB9];
	_ =	sdelay $0x3  }
0x36: {  	p1 =	seq.s32 s10, $0x1;
	s10 =	sld [smem:$0x3FBA];
	_ =	sdelay $0x3  }
0x37: {  	[smem:$0x3FBA] =	sst s10  }
0x38: {  	s10 =	sld [smem:$0x3FBB]  }
0x39: {  	_ = 	snop;
	(pc) =	sbr.ind lr, $3  }
0x3a: {  	_ = 	snop  }
0x3b: {  	_ = 	snop  }
0x3c: {  	p2 =	seq.s32 s10, $0x1;
	s10 =	sld [smem:$0x3FBA]  }
0x3d: {  	_ =	shalt  }
0x3e: {  	_ =	shalt  }
0x3f: {  	_ =	shalt  }
0x40: {  	_ =	shalt  }
0x41: {  	_ =	shalt  }
0x42: {  	_ =	shalt  }
0x43: {  	_ =	shalt  }
0x44: {  	_ =	shalt  }
0x45: {  	_ =	shalt  }
0x46: {  	_ =	shalt  }
0x47: {  	_ =	shalt  }
0x48: {  	_ =	shalt  }
0x49: {  	_ =	shalt  }
0x4a: {  	_ =	shalt  }
0x4b: {  	_ =	shalt  }
0x4c: {  	_ =	shalt  }
0x4d: {  	_ =	shalt  }
0x4e: {  	_ =	shalt  }
0x4f: {  	_ =	shalt  }
0x50: {  	_ =	shalt  }
0x51: {  	_ =	shalt  }
0x52: {  	_ =	shalt  }
0x53: {  	_ =	shalt  }
0x54: {  	_ =	shalt  }
0x55: {  	_ =	shalt  }
0x56: {  	_ =	shalt  }
0x57: {  	_ =	shalt  }
0x58: {  	_ =	shalt  }
0x59: {  	_ =	shalt  }
0x5a: {  	_ =	shalt  }
0x5b: {  	_ =	shalt  }
0x5c: {  	_ =	shalt  }
0x5d: {  	_ =	shalt  }
0x5e: {  	_ =	shalt  }
0x5f: {  	_ =	shalt  }
0x60: {  	_ =	shalt  }
0x61: {  	_ =	shalt  }
0x62: {  	_ =	shalt  }
0x63: {  	_ =	shalt  }
0x64: {  	_ =	shalt  }
0x65: {  	_ =	shalt  }
0x66: {  	_ =	shalt  }
0x67: {  	_ =	shalt  }
0x68: {  	_ =	shalt  }
0x69: {  	_ =	shalt  }
0x6a: {  	_ =	shalt  }
0x6b: {  	_ =	shalt  }
0x6c: {  	_ =	shalt  }
0x6d: {  	_ =	shalt  }
0x6e: {  	_ =	shalt  }
0x6f: {  	_ =	shalt  }
0x70: {  	_ =	shalt  }
0x71: {  	_ =	shalt  }
0x72: {  	_ =	shalt  }
0x73: {  	_ =	shalt  }
0x74: {  	_ =	shalt  }
0x75: {  	_ =	shalt  }
0x76: {  	_ =	shalt  }
0x77: {  	_ =	shalt  }
0x78: {  	_ =	shalt  }
0x79: {  	_ =	shalt  }
0x7a: {  	_ =	shalt  }
0x7b: {  	_ =	shalt  }
0x7c: {  	_ =	shalt  }
0x7d: {  	_ =	shalt  }
0x7e: {  	_ =	shalt  }
0x7f: {  	_ =	shalt  }
0x80: {  	_ =	shalt  }
0x81: {  	_ =	shalt  }
0x82: {  	_ =	shalt  }
0x83: {  	_ =	shalt  }
0x84: {  	_ =	shalt  }
0x85: {  	_ =	shalt  }
0x86: {  	_ =	shalt  }
0x87: {  	_ =	shalt  }
.Lfunc_end0:
.L_simem_size_0:
called_computation.1_lowered:
.L_overlay_start_0:
0x88: {  	s2 =	sld [smem:$0x3FD9]  }
0x89: {  	s3 =	sld [smem:$0x3FFE];
	_ =	sdelay $0x1  }
0x8a: {  	s1 =	srdreg.scid  }
0x8b: {  	s0 =	sand.u32 $0x1, s1  }
0x8c: {  	s17 =	sshll.u32 s0, $0xA;
	s2 =	sadd.s32 s3, s2  }
0x8d: {  	s2 =	sadd.s32 s2, s17  }
0x8e: {  	[smem:$0x3FC6] =	sst s2  }
0x8f: {  	_ = 	snop  }
0x90: {  	s2 =	sld [smem:$0x3FD0];
	(tm) =	ssettm $0x1  }
0x91: {  	s18 =	sld [smem:$0x3FFB];
	_ =	sdelay $0x3  }
0x92: {  	_ =	strace s18  }
0x93: {  	s3 =	sld [smem:$0x3FFC];
	_ =	sdelay $0x3  }
0x94: {  	_ =	strace s3  }
0x95: {  	s3 =	sld [smem:$0x3FFD];
	_ =	sdelay $0x3  }
0x96: {  	_ =	strace s3  }
0x97: {  	_ =	strace $0x8FFFFFFF  }
0x98: {  	s19 =	sld [smem:$0x3FDB];
	_ =	sdelay $0x1  }
0x99: {  	s4 =	simm.s32 $_scs_section_size  }
0x9a: {  	s5 =	simm.s32 $_size__tile_overlayer_lowered;
	s6 =	simm.s32 $_tile_overlayer_lowered  }
0x9b: {  	s22 =	simm.s32 $0x1BFF;
	s21 =	sshll.u32 s6, $0x1;
	s3 =	sadd.s32 s4, s19  }
0x9c: {  	s7 =	simm.s32 $0x0;
	s20 =	sshll.u32 s5, $0x1;
	s5 =	sadd.s32 s21, s3  }
0x9d: {  	[timem:s7], [sflag:s22] =	dma.local [hbm:s5], s20  }
0x9e: {  	_ =	swait.ge [sflag:s22], s20  }
0x9f: {  	s4 =	ssub.s32 $0x0, s20;
	[sflag:s22] =	ssyncset.done $0x0  }
0xa0: {  	[sflag:s22] =	ssyncadd.s32 s4;
	_ =	sdelay $0x1  }
0xa1: {  	s23 =	simm.s32 $0x1B8B  }
0xa2: {  	_ =	swait.ge [sflag:s23], $0x1  }
0xa3: {  	[sflag:s23] =	ssyncset.done $0x0  }
0xa4: {  	s25 =	simm.s32 $0x1B8E;
	s24 =	sld [smem:$0x3FFE];
	[sflag:s23] =	ssyncadd.s32 $0xFFFFFFFF  }
0xa5: {  	s26 =	simm.s32 $execute0_lowered;
	[smem:$0x3FD2] =	sst s25  }
0xa6: {  	s5 =	sshll.u32 s26, $0x1;
	_ =	strace $0x80000046;
	[dreg:$0x1] =	wrdreg $0xFFFFFFFF  }
0xa7: {  	s28 =	simm.s32 $_size_execute0_lowered;
	s3 =	sadd.s32 s3, s5;
	[dreg:$0x0] =	wrdreg $0x0  }
0xa8: {  	s5 =	sshll.u32 s28, $0x1;
	[dreg:$0x2] =	wrdreg s3  }
0xa9: {  	[dreg:$0x3] =	wrdreg s5  }
0xaa: {  	[dreg:$0x4] =	wrdreg $0xC0  }
0xab: {  	_ =	task [dreg:s7], $0x5FFFF  }
0xac: {  	[dreg:$0x1] =	wrdreg $0xFFFFFFFF  }
0xad: {  	[dreg:$0x0] =	wrdreg $0x60  }
0xae: {  	[dreg:$0x2] =	wrdreg s2  }
0xaf: {  	[dreg:$0x3] =	wrdreg s24  }
0xb0: {  	[dreg:$0x4] =	wrdreg $0x9  }
0xb1: {  	_ =	task.clear_ibuf [dreg:s7], $0x5FFFF;
	_ =	strace $0x90000046  }
0xb2: {  	s29 =	simm.s32 $0x9;
	_ =	strace $0x80000048  }
0xb3: {  	_ =	swait.ge [sflag:s29], $0x1  }
0xb4: {  	[sflag:s29] =	ssyncadd.s32 $0xFFFFFFFF  }
0xb5: {  	_ =	strace $0x90000048  }
0xb6: {  	_ =	sfence  }
0xb7: {  	s30 =	sld [smem:$0x0];
	_ =	sdelay $0x2  }
0xb8: {  	s31 =	sshll.u32 s1, $0xD;
	s1 =	sshrl.u32 s1, $0x2  }
0xb9: {  	s3 =	sand.u32 $0x4000, s31;
	s1 =	sadd.s32 s1, s30  }
0xba: {  	s0 =	sor.u32 s3, s0;
	s1 =	sshll.u32 s1, $0x11  }
0xbb: {  	s0 =	sor.u32 s1, s0  }
0xbc: {  	s0 =	sadd.s32 $0x8F2B, s0  }
0xbd: {  	[sflag:s0] =	ssyncadd.remote.s32 $0x1  }
0xbe: {  	_ =	sfence.sel $0xFFFF  }
0xbf: {  	[dreg:$0x0] =	wrdreg $0xFFFFFFFF;
	(pc) =	sbr.abs _section_cstart, $3  }
0xc0: {  	[dreg:$0x1] =	wrdreg $0xFFFFFFFF  }
0xc1: {  	_ =	task.clear_ibuf [dreg:s7], $0x2FFFF;
	_ =	strace $0x9FFFFFFF  }
0xc2: {  	(tm) =	ssettm $0x7FFFFFFF  }
0xc3: {  	_ =	shalt  }
tec
execute0_lowered:
.L_overlay_start_1:
0x0: {  	(tag) =	ssettag $0x1  }
0x1: {  	s1 =	srdreg.scid;
	s2 =	rddreg [dreg:$0x0]  }
0x2: {  	s0 =	stileid.u32;
	s6 =	rddreg [dreg:$0x1];
	s3 =	simm.s32 $0x0  }
0x3: {  	s15 =	simm.s32 $0x1;
	s16 =	simm.s32 $0x40;
	s17 =	simm.s32 $0x80  }
0x4: {  	s18 =	simm.s32 $0x2;
	s19 =	simm.s32 $0x3;
	s20 =	simm.s32 $0x4  }
0x5: {  	s21 =	simm.s32 $0x0;
	s5 =	sand.u32 $0x1, s1;
	s8 =	smul.u32 $0xC800, s0  }
0x6: {  	s24 =	sshll.u32 s0, $0x1;
	[smem:$0x7FF] =	sst s3;
	s11 =	smul.u32 $0x640000, s0  }
0x7: {  	s4 =	sadd.s32 $0x800, s6;
	s14 =	sadd.s32 $0x800800, s6;
	s9 =	smul.u32 $0x6400, s5  }
0x8: {  	s1 =	sor.u32 s5, s24;
	s10 =	ssub.s32 $0x2, s5;
	s13 =	smul.u32 $0x320000, s5  }
0x9: {  	s7 =	smul.u32 $0x6400, s1;
	s1 =	rddreg [dreg:$0x2];
	s12 =	sshrl.u32 s10, $0x1  }
0xa: {  	_ =	strace $0x80000047;
	s25 =	ssub.s32 s10, s12;
	s8 =	sadd.s32 s9, s8  }
0xb: {  	s28 =	sadd.s32 s13, s11;
	s11 =	simm.s32 $0x5;
	s12 =	simm.s32 $0x200  }
.Ltmp0:
0xc: {  	s13 =	simm.s32 $0x400;
	s26 =	sshrl.u32 s7, $0x3;
	(pc) =	sbr.rel .LBB2_1-.Ltmp0, $4  }
0xd: {  	s6 =	smax.u32 s25, $0x1;
	s7 =	sadd.s32 $0x400, s8;
	s29 =	sor.u32 $0x10000, s28  }
0xe: {  	s9 =	sshrl.u32 s28, $0x3;
	s30 =	sor.u32 $0x200, s8;
	s5 =	sadd.s32 s2, s26  }
0xf: {  	s10 =	sshrl.u32 s29, $0x3;
	s8 =	sadd.s32 s9, s14;
	s31 =	sshrl.u32 s30, $0x3  }
0x10: {  	s9 =	sadd.s32 s10, s14;
	s10 =	sadd.s32 s31, s2;
	s14 =	simm.s32 $0x8400  }
.LBB2_5:
0x11: {  	s21 =	sadd.s32 $0x1, s21  }
0x12: {  	_ =	swait.ge [sflag:s19], $0x8000;
	p0 =	sne.s32 s21, s6  }
.Ltmp1:
0x13: {  	[sflag:s19] =	ssyncset.done $0x0;
	(pc) =	sbr.rel @!p0 .LBB2_6-.Ltmp1, $4  }
0x14: {  	[sflag:s19] =	ssyncadd.s32 $0xFFFF8000  }
0x15: {  	_ =	swait.ge [sflag:s20], $0x8000  }
0x16: {  	[sflag:s20] =	ssyncset.done $0x0  }
0x17: {  	[sflag:s20] =	ssyncadd.s32 $0xFFFF8000  }
.LBB2_1:
0x18: {  	[tilespmem:s3], [sflag:$0x5] =	stream.linear.gather [hbm4b:s5+s3], $0x200, $0x38;
	[tilespmem:$0x10400] =	vst v63  }
0x19: {  	_ =	swait.ge [sflag:s11], $0x200  }
0x1a: {  	[sflag:s11] =	ssyncset.done $0x0  }
0x1b: {  	[sflag:s11] =	ssyncadd.s32 $0xFFFFFE00  }
0x1c: {  	v0 =	vld [tilespmem:$0x0]  }
0x1d: {  	v1 =	vld [tilespmem:$0x10]  }
0x1e: {  	v2 =	vld [tilespmem:$0x20]  }
0x1f: {  	v3 =	vld [tilespmem:$0x30]  }
0x20: {  	v5 =	vld [tilespmem:$0x40]  }
0x21: {  	v7 =	vld [tilespmem:$0x50]  }
0x22: {  	v8 =	vld [tilespmem:$0x60]  }
0x23: {  	v10 =	vld [tilespmem:$0x70]  }
0x24: {  	v28 =	vld [tilespmem:$0x80]  }
0x25: {  	v30 =	vld [tilespmem:$0x90]  }
0x26: {  	v33 =	vld [tilespmem:$0xA0]  }
0x27: {  	v13 =	vld [tilespmem:$0xB0]  }
0x28: {  	v14 =	vld [tilespmem:$0xC0];
	v4 =	vshll.u32 v0, $0x1  }
0x29: {  	v16 =	vld [tilespmem:$0xD0];
	vm0 =	vlt.s32 v0, $0x80000;
	v6 =	vshll.u32 v1, $0x1;
	vm11 =	vlt.s32 v1, $0x80000  }
0x2a: {  	v40 =	vld [tilespmem:$0xE0];
	vm1 =	vlt.s32 v2, $0x80000;
	v2 =	vshll.u32 v2, $0x1;
	v26 =	vshll.u32 v3, $0x1  }
0x2b: {  	v43 =	vld [tilespmem:$0xF0];
	vm2 =	vlt.s32 v3, $0x80000;
	vm12 =	vlt.s32 v5, $0x80000;
	v5 =	vshll.u32 v5, $0x1  }
0x2c: {  	v48 =	vld [tilespmem:$0x100];
	v29 =	vshll.u32 v7, $0x1;
	vm13 =	vlt.s32 v7, $0x80000;
	v32 =	vshll.u32 v8, $0x1  }
0x2d: {  	v51 =	vld [tilespmem:$0x110];
	vm14 =	vlt.s32 v8, $0x80000;
	v12 =	vshll.u32 v10, $0x1;
	vm15 =	vlt.s32 v10, $0x80000  }
0x2e: {  	v55 =	vld [tilespmem:$0x120];
	vm4 =	vlt.s32 v28, $0x80000;
	v36 =	vshll.u32 v30, $0x1;
	vm5 =	vlt.s32 v30, $0x80000  }
0x2f: {  	v58 =	vld [tilespmem:$0x130];
	vm6 =	vlt.s32 v33, $0x80000;
	v41 =	vshll.u32 v33, $0x1;
	v42 =	vshll.u32 v13, $0x1  }
0x30: {  	v19 =	vld [tilespmem:$0x160];
	vm7 =	vlt.s32 v13, $0x80000;
	v47 =	vshll.u32 v14, $0x1;
	vm8 =	vlt.s32 v14, $0x80000  }
0x31: {  	v50 =	vshll.u32 v16, $0x1;
	vm9 =	vlt.s32 v16, $0x80000;
	vm10 =	vlt.s32 v40, $0x80000  }
0x32: {  	v53 =	vshll.u32 v40, $0x1;
	v54 =	vshll.u32 v43, $0x1;
	v62 =	vshll.u32 v48, $0x1  }
0x33: {  	v63 =	vshll.u32 v51, $0x1;
	v18 =	vshll.u32 v55, $0x1;
	v24 =	vadd.s32 $0xFFF00001, v4  }
0x34: {  	v21 =	vshll.u32 v58, $0x1;
	v25 =	vadd.s32 $0xFFF00001, v6;
	v0 =	vsel vm0, v4, v24  }
0x35: {  	v33 =	vshll.u32 v19, $0x1;
	v9 =	vadd.s32 $0xFFF00001, v2;
	v1 =	vsel vm11, v6, v25;
	[tilespmem:$0x0] =	vst v0  }
0x36: {  	v27 =	vadd.s32 $0xFFF00001, v26;
	v11 =	vadd.s32 $0xFFF00001, v5;
	v2 =	vsel vm1, v2, v9;
	[tilespmem:$0x10] =	vst v1  }
0x37: {  	v31 =	vadd.s32 $0xFFF00001, v29;
	v34 =	vadd.s32 $0xFFF00001, v32;
	v3 =	vsel vm2, v26, v27;
	[tilespmem:$0x20] =	vst v2  }
0x38: {  	v35 =	vadd.s32 $0xFFF00001, v12;
	v37 =	vadd.s32 $0xFFF00001, v36;
	v5 =	vsel vm12, v5, v11;
	[tilespmem:$0x30] =	vst v3  }
0x39: {  	v44 =	vadd.s32 $0xFFF00001, v41;
	v45 =	vadd.s32 $0xFFF00001, v42;
	v6 =	vsel vm13, v29, v31;
	[tilespmem:$0x40] =	vst v5  }
0x3a: {  	v49 =	vadd.s32 $0xFFF00001, v47;
	v52 =	vadd.s32 $0xFFF00001, v50;
	v7 =	vsel vm14, v32, v34;
	[tilespmem:$0x50] =	vst v6  }
0x3b: {  	v61 =	vld [tilespmem:$0x140];
	v56 =	vadd.s32 $0xFFF00001, v53;
	v57 =	vadd.s32 $0xFFF00001, v54;
	v38 =	vsel vm15, v12, v35;
	[tilespmem:$0x60] =	vst v7  }
0x3c: {  	v22 =	vld [tilespmem:$0x170];
	v16 =	vadd.s32 $0xFFF00001, v63;
	v20 =	vadd.s32 $0xFFF00001, v18;
	v39 =	vsel vm5, v36, v37;
	[tilespmem:$0x70] =	vst v38  }
0x3d: {  	v23 =	vadd.s32 $0xFFF00001, v21;
	v4 =	vshll.u32 v28, $0x1;
	v46 =	vsel vm7, v42, v45;
	[tilespmem:$0x90] =	vst v39  }
0x3e: {  	vm11 =	vlt.s32 v43, $0x80000;
	v59 =	vsel vm9, v50, v52;
	vm12 =	vlt.s32 v48, $0x80000;
	[tilespmem:$0xB0] =	vst v46  }
0x3f: {  	vm13 =	vlt.s32 v51, $0x80000;
	vm14 =	vlt.s32 v55, $0x80000;
	v1 =	vsel vm6, v41, v44;
	[tilespmem:$0xD0] =	vst v59  }
0x40: {  	vm15 =	vlt.s32 v58, $0x80000;
	v24 =	vshll.u32 v61, $0x1;
	v3 =	vsel vm8, v47, v49;
	[tilespmem:$0xA0] =	vst v1  }
0x41: {  	v12 =	vld [tilespmem:$0x150];
	v34 =	vshll.u32 v22, $0x1;
	v36 =	vadd.s32 $0xFFF00001, v33;
	v0 =	vsel vm10, v53, v56;
	[tilespmem:$0xC0] =	vst v3  }
0x42: {  	v26 =	vld [tilespmem:$0x180];
	vm7 =	vlt.s32 v22, $0x80000;
	v15 =	vadd.s32 $0xFFF00001, v4;
	v60 =	vsel vm11, v54, v57;
	[tilespmem:$0xE0] =	vst v0  }
0x43: {  	v29 =	vld [tilespmem:$0x190];
	v17 =	vsel vm13, v63, v16;
	v27 =	vadd.s32 $0xFFF00001, v24;
	v30 =	vsel vm15, v21, v23;
	[tilespmem:$0xF0] =	vst v60  }
0x44: {  	v32 =	vld [tilespmem:$0x1A0];
	vm6 =	vlt.s32 v19, $0x80000;
	v37 =	vadd.s32 $0xFFF00001, v34;
	v4 =	vsel vm4, v4, v15;
	[tilespmem:$0x110] =	vst v17  }
0x45: {  	v35 =	vld [tilespmem:$0x1B0];
	v15 =	vadd.s32 $0xFFF00001, v62;
	v3 =	vsel vm14, v18, v20;
	vm4 =	vlt.s32 v61, $0x80000;
	[tilespmem:$0x130] =	vst v30  }
0x46: {  	v48 =	vld [tilespmem:$0x1E0];
	v38 =	vsel vm6, v33, v36;
	v39 =	vsel vm7, v34, v37;
	[tilespmem:$0x80] =	vst v4;
	v1 =	vsel vm12, v62, v15  }
0x47: {  	v51 =	vld [tilespmem:$0x1F0];
	v0 =	vsel vm4, v24, v27;
	[tilespmem:$0x120] =	vst v3;
	v25 =	vshll.u32 v12, $0x1;
	vm5 =	vlt.s32 v12, $0x80000  }
0x48: {  	[tilespmem:$0x160] =	vst v38;
	v40 =	vshll.u32 v26, $0x1;
	vm8 =	vlt.s32 v26, $0x80000;
	v43 =	vshll.u32 v29, $0x1  }
0x49: {  	v41 =	vld [tilespmem:$0x1C0];
	[tilespmem:$0x170] =	vst v39;
	vm9 =	vlt.s32 v29, $0x80000;
	vm10 =	vlt.s32 v32, $0x80000;
	v46 =	vshll.u32 v32, $0x1  }
0x4a: {  	[tilespmem:$0x100] =	vst v1;
	v47 =	vshll.u32 v35, $0x1;
	vm11 =	vlt.s32 v35, $0x80000;
	v28 =	vadd.s32 $0xFFF00001, v25  }
0x4b: {  	v44 =	vld [tilespmem:$0x1D0];
	[tilespmem:$0x140] =	vst v0;
	v59 =	vshll.u32 v48, $0x1;
	v42 =	vadd.s32 $0xFFF00001, v40;
	v31 =	vsel vm5, v25, v28  }
0x4c: {  	v61 =	vshll.u32 v51, $0x1;
	v45 =	vadd.s32 $0xFFF00001, v43;
	v0 =	vsel vm8, v40, v42;
	[tilespmem:$0x150] =	vst v31  }
0x4d: {  	vm15 =	vlt.s32 v51, $0x80000;
	v49 =	vadd.s32 $0xFFF00001, v46;
	v3 =	vsel vm9, v43, v45;
	[tilespmem:$0x180] =	vst v0  }
0x4e: {  	v50 =	vadd.s32 $0xFFF00001, v47;
	vm12 =	vlt.s32 v41, $0x80000;
	v52 =	vsel vm10, v46, v49;
	[tilespmem:$0x190] =	vst v3  }
0x4f: {  	v54 =	vshll.u32 v41, $0x1;
	v62 =	vadd.s32 $0xFFF00001, v61;
	v53 =	vsel vm11, v47, v50;
	[tilespmem:$0x1A0] =	vst v52  }
0x50: {  	v55 =	vshll.u32 v44, $0x1;
	v56 =	vadd.s32 $0xFFF00001, v54;
	v63 =	vsel vm15, v61, v62;
	[tilespmem:$0x1B0] =	vst v53  }
.Ltmp2:
0x51: {  	vm13 =	vlt.s32 v44, $0x80000;
	v57 =	vadd.s32 $0xFFF00001, v55;
	v0 =	vsel vm12, v54, v56;
	[tilespmem:$0x1F0] =	vst v63;
	(pc) =	sbr.rel .LBB2_2-.Ltmp2, $4  }
0x52: {  	vm14 =	vlt.s32 v48, $0x80000;
	v60 =	vadd.s32 $0xFFF00001, v59;
	v58 =	vsel vm13, v55, v57;
	[tilespmem:$0x1C0] =	vst v0  }
0x53: {  	[tilespmem:$0x1D0] =	vst v58;
	v0 =	vsel vm14, v59, v60  }
0x54: {  	s22 =	smov.u32 s10;
	s23 =	simm.s32 $0x0;
	s24 =	smov.u32 s7;
	[tilespmem:$0x1E0] =	vst v0  }
0x55: {  	[tilespmem:s13], [sflag:$0x1] =	stream.indirect.gather [hbm4b:s4+s12], $0x40, s3, s12, $0xb8;
	[tilespmem:$0x10400] =	vst v63  }
.LBB2_4:
0x56: {  	s25 =	sadd.s32 s23, s9;
	s23 =	sadd.s32 $0x4000, s23  }
0x57: {  	p0 =	sne.s32 s23, $0x64000  }
.Ltmp3:
0x58: {  	_ = 	snop;
	(pc) =	sbr.rel @!p0 .LBB2_5-.Ltmp3, $4  }
0x59: {  	_ =	swait.ge [sflag:s18], $0x8000  }
0x5a: {  	[sflag:s18] =	ssyncset.done $0x0  }
0x5b: {  	s24 =	sadd.s32 $0x400, s24;
	s22 =	sadd.s32 $0x80, s22;
	[sflag:s18] =	ssyncadd.s32 $0xFFFF8000  }
0x5c: {  	[hbm4b:s25+s16] =	stream.strided.scatter [tilespmem:s14], [sflag:$0x4], $0x8000, s17, s16, $0x38;
	[tilespmem:$0x10400] =	vst v63  }
.LBB2_2:
0x5d: {  	p0 =	seq.s32 s23, $0x0  }
0x5e: {  	s25 =	simm.s32 @!p0 $0x4  }
0x5f: {  	_ =	swait.ge @!p0 [sflag:s25], $0x8000  }
0x60: {  	[sflag:s25] =	ssyncset.done @!p0 $0x0  }
0x61: {  	[sflag:s25] =	ssyncadd.s32 @!p0 $0xFFFF8000  }
0x62: {  	[tilespmem:s12], [sflag:$0x5] =	stream.linear.gather [hbm4b:s22+s3], $0x200, $0x38;
	[tilespmem:$0x10400] =	vst v63  }
0x63: {  	_ =	swait.ge [sflag:s11], $0x200  }
0x64: {  	[sflag:s11] =	ssyncset.done $0x0  }
0x65: {  	[sflag:s11] =	ssyncadd.s32 $0xFFFFFE00  }
0x66: {  	v0 =	vld [tilespmem:$0x200]  }
0x67: {  	v1 =	vld [tilespmem:$0x210]  }
0x68: {  	v2 =	vld [tilespmem:$0x220]  }
0x69: {  	v3 =	vld [tilespmem:$0x230]  }
0x6a: {  	v5 =	vld [tilespmem:$0x240]  }
0x6b: {  	v7 =	vld [tilespmem:$0x250]  }
0x6c: {  	v8 =	vld [tilespmem:$0x260]  }
0x6d: {  	v10 =	vld [tilespmem:$0x270]  }
0x6e: {  	v28 =	vld [tilespmem:$0x280]  }
0x6f: {  	v30 =	vld [tilespmem:$0x290]  }
0x70: {  	v33 =	vld [tilespmem:$0x2A0]  }
0x71: {  	v13 =	vld [tilespmem:$0x2B0]  }
0x72: {  	v14 =	vld [tilespmem:$0x2C0];
	v4 =	vshll.u32 v0, $0x1  }
0x73: {  	v16 =	vld [tilespmem:$0x2D0];
	vm0 =	vlt.s32 v0, $0x80000;
	v6 =	vshll.u32 v1, $0x1;
	vm11 =	vlt.s32 v1, $0x80000  }
0x74: {  	v40 =	vld [tilespmem:$0x2E0];
	vm1 =	vlt.s32 v2, $0x80000;
	v2 =	vshll.u32 v2, $0x1;
	v26 =	vshll.u32 v3, $0x1  }
0x75: {  	v43 =	vld [tilespmem:$0x2F0];
	vm2 =	vlt.s32 v3, $0x80000;
	vm12 =	vlt.s32 v5, $0x80000;
	v5 =	vshll.u32 v5, $0x1  }
0x76: {  	v48 =	vld [tilespmem:$0x300];
	v29 =	vshll.u32 v7, $0x1;
	vm13 =	vlt.s32 v7, $0x80000;
	v32 =	vshll.u32 v8, $0x1  }
0x77: {  	v51 =	vld [tilespmem:$0x310];
	vm14 =	vlt.s32 v8, $0x80000;
	v12 =	vshll.u32 v10, $0x1;
	vm15 =	vlt.s32 v10, $0x80000  }
0x78: {  	v55 =	vld [tilespmem:$0x320];
	vm4 =	vlt.s32 v28, $0x80000;
	v36 =	vshll.u32 v30, $0x1;
	vm5 =	vlt.s32 v30, $0x80000  }
0x79: {  	v58 =	vld [tilespmem:$0x330];
	vm6 =	vlt.s32 v33, $0x80000;
	v41 =	vshll.u32 v33, $0x1;
	v42 =	vshll.u32 v13, $0x1  }
0x7a: {  	v19 =	vld [tilespmem:$0x360];
	vm7 =	vlt.s32 v13, $0x80000;
	v47 =	vshll.u32 v14, $0x1;
	vm8 =	vlt.s32 v14, $0x80000  }
0x7b: {  	v50 =	vshll.u32 v16, $0x1;
	vm9 =	vlt.s32 v16, $0x80000;
	vm10 =	vlt.s32 v40, $0x80000  }
0x7c: {  	v53 =	vshll.u32 v40, $0x1;
	v54 =	vshll.u32 v43, $0x1;
	v62 =	vshll.u32 v48, $0x1  }
0x7d: {  	v63 =	vshll.u32 v51, $0x1;
	v18 =	vshll.u32 v55, $0x1;
	v24 =	vadd.s32 $0xFFF00001, v4  }
0x7e: {  	v21 =	vshll.u32 v58, $0x1;
	v25 =	vadd.s32 $0xFFF00001, v6;
	v0 =	vsel vm0, v4, v24  }
0x7f: {  	v33 =	vshll.u32 v19, $0x1;
	v9 =	vadd.s32 $0xFFF00001, v2;
	v1 =	vsel vm11, v6, v25;
	[tilespmem:$0x200] =	vst v0  }
0x80: {  	v27 =	vadd.s32 $0xFFF00001, v26;
	v11 =	vadd.s32 $0xFFF00001, v5;
	v2 =	vsel vm1, v2, v9;
	[tilespmem:$0x210] =	vst v1  }
0x81: {  	v31 =	vadd.s32 $0xFFF00001, v29;
	v34 =	vadd.s32 $0xFFF00001, v32;
	v3 =	vsel vm2, v26, v27;
	[tilespmem:$0x220] =	vst v2  }
0x82: {  	v35 =	vadd.s32 $0xFFF00001, v12;
	v37 =	vadd.s32 $0xFFF00001, v36;
	v5 =	vsel vm12, v5, v11;
	[tilespmem:$0x230] =	vst v3  }
0x83: {  	v44 =	vadd.s32 $0xFFF00001, v41;
	v45 =	vadd.s32 $0xFFF00001, v42;
	v6 =	vsel vm13, v29, v31;
	[tilespmem:$0x240] =	vst v5  }
0x84: {  	v49 =	vadd.s32 $0xFFF00001, v47;
	v52 =	vadd.s32 $0xFFF00001, v50;
	v7 =	vsel vm14, v32, v34;
	[tilespmem:$0x250] =	vst v6  }
0x85: {  	v61 =	vld [tilespmem:$0x340];
	v56 =	vadd.s32 $0xFFF00001, v53;
	v57 =	vadd.s32 $0xFFF00001, v54;
	v38 =	vsel vm15, v12, v35;
	[tilespmem:$0x260] =	vst v7  }
0x86: {  	v22 =	vld [tilespmem:$0x370];
	v16 =	vadd.s32 $0xFFF00001, v63;
	v20 =	vadd.s32 $0xFFF00001, v18;
	v39 =	vsel vm5, v36, v37;
	[tilespmem:$0x270] =	vst v38  }
0x87: {  	v23 =	vadd.s32 $0xFFF00001, v21;
	v4 =	vshll.u32 v28, $0x1;
	v46 =	vsel vm7, v42, v45;
	[tilespmem:$0x290] =	vst v39  }
0x88: {  	vm11 =	vlt.s32 v43, $0x80000;
	v59 =	vsel vm9, v50, v52;
	vm12 =	vlt.s32 v48, $0x80000;
	[tilespmem:$0x2B0] =	vst v46  }
0x89: {  	vm13 =	vlt.s32 v51, $0x80000;
	vm14 =	vlt.s32 v55, $0x80000;
	v1 =	vsel vm6, v41, v44;
	[tilespmem:$0x2D0] =	vst v59  }
0x8a: {  	vm15 =	vlt.s32 v58, $0x80000;
	v24 =	vshll.u32 v61, $0x1;
	v3 =	vsel vm8, v47, v49;
	[tilespmem:$0x2A0] =	vst v1  }
0x8b: {  	v12 =	vld [tilespmem:$0x350];
	v34 =	vshll.u32 v22, $0x1;
	v36 =	vadd.s32 $0xFFF00001, v33;
	v0 =	vsel vm10, v53, v56;
	[tilespmem:$0x2C0] =	vst v3  }
0x8c: {  	v26 =	vld [tilespmem:$0x380];
	vm7 =	vlt.s32 v22, $0x80000;
	v15 =	vadd.s32 $0xFFF00001, v4;
	v60 =	vsel vm11, v54, v57;
	[tilespmem:$0x2E0] =	vst v0  }
0x8d: {  	v29 =	vld [tilespmem:$0x390];
	v17 =	vsel vm13, v63, v16;
	v27 =	vadd.s32 $0xFFF00001, v24;
	v30 =	vsel vm15, v21, v23;
	[tilespmem:$0x2F0] =	vst v60  }
0x8e: {  	v32 =	vld [tilespmem:$0x3A0];
	vm6 =	vlt.s32 v19, $0x80000;
	v37 =	vadd.s32 $0xFFF00001, v34;
	v4 =	vsel vm4, v4, v15;
	[tilespmem:$0x310] =	vst v17  }
0x8f: {  	v35 =	vld [tilespmem:$0x3B0];
	v15 =	vadd.s32 $0xFFF00001, v62;
	v3 =	vsel vm14, v18, v20;
	vm4 =	vlt.s32 v61, $0x80000;
	[tilespmem:$0x330] =	vst v30  }
0x90: {  	v48 =	vld [tilespmem:$0x3E0];
	v38 =	vsel vm6, v33, v36;
	v39 =	vsel vm7, v34, v37;
	[tilespmem:$0x280] =	vst v4;
	v1 =	vsel vm12, v62, v15  }
0x91: {  	v51 =	vld [tilespmem:$0x3F0];
	v0 =	vsel vm4, v24, v27;
	[tilespmem:$0x320] =	vst v3;
	v25 =	vshll.u32 v12, $0x1;
	vm5 =	vlt.s32 v12, $0x80000  }
0x92: {  	[tilespmem:$0x360] =	vst v38;
	v40 =	vshll.u32 v26, $0x1;
	vm8 =	vlt.s32 v26, $0x80000;
	v43 =	vshll.u32 v29, $0x1  }
0x93: {  	v41 =	vld [tilespmem:$0x3C0];
	[tilespmem:$0x370] =	vst v39;
	vm9 =	vlt.s32 v29, $0x80000;
	vm10 =	vlt.s32 v32, $0x80000;
	v46 =	vshll.u32 v32, $0x1  }
0x94: {  	[tilespmem:$0x300] =	vst v1;
	v47 =	vshll.u32 v35, $0x1;
	vm11 =	vlt.s32 v35, $0x80000;
	v28 =	vadd.s32 $0xFFF00001, v25  }
0x95: {  	v44 =	vld [tilespmem:$0x3D0];
	[tilespmem:$0x340] =	vst v0;
	v59 =	vshll.u32 v48, $0x1;
	v42 =	vadd.s32 $0xFFF00001, v40;
	v31 =	vsel vm5, v25, v28  }
0x96: {  	v61 =	vshll.u32 v51, $0x1;
	v45 =	vadd.s32 $0xFFF00001, v43;
	v0 =	vsel vm8, v40, v42;
	[tilespmem:$0x350] =	vst v31  }
0x97: {  	vm15 =	vlt.s32 v51, $0x80000;
	v49 =	vadd.s32 $0xFFF00001, v46;
	v3 =	vsel vm9, v43, v45;
	[tilespmem:$0x380] =	vst v0  }
0x98: {  	v50 =	vadd.s32 $0xFFF00001, v47;
	vm12 =	vlt.s32 v41, $0x80000;
	v52 =	vsel vm10, v46, v49;
	[tilespmem:$0x390] =	vst v3  }
0x99: {  	v54 =	vshll.u32 v41, $0x1;
	v62 =	vadd.s32 $0xFFF00001, v61;
	v53 =	vsel vm11, v47, v50;
	[tilespmem:$0x3A0] =	vst v52  }
0x9a: {  	v55 =	vshll.u32 v44, $0x1;
	v56 =	vadd.s32 $0xFFF00001, v54;
	v63 =	vsel vm15, v61, v62;
	[tilespmem:$0x3B0] =	vst v53  }
0x9b: {  	vm13 =	vlt.s32 v44, $0x80000;
	v57 =	vadd.s32 $0xFFF00001, v55;
	v0 =	vsel vm12, v54, v56;
	[tilespmem:$0x3F0] =	vst v63  }
0x9c: {  	vm14 =	vlt.s32 v48, $0x80000;
	v60 =	vadd.s32 $0xFFF00001, v59;
	v58 =	vsel vm13, v55, v57;
	[tilespmem:$0x3C0] =	vst v0  }
0x9d: {  	[tilespmem:$0x3D0] =	vst v58;
	v0 =	vsel vm14, v59, v60  }
0x9e: {  	p0 =	seq.s32 s23, $0x60000;
	[tilespmem:$0x3E0] =	vst v0  }
0x9f: {  	[tilespmem:s14], [sflag:$0x2] =	stream.indirect.gather [hbm4b:s4+s12], $0x40, s12, s12, $0xb8;
	[tilespmem:$0x10400] =	vst v63  }
.Ltmp4:
0xa0: {  	_ = 	snop;
	(pc) =	sbr.rel @p0 .LBB2_4-.Ltmp4, $4  }
0xa1: {  	_ =	swait.ge [sflag:s15], $0x8000  }
0xa2: {  	[sflag:s15] =	ssyncset.done $0x0  }
0xa3: {  	s31 =	sadd.s32 s23, s8;
	[sflag:s15] =	ssyncadd.s32 $0xFFFF8000  }
0xa4: {  	[hbm4b:s31+s16] =	stream.strided.scatter [tilespmem:s13], [sflag:$0x3], $0x8000, s17, s16, $0x38;
	[tilespmem:$0x10400] =	vst v63  }
0xa5: {  	_ =	swait.ge [sflag:s19], $0x8000  }
0xa6: {  	s25 =	sshrl.u32 s24, $0x3;
	[sflag:s19] =	ssyncset.done $0x0  }
0xa7: {  	s25 =	sadd.s32 s2, s25;
	[sflag:s19] =	ssyncadd.s32 $0xFFFF8000  }
0xa8: {  	[tilespmem:s3], [sflag:$0x5] =	stream.linear.gather [hbm4b:s25+s3], $0x200, $0x38;
	[tilespmem:$0x10400] =	vst v63  }
0xa9: {  	_ =	swait.ge [sflag:s11], $0x200  }
0xaa: {  	[sflag:s11] =	ssyncset.done $0x0  }
0xab: {  	[sflag:s11] =	ssyncadd.s32 $0xFFFFFE00  }
0xac: {  	v0 =	vld [tilespmem:$0x0]  }
0xad: {  	v1 =	vld [tilespmem:$0x10]  }
0xae: {  	v2 =	vld [tilespmem:$0x20]  }
0xaf: {  	v3 =	vld [tilespmem:$0x30]  }
0xb0: {  	v5 =	vld [tilespmem:$0x40]  }
0xb1: {  	v7 =	vld [tilespmem:$0x50]  }
0xb2: {  	v8 =	vld [tilespmem:$0x60]  }
0xb3: {  	v10 =	vld [tilespmem:$0x70]  }
0xb4: {  	v28 =	vld [tilespmem:$0x80]  }
0xb5: {  	v30 =	vld [tilespmem:$0x90]  }
0xb6: {  	v33 =	vld [tilespmem:$0xA0]  }
0xb7: {  	v13 =	vld [tilespmem:$0xB0]  }
0xb8: {  	v14 =	vld [tilespmem:$0xC0];
	v4 =	vshll.u32 v0, $0x1  }
0xb9: {  	v16 =	vld [tilespmem:$0xD0];
	vm0 =	vlt.s32 v0, $0x80000;
	v6 =	vshll.u32 v1, $0x1;
	vm11 =	vlt.s32 v1, $0x80000  }
0xba: {  	v40 =	vld [tilespmem:$0xE0];
	vm1 =	vlt.s32 v2, $0x80000;
	v2 =	vshll.u32 v2, $0x1;
	v26 =	vshll.u32 v3, $0x1  }
0xbb: {  	v43 =	vld [tilespmem:$0xF0];
	vm2 =	vlt.s32 v3, $0x80000;
	vm12 =	vlt.s32 v5, $0x80000;
	v5 =	vshll.u32 v5, $0x1  }
0xbc: {  	v48 =	vld [tilespmem:$0x100];
	v29 =	vshll.u32 v7, $0x1;
	vm13 =	vlt.s32 v7, $0x80000;
	v32 =	vshll.u32 v8, $0x1  }
0xbd: {  	v51 =	vld [tilespmem:$0x110];
	vm14 =	vlt.s32 v8, $0x80000;
	v12 =	vshll.u32 v10, $0x1;
	vm15 =	vlt.s32 v10, $0x80000  }
0xbe: {  	v55 =	vld [tilespmem:$0x120];
	vm4 =	vlt.s32 v28, $0x80000;
	v36 =	vshll.u32 v30, $0x1;
	vm5 =	vlt.s32 v30, $0x80000  }
0xbf: {  	v58 =	vld [tilespmem:$0x130];
	vm6 =	vlt.s32 v33, $0x80000;
	v41 =	vshll.u32 v33, $0x1;
	v42 =	vshll.u32 v13, $0x1  }
0xc0: {  	v19 =	vld [tilespmem:$0x160];
	vm7 =	vlt.s32 v13, $0x80000;
	v47 =	vshll.u32 v14, $0x1;
	vm8 =	vlt.s32 v14, $0x80000  }
0xc1: {  	v50 =	vshll.u32 v16, $0x1;
	vm9 =	vlt.s32 v16, $0x80000;
	vm10 =	vlt.s32 v40, $0x80000  }
0xc2: {  	v53 =	vshll.u32 v40, $0x1;
	v54 =	vshll.u32 v43, $0x1;
	v62 =	vshll.u32 v48, $0x1  }
0xc3: {  	v63 =	vshll.u32 v51, $0x1;
	v18 =	vshll.u32 v55, $0x1;
	v24 =	vadd.s32 $0xFFF00001, v4  }
0xc4: {  	v21 =	vshll.u32 v58, $0x1;
	v25 =	vadd.s32 $0xFFF00001, v6;
	v0 =	vsel vm0, v4, v24  }
0xc5: {  	v33 =	vshll.u32 v19, $0x1;
	v9 =	vadd.s32 $0xFFF00001, v2;
	v1 =	vsel vm11, v6, v25;
	[tilespmem:$0x0] =	vst v0  }
0xc6: {  	v27 =	vadd.s32 $0xFFF00001, v26;
	v11 =	vadd.s32 $0xFFF00001, v5;
	v2 =	vsel vm1, v2, v9;
	[tilespmem:$0x10] =	vst v1  }
0xc7: {  	v31 =	vadd.s32 $0xFFF00001, v29;
	v34 =	vadd.s32 $0xFFF00001, v32;
	v3 =	vsel vm2, v26, v27;
	[tilespmem:$0x20] =	vst v2  }
0xc8: {  	v35 =	vadd.s32 $0xFFF00001, v12;
	v37 =	vadd.s32 $0xFFF00001, v36;
	v5 =	vsel vm12, v5, v11;
	[tilespmem:$0x30] =	vst v3  }
0xc9: {  	v44 =	vadd.s32 $0xFFF00001, v41;
	v45 =	vadd.s32 $0xFFF00001, v42;
	v6 =	vsel vm13, v29, v31;
	[tilespmem:$0x40] =	vst v5  }
0xca: {  	v49 =	vadd.s32 $0xFFF00001, v47;
	v52 =	vadd.s32 $0xFFF00001, v50;
	v7 =	vsel vm14, v32, v34;
	[tilespmem:$0x50] =	vst v6  }
0xcb: {  	v61 =	vld [tilespmem:$0x140];
	v56 =	vadd.s32 $0xFFF00001, v53;
	v57 =	vadd.s32 $0xFFF00001, v54;
	v38 =	vsel vm15, v12, v35;
	[tilespmem:$0x60] =	vst v7  }
0xcc: {  	v22 =	vld [tilespmem:$0x170];
	v16 =	vadd.s32 $0xFFF00001, v63;
	v20 =	vadd.s32 $0xFFF00001, v18;
	v39 =	vsel vm5, v36, v37;
	[tilespmem:$0x70] =	vst v38  }
0xcd: {  	v23 =	vadd.s32 $0xFFF00001, v21;
	v4 =	vshll.u32 v28, $0x1;
	v46 =	vsel vm7, v42, v45;
	[tilespmem:$0x90] =	vst v39  }
0xce: {  	vm11 =	vlt.s32 v43, $0x80000;
	v59 =	vsel vm9, v50, v52;
	vm12 =	vlt.s32 v48, $0x80000;
	[tilespmem:$0xB0] =	vst v46  }
0xcf: {  	vm13 =	vlt.s32 v51, $0x80000;
	vm14 =	vlt.s32 v55, $0x80000;
	v1 =	vsel vm6, v41, v44;
	[tilespmem:$0xD0] =	vst v59  }
0xd0: {  	vm15 =	vlt.s32 v58, $0x80000;
	v24 =	vshll.u32 v61, $0x1;
	v3 =	vsel vm8, v47, v49;
	[tilespmem:$0xA0] =	vst v1  }
0xd1: {  	v12 =	vld [tilespmem:$0x150];
	v34 =	vshll.u32 v22, $0x1;
	v36 =	vadd.s32 $0xFFF00001, v33;
	v0 =	vsel vm10, v53, v56;
	[tilespmem:$0xC0] =	vst v3  }
0xd2: {  	v26 =	vld [tilespmem:$0x180];
	vm7 =	vlt.s32 v22, $0x80000;
	v15 =	vadd.s32 $0xFFF00001, v4;
	v60 =	vsel vm11, v54, v57;
	[tilespmem:$0xE0] =	vst v0  }
0xd3: {  	v29 =	vld [tilespmem:$0x190];
	v17 =	vsel vm13, v63, v16;
	v27 =	vadd.s32 $0xFFF00001, v24;
	v30 =	vsel vm15, v21, v23;
	[tilespmem:$0xF0] =	vst v60  }
0xd4: {  	v32 =	vld [tilespmem:$0x1A0];
	vm6 =	vlt.s32 v19, $0x80000;
	v37 =	vadd.s32 $0xFFF00001, v34;
	v4 =	vsel vm4, v4, v15;
	[tilespmem:$0x110] =	vst v17  }
0xd5: {  	v35 =	vld [tilespmem:$0x1B0];
	v15 =	vadd.s32 $0xFFF00001, v62;
	v3 =	vsel vm14, v18, v20;
	vm4 =	vlt.s32 v61, $0x80000;
	[tilespmem:$0x130] =	vst v30  }
0xd6: {  	v48 =	vld [tilespmem:$0x1E0];
	v38 =	vsel vm6, v33, v36;
	v39 =	vsel vm7, v34, v37;
	[tilespmem:$0x80] =	vst v4;
	v1 =	vsel vm12, v62, v15  }
0xd7: {  	v51 =	vld [tilespmem:$0x1F0];
	v0 =	vsel vm4, v24, v27;
	[tilespmem:$0x120] =	vst v3;
	v25 =	vshll.u32 v12, $0x1;
	vm5 =	vlt.s32 v12, $0x80000  }
0xd8: {  	[tilespmem:$0x160] =	vst v38;
	v40 =	vshll.u32 v26, $0x1;
	vm8 =	vlt.s32 v26, $0x80000;
	v43 =	vshll.u32 v29, $0x1  }
0xd9: {  	v41 =	vld [tilespmem:$0x1C0];
	[tilespmem:$0x170] =	vst v39;
	vm9 =	vlt.s32 v29, $0x80000;
	vm10 =	vlt.s32 v32, $0x80000;
	v46 =	vshll.u32 v32, $0x1  }
0xda: {  	[tilespmem:$0x100] =	vst v1;
	v47 =	vshll.u32 v35, $0x1;
	vm11 =	vlt.s32 v35, $0x80000;
	v28 =	vadd.s32 $0xFFF00001, v25  }
0xdb: {  	v44 =	vld [tilespmem:$0x1D0];
	[tilespmem:$0x140] =	vst v0;
	v59 =	vshll.u32 v48, $0x1;
	v42 =	vadd.s32 $0xFFF00001, v40;
	v31 =	vsel vm5, v25, v28  }
0xdc: {  	v61 =	vshll.u32 v51, $0x1;
	v45 =	vadd.s32 $0xFFF00001, v43;
	v0 =	vsel vm8, v40, v42;
	[tilespmem:$0x150] =	vst v31  }
0xdd: {  	vm15 =	vlt.s32 v51, $0x80000;
	v49 =	vadd.s32 $0xFFF00001, v46;
	v3 =	vsel vm9, v43, v45;
	[tilespmem:$0x180] =	vst v0  }
0xde: {  	v50 =	vadd.s32 $0xFFF00001, v47;
	vm12 =	vlt.s32 v41, $0x80000;
	v52 =	vsel vm10, v46, v49;
	[tilespmem:$0x190] =	vst v3  }
0xdf: {  	v54 =	vshll.u32 v41, $0x1;
	v62 =	vadd.s32 $0xFFF00001, v61;
	v53 =	vsel vm11, v47, v50;
	[tilespmem:$0x1A0] =	vst v52  }
0xe0: {  	v55 =	vshll.u32 v44, $0x1;
	v56 =	vadd.s32 $0xFFF00001, v54;
	v63 =	vsel vm15, v61, v62;
	[tilespmem:$0x1B0] =	vst v53  }
.Ltmp5:
0xe1: {  	vm13 =	vlt.s32 v44, $0x80000;
	v57 =	vadd.s32 $0xFFF00001, v55;
	v0 =	vsel vm12, v54, v56;
	[tilespmem:$0x1F0] =	vst v63;
	(pc) =	sbr.rel .LBB2_4-.Ltmp5, $4  }
0xe2: {  	vm14 =	vlt.s32 v48, $0x80000;
	v60 =	vadd.s32 $0xFFF00001, v59;
	v58 =	vsel vm13, v55, v57;
	[tilespmem:$0x1C0] =	vst v0  }
0xe3: {  	[tilespmem:$0x1D0] =	vst v58;
	v0 =	vsel vm14, v59, v60  }
0xe4: {  	[tilespmem:$0x1E0] =	vst v0  }
0xe5: {  	[tilespmem:s13], [sflag:$0x1] =	stream.indirect.gather [hbm4b:s4+s12], $0x40, s3, s12, $0xb8;
	[tilespmem:$0x10400] =	vst v63  }
.LBB2_6:
0xe6: {  	_ =	sfence.sel $0x180000  }
0xe7: {  	[bflag:$0x0] =	sbarrier.arrive $0xFFFF  }
0xe8: {  	p0 =	sne.s32 s0, $0x0;
	_ =	strace $0x90000047  }
0xe9: {  	s0 =	sadd.s32 @!p0 $0x100000, s1;
	[bflag:$0x2] =	sbarrier.arrive $0xFFFF  }
0xea: {  	[sflag:s0] =	ssyncadd.tile.s32 @!p0 $0x1;
	_ =	shalt  }
.Lfunc_end2:
_tile_overlayer_lowered:
.L_overlay_start_2:
0xeb: {  	(tag) =	ssettag $0x2  }
0xec: {  	s0 =	rddreg [dreg:$0x0];
	s2 =	stileid.u32  }
0xed: {  	s1 =	rddreg [dreg:$0x1];
	p0 =	sne.s32 s2, $0x0  }
0xee: {  	s3 =	rddreg [dreg:$0x2];
	[bflag:$0x3] =	sbarrier.arrive $0xFFFF;
	s2 =	simm.s32 @!p0 $0x1C05  }
0xef: {  	[timem:s3], [sflag:s2] =	dma.local @!p0 [hbm:s0], s1  }
0xf0: {  	s0 =	simm.s32 @!p0 $0x5  }
0xf1: {  	_ =	swait.ge @!p0 [sflag:s0], s1  }
0xf2: {  	s1 =	ssub.s32 @!p0 $0x0, s1;
	[sflag:s0] =	ssyncset.done @!p0 $0x0  }
0xf3: {  	[sflag:s0] =	ssyncadd.s32 @!p0 s1  }
0xf4: {  	[bflag:$0x3] =	sbarrier.arrive $0xFFFF  }
0xf5: {  	_ =	shalt  }

// kernel: sparse-core-data-format-call.cloned.1.call-start
scs
called_computation_lowered:
.L_overlay_start_0:
0x0: {  	s2 =	sld [smem:$0x3FD9]  }
0x1: {  	s3 =	sld [smem:$0x3FFE];
	_ =	sdelay $0x1  }
0x2: {  	s1 =	srdreg.scid  }
0x3: {  	s0 =	sand.u32 $0x1, s1  }
0x4: {  	s18 =	sshll.u32 s0, $0xA;
	s2 =	sadd.s32 s3, s2  }
0x5: {  	s2 =	sadd.s32 s2, s18  }
0x6: {  	[smem:$0x3FC6] =	sst s2  }
0x7: {  	_ = 	snop  }
0x8: {  	s2 =	sld [smem:$0x3FD0];
	(tm) =	ssettm $0x1  }
0x9: {  	s19 =	sld [smem:$0x3FFB];
	_ =	sdelay $0x3  }
0xa: {  	_ =	strace s19  }
0xb: {  	s3 =	sld [smem:$0x3FFC];
	_ =	sdelay $0x3  }
0xc: {  	_ =	strace s3  }
0xd: {  	s3 =	sld [smem:$0x3FFD];
	_ =	sdelay $0x3  }
0xe: {  	_ =	strace s3  }
0xf: {  	_ =	strace $0x8FFFFFFF  }
0x10: {  	s20 =	sld [smem:$0x3FDB];
	_ =	sdelay $0x1  }
0x11: {  	s4 =	simm.s32 $_scs_section_size  }
0x12: {  	s5 =	simm.s32 $_size__tile_overlayer_lowered;
	s6 =	simm.s32 $_tile_overlayer_lowered  }
0x13: {  	s23 =	simm.s32 $0x1BFF;
	s22 =	sshll.u32 s6, $0x1;
	s3 =	sadd.s32 s4, s20  }
0x14: {  	s7 =	simm.s32 $0x0;
	s21 =	sshll.u32 s5, $0x1;
	s5 =	sadd.s32 s22, s3  }
0x15: {  	[timem:s7], [sflag:s23] =	dma.local [hbm:s5], s21  }
0x16: {  	_ =	swait.ge [sflag:s23], s21  }
0x17: {  	s4 =	ssub.s32 $0x0, s21;
	[sflag:s23] =	ssyncset.done $0x0  }
0x18: {  	[sflag:s23] =	ssyncadd.s32 s4;
	_ =	sdelay $0x1  }
0x19: {  	s24 =	simm.s32 $0x1B8B  }
0x1a: {  	_ =	swait.ge [sflag:s24], $0x1  }
0x1b: {  	[sflag:s24] =	ssyncset.done $0x0  }
0x1c: {  	s26 =	simm.s32 $0x1B8E;
	s25 =	sld [smem:$0x3FFE];
	[sflag:s24] =	ssyncadd.s32 $0xFFFFFFFF  }
0x1d: {  	s27 =	simm.s32 $execute0_lowered;
	[smem:$0x3FD2] =	sst s26  }
0x1e: {  	s5 =	sshll.u32 s27, $0x1;
	_ =	strace $0x80000049;
	[dreg:$0x1] =	wrdreg $0xFFFFFFFF  }
0x1f: {  	s28 =	simm.s32 $_size_execute0_lowered;
	s3 =	sadd.s32 s3, s5;
	[dreg:$0x0] =	wrdreg $0x0  }
0x20: {  	s5 =	sshll.u32 s28, $0x1;
	[dreg:$0x2] =	wrdreg s3  }
0x21: {  	[dreg:$0x3] =	wrdreg s5  }
0x22: {  	[dreg:$0x4] =	wrdreg $0xC0  }
0x23: {  	_ =	task [dreg:s7], $0x5FFFF  }
0x24: {  	[dreg:$0x1] =	wrdreg $0xFFFFFFFF  }
0x25: {  	[dreg:$0x0] =	wrdreg $0x60  }
0x26: {  	[dreg:$0x2] =	wrdreg s25  }
0x27: {  	[dreg:$0x3] =	wrdreg s2  }
0x28: {  	[dreg:$0x4] =	wrdreg $0x9  }
0x29: {  	_ =	task.clear_ibuf [dreg:s7], $0x5FFFF;
	_ =	strace $0x90000049  }
0x2a: {  	s29 =	simm.s32 $0x9;
	_ =	strace $0x8000004B  }
0x2b: {  	_ =	swait.ge [sflag:s29], $0x1  }
0x2c: {  	[sflag:s29] =	ssyncadd.s32 $0xFFFFFFFF  }
0x2d: {  	_ =	strace $0x9000004B  }
0x2e: {  	_ =	sfence  }
0x2f: {  	s30 =	sld [smem:$0x0];
	_ =	sdelay $0x2  }
0x30: {  	s31 =	sshll.u32 s1, $0xD;
	s1 =	sshrl.u32 s1, $0x2  }
0x31: {  	s3 =	sand.u32 $0x4000, s31;
	s1 =	sadd.s32 s1, s30  }
0x32: {  	s0 =	sor.u32 s3, s0;
	s1 =	sshll.u32 s1, $0x11  }
0x33: {  	s0 =	sor.u32 s1, s0  }
0x34: {  	s0 =	sadd.s32 $0x8F2B, s0  }
0x35: {  	[sflag:s0] =	ssyncadd.remote.s32 $0x1  }
0x36: {  	_ =	sfence.sel $0xFFFF  }
0x37: {  	[dreg:$0x0] =	wrdreg $0xFFFFFFFF;
	(pc) =	sbr.abs _section_cstart, $3  }
0x38: {  	[dreg:$0x1] =	wrdreg $0xFFFFFFFF  }
0x39: {  	_ =	task.clear_ibuf [dreg:s7], $0x2FFFF;
	_ =	strace $0x9FFFFFFF  }
0x3a: {  	(tm) =	ssettm $0x7FFFFFFF  }
0x3b: {  	_ =	shalt  }
tec
execute0_lowered:
.L_overlay_start_1:
0x0: {  	(tag) =	ssettag $0x1  }
0x1: {  	s0 =	srdreg.scid  }
0x2: {  	s1 =	sshll.u32 s0, $0x4  }
0x3: {  	s0 =	stileid.u32;
	s1 =	sand.u32 $0x10, s1  }
0x4: {  	s1 =	sor.u32 s0, s1  }
0x5: {  	s6 =	rddreg [dreg:$0x0];
	s4 =	simm.s32 $0x1;
	s2 =	sshll.u32 s1, $0x7  }
0x6: {  	s7 =	simm.s32 $0x2;
	s12 =	simm.s32 $0x0;
	s1 =	ssub.s32 $0x1000, s2  }
0x7: {  	s8 =	simm.s32 $0x8000;
	s13 =	simm.s32 $0x0;
	s3 =	sand.u32 $0xF80, s1  }
0x8: {  	s9 =	simm.s32 $0x0;
	s5 =	sshrl.u32 s1, $0xC;
	p0 =	sne.s32 s3, $0x0  }
.Ltmp0:
0x9: {  	s1 =	rddreg [dreg:$0x2];
	s4 =	simm.s32 @!p0 $0x0;
	(pc) =	sbr.rel .LBB1_1-.Ltmp0, $4  }
0xa: {  	s11 =	simm.s32 $0x0;
	s3 =	rddreg [dreg:$0x1];
	s5 =	sadd.s32 s4, s5  }
0xb: {  	_ =	strace $0x8000004A;
	s4 =	simm.s32 $0x1;
	s5 =	smul.u32 $0xC8, s5  }
0xc: {  	s6 =	sadd.s32 $0x800800, s6;
	s10 =	smov.u32 s2;
	[sflag:s4] =	ssyncpa.u1 $0x0  }
0xd: {  	p0 =	por $0x0, $0x0;
	[sflag:s7] =	ssyncpa.u1 $0x0;
	s7 =	sor.u32 $0x1, s5  }
.LBB1_4:
0xe: {  	s16 =	sshll.u32 s13, $0x3;
	s17 =	sand.u32 $0x78, s13  }
0xf: {  	s30 =	sand.u32 $0x7E00, s13;
	s12 =	sshll.u32 s12, $0xF;
	s16 =	sand.u32 $0xC00, s16  }
0x10: {  	[tilespmem:s15+$0x810 ss:$0x81] =	vst.msk $0xffff, v2;
	s31 =	sand.u32 $0x7, s13;
	s16 =	sor.u32 s17, s16;
	s17 =	sadd.s32 s3, s30  }
0x11: {  	[tilespmem:s15+$0x1020 ss:$0x81] =	vst.msk $0xffff, v0;
	s13 =	sshll.u32 s31, $0x12;
	s12 =	sadd.s32 s12, s17;
	s16 =	sshrl.u32 s16, $0x3  }
0x12: {  	[tilespmem:s15+$0x0 ss:$0x81] =	vst.msk $0xffff, v1;
	s13 =	sor.u32 $0x400, s13;
	s12 =	sadd.s32 s16, s12  }
0x13: {  	[hbm4b:s12+s13] =	stream.strided.scatter [tilespmem:s14], [sflag:$0x2], $0x2000, s8, s13, $0x20;
	[tilespmem:$0x8080] =	vst v63  }
.LBB1_5:
0x14: {  	s14 =	sadd.s32 $0x1, s9  }
0x15: {  	s12 =	sadd.s32 $0x1000, s10;
	s16 =	smov.u32 s10;
	p2 =	sgt.s32 s14, $0xC7  }
0x16: {  	s16 =	smov.u32 @p2 s12  }
0x17: {  	s14 =	simm.s32 @p2 $0x0;
	p2 =	sgt.s32 s16, $0xFFF  }
0x18: {  	s16 =	smov.u32 @p2 s2;
	p2 =	sne.s32 s11, s7  }
.Ltmp1:
0x19: {  	p1 =	slt.u32 s11, $0x2;
	(pc) =	sbr.rel @!p2 .LBB1_6-.Ltmp1, $4  }
0x1a: {  	s15 =	simm.s32 @!p1 $0x2  }
0x1b: {  	s13 =	smov.u32 s10;
	p0 =	por !p0, !p0;
	_ =	swait.ge @!p1 [sflag:s15], $0x2000  }
0x1c: {  	s12 =	smov.u32 s9;
	[sflag:s15] =	ssyncset.done @!p1 $0x0;
	s9 =	smov.u32 s14  }
0x1d: {  	s11 =	sadd.s32 $0x1, s11;
	[sflag:s15] =	ssyncadd.s32 @!p1 $0xFFFFE000;
	s10 =	smov.u32 s16  }
.LBB1_1:
0x1e: {  	p1 =	sge.u32 s11, s5  }
0x1f: {  	s14 =	sand.u32 @!p1 $0x1FFFFFF, s9  }
0x20: {  	s15 =	smulhi.u32 @!p1 $0x147AE15, s14;
	_ =	sdelay $0x1  }
0x21: {  	s15 =	smul.u32 @!p1 $0xC8, s15  }
0x22: {  	s16 =	sxor.u32 @!p1 $0xFFFFFFFF, s11;
	s17 =	smul.u32 @!p1 $0xC80, s10  }
0x23: {  	s31 =	sadd.s32 $0xFFFFFFFF, s11;
	s16 =	sshll.u32 @!p1 s16, $0xD;
	s14 =	ssub.s32 @!p1 s14, s15  }
0x24: {  	s15 =	sand.u32 @!p1 $0x2000, s16;
	s16 =	sadd.s32 @!p1 s6, s17;
	s14 =	sshll.u32 @!p1 s14, $0x4  }
0x25: {  	s17 =	simm.s32 @!p1 $0x6400;
	s14 =	sadd.s32 @!p1 s14, s16;
	s16 =	simm.s32 @!p1 $0x40  }
0x26: {  	[tilespmem:s15], [sflag:$0x1] =	stream.strided.gather @!p1 [hbm4b:s14+s16], $0x2000, s17, s16, $0x38;
	[tilespmem:$0x8080] =	vst v63  }
0x27: {  	p1 =	sge.u32 s31, s5  }
.Ltmp2:
0x28: {  	_ = 	snop;
	(pc) =	sbr.rel @p1 .LBB1_5-.Ltmp2, $1  }
0x29: {  	_ =	sdelay $0x3  }
0x2a: {  	s14 =	simm.s32 $0x1  }
0x2b: {  	_ =	swait.ge [sflag:s4], $0x2000;
	s14 =	simm.s32 @!p0 $0x0  }
0x2c: {  	[sflag:s4] =	ssyncset.done $0x0;
	s15 =	sshll.u32 s14, $0xD  }
0x2d: {  	[sflag:s4] =	ssyncadd.s32 $0xFFFFE000;
	s18 =	sor.u32 $0x20, s15  }
0x2e: {  	s14 =	smul.u32 $0x8100, s14;
	v3 =	vld [tilespmem:s18+$0x10]  }
0x2f: {  	s30 =	sand.u32 $0x1, s11;
	v2 =	vld [tilespmem:s18+$0xFFFFFFF0]  }
0x30: {  	s15 =	smul.u32 $0x8100, s30;
	s14 =	sshrl.u32 s14, $0x2;
	v0 =	vld [tilespmem:s18+$0x0]  }
0x31: {  	v1 =	vld [tilespmem:s18+$0xFFFFFFE0];
	s16 =	sor.u32 $0x4000, s14  }
0x32: {  	s31 =	sshrl.u32 s15, $0x2;
	s15 =	sadd.s32 $0x0, s16  }
0x33: {  	s17 =	simm.s32 $0x4;
	s18 =	sadd.s32 $0x40, s18;
	s14 =	sor.u32 $0x4000, s31;
	[tilespmem:s15+$0x1830 ss:$0x81] =	vst.msk $0xffff, v3  }
.LBB1_3:
0x34: {  	v3 =	vld [tilespmem:s18+$0x10];
	p1 =	sne.s32 s17, $0x1FC;
	[tilespmem:s15+$0x810 ss:$0x81] =	vst.msk $0xffff, v2;
	s19 =	smov.u32 s17;
	s17 =	sadd.s32 $0x4, s17  }
.Ltmp3:
0x35: {  	v2 =	vld [tilespmem:s18+$0xFFFFFFF0];
	[tilespmem:s15+$0x1020 ss:$0x81] =	vst.msk $0xffff, v0;
	(pc) =	sbr.rel @p1 .LBB1_3-.Ltmp3, $4  }
0x36: {  	v0 =	vld [tilespmem:s18+$0x0];
	[tilespmem:s15+$0x0 ss:$0x81] =	vst.msk $0xffff, v1  }
0x37: {  	s15 =	sshra.s32 s19, $0x2;
	v1 =	vld [tilespmem:s18+$0xFFFFFFE0]  }
0x38: {  	s15 =	sadd.s32 s15, s16  }
0x39: {  	s18 =	sadd.s32 $0x40, s18;
	[tilespmem:s15+$0x1830 ss:$0x81] =	vst.msk $0xffff, v3  }
.Ltmp4:
0x3a: {  	_ = 	snop;
	(pc) =	sbr.rel .LBB1_4-.Ltmp4, $1  }
0x3b: {  	_ =	sdelay $0x3  }
.LBB1_6:
0x3c: {  	_ =	sfence.sel $0x180000  }
0x3d: {  	s2 =	simm.s32 $0x1;
	[bflag:$0x0] =	sbarrier.arrive $0xFFFF  }
0x3e: {  	s31 =	simm.s32 $0x2;
	[sflag:s2] =	ssyncpa.u1 $0x1  }
0x3f: {  	[sflag:s31] =	ssyncpa.u1 $0x1  }
0x40: {  	p0 =	sne.s32 s0, $0x0;
	_ =	strace $0x9000004A  }
0x41: {  	s0 =	sadd.s32 @!p0 $0x100000, s1;
	[bflag:$0x2] =	sbarrier.arrive $0xFFFF  }
0x42: {  	[sflag:s0] =	ssyncadd.tile.s32 @!p0 $0x1;
	_ =	shalt  }
.Lfunc_end1:
_tile_overlayer_lowered:
.L_overlay_start_2:
0x43: {  	(tag) =	ssettag $0x2  }
0x44: {  	s0 =	rddreg [dreg:$0x0];
	s2 =	stileid.u32  }
0x45: {  	s1 =	rddreg [dreg:$0x1];
	p0 =	sne.s32 s2, $0x0  }
0x46: {  	s3 =	rddreg [dreg:$0x2];
	[bflag:$0x3] =	sbarrier.arrive $0xFFFF;
	s2 =	simm.s32 @!p0 $0x1C01  }
0x47: {  	[timem:s3], [sflag:s2] =	dma.local @!p0 [hbm:s0], s1  }
0x48: {  	s0 =	simm.s32 @!p0 $0x1  }
0x49: {  	_ =	swait.ge @!p0 [sflag:s0], s1  }
0x4a: {  	s1 =	ssub.s32 @!p0 $0x0, s1;
	[sflag:s0] =	ssyncset.done @!p0 $0x0  }
0x4b: {  	[sflag:s0] =	ssyncadd.s32 @!p0 s1  }
0x4c: {  	[bflag:$0x3] =	sbarrier.arrive $0xFFFF  }
0x4d: {  	_ =	shalt  }

</sc_bundles>
